<compile_context>
chip_gen: v7x
topology: tpu7x:2x2x1
jax: 0.10.2.dev20260603
libtpu: 0.0.44.dev20260713+nightly
codegen_flags: <defaults>
</compile_context>

<pallas_src>
import functools

import jax
import jax.numpy as jnp
from jax import lax
from jax.experimental import pallas as pl
from jax.experimental.pallas import tpu as pltpu
from jax.experimental.pallas import tpu_sc as plsc

N = 10000
E = 320000
D = 128
NW = 32
EPT = E // NW
CHUNK = 125
NCHUNK = EPT // CHUNK
SCH = 80
SNCH = EPT // SCH
NP = 10240
RPT = NP // 16

_mesh = plsc.VectorSubcoreMesh(core_axis_name="c", subcore_axis_name="s")


DEGW = D

@functools.partial(
    pl.kernel,
    out_type=jax.ShapeDtypeStruct((2, NP, DEGW), jnp.float32),
    mesh=_mesh,
    scratch_types=[
        pltpu.VMEM((CHUNK,), jnp.int32),
        pltpu.VMEM((CHUNK,), jnp.int32),
        pltpu.VMEM((CHUNK, D), jnp.float32),
        pltpu.VMEM_SHARED((NP, D), jnp.float32),
        pltpu.SemaphoreType.DMA,
        pltpu.SemaphoreType.DMA,
    ],
)
def _deg_kernel(src_hbm, ones_hbm, zeros_hbm, out_hbm,
                idx0, idx1, ones_v, dacc, si0, si1):
    c = lax.axis_index("c").astype(jnp.int32)
    s = lax.axis_index("s").astype(jnp.int32)
    wid = s * jnp.int32(2) + c
    r0 = s * jnp.int32(RPT)
    pltpu.sync_copy(ones_hbm, ones_v)
    pltpu.sync_copy(zeros_hbm.at[pl.ds(r0, RPT)], dacc.at[pl.ds(r0, RPT)])
    plsc.subcore_barrier()

    pltpu.async_copy(src_hbm.at[wid, jnp.int32(0)], idx0, si0)

    def body(jj, carry):
        j0 = jnp.int32(2) * jj
        j1 = j0 + jnp.int32(1)
        pltpu.make_async_copy(src_hbm.at[wid, j0], idx0, si0).wait()
        pltpu.async_copy(src_hbm.at[wid, j1], idx1, si1)
        pltpu.sync_copy(ones_v, dacc.at[idx0], add=True)
        pltpu.make_async_copy(src_hbm.at[wid, j1], idx1, si1).wait()

        @pl.when(jj < jnp.int32(NCHUNK // 2 - 1))
        def _():
            pltpu.async_copy(src_hbm.at[wid, j0 + jnp.int32(2)], idx0, si0)

        pltpu.sync_copy(ones_v, dacc.at[idx1], add=True)
        return carry

    lax.fori_loop(jnp.int32(0), jnp.int32(NCHUNK // 2), body, jnp.int32(0))
    plsc.subcore_barrier()
    pltpu.sync_copy(dacc.at[pl.ds(r0, RPT)], out_hbm.at[c, pl.ds(r0, RPT)])


_NBUF = 4

@functools.partial(
    pl.kernel,
    out_type=jax.ShapeDtypeStruct((2, NP, D), jnp.float32),
    mesh=_mesh,
    scratch_types=(
        [pltpu.VMEM((SCH,), jnp.int32)] * _NBUF
        + [pltpu.VMEM((SCH,), jnp.int32)] * _NBUF
        + [pltpu.VMEM((SCH, D), jnp.float32)] * _NBUF
        + [pltpu.VMEM_SHARED((NP, D), jnp.float32)]
        + [pltpu.SemaphoreType.DMA] * (3 * _NBUF)
    ),
)
def _scatter_kernel(u_hbm, src_hbm, dst_hbm, zeros_hbm, out_hbm, *scr):
    sidx = scr[0:_NBUF]
    didx = scr[_NBUF:2 * _NBUF]
    rows = scr[2 * _NBUF:3 * _NBUF]
    acc = scr[3 * _NBUF]
    ss = scr[3 * _NBUF + 1:4 * _NBUF + 1]
    sd = scr[4 * _NBUF + 1:5 * _NBUF + 1]
    sg = scr[5 * _NBUF + 1:6 * _NBUF + 1]
    c = lax.axis_index("c").astype(jnp.int32)
    s = lax.axis_index("s").astype(jnp.int32)
    wid = s * jnp.int32(2) + c
    e0 = wid * jnp.int32(EPT)
    r0 = s * jnp.int32(RPT)
    pltpu.sync_copy(zeros_hbm.at[pl.ds(r0, RPT)], acc.at[pl.ds(r0, RPT)])
    plsc.subcore_barrier()

    for b in range(_NBUF):
        pltpu.async_copy(src_hbm.at[pl.ds(e0 + jnp.int32(b * SCH), SCH)],
                         sidx[b], ss[b])
        pltpu.async_copy(dst_hbm.at[pl.ds(e0 + jnp.int32(b * SCH), SCH)],
                         didx[b], sd[b])
    for b in range(2):
        pltpu.make_async_copy(src_hbm.at[pl.ds(e0 + jnp.int32(b * SCH), SCH)],
                              sidx[b], ss[b]).wait()
        pltpu.async_copy(u_hbm.at[sidx[b]], rows[b], sg[b])

    def body(ii, carry):
        base = jnp.int32(_NBUF) * ii
        for b in range(_NBUF):
            j = base + jnp.int32(b)
            b2 = (b + 2) % _NBUF
            pltpu.make_async_copy(u_hbm.at[sidx[b]], rows[b], sg[b]).wait()
            pltpu.make_async_copy(dst_hbm.at[pl.ds(e0 + j * jnp.int32(SCH), SCH)],
                                  didx[b], sd[b]).wait()
            pltpu.sync_copy(rows[b], acc.at[didx[b]], add=True)

            @pl.when(j + jnp.int32(_NBUF) < jnp.int32(SNCH))
            def _(j=j, b=b):
                off = (j + jnp.int32(_NBUF)) * jnp.int32(SCH)
                pltpu.async_copy(src_hbm.at[pl.ds(e0 + off, SCH)],
                                 sidx[b], ss[b])
                pltpu.async_copy(dst_hbm.at[pl.ds(e0 + off, SCH)],
                                 didx[b], sd[b])

            @pl.when(j + jnp.int32(2) < jnp.int32(SNCH))
            def _(j=j, b2=b2):
                off2 = (j + jnp.int32(2)) * jnp.int32(SCH)
                pltpu.make_async_copy(src_hbm.at[pl.ds(e0 + off2, SCH)],
                                      sidx[b2], ss[b2]).wait()
                pltpu.async_copy(u_hbm.at[sidx[b2]], rows[b2], sg[b2])

        return carry

    lax.fori_loop(jnp.int32(0), jnp.int32(SNCH // _NBUF), body, jnp.int32(0))
    jt = jnp.int32(SNCH - 1)
    pltpu.make_async_copy(u_hbm.at[sidx[0]], rows[0], sg[0]).wait()
    pltpu.make_async_copy(dst_hbm.at[pl.ds(e0 + jt * jnp.int32(SCH), SCH)],
                          didx[0], sd[0]).wait()
    pltpu.sync_copy(rows[0], acc.at[didx[0]], add=True)
    plsc.subcore_barrier()
    pltpu.sync_copy(acc.at[pl.ds(r0, RPT)], out_hbm.at[c, pl.ds(r0, RPT)])


def _dinv_from_parts(degp):
    deg = degp[0, :, 0] + degp[1, :, 0]
    return jnp.where(deg > 0.0, lax.rsqrt(jnp.maximum(deg, 1.0)), 0.0)


_RB = 1000


def _embed_body(x_ref, w_ref, b_ref, h_ref):
    h_ref[...] = jnp.dot(x_ref[...], w_ref[...],
                         preferred_element_type=jnp.float32) + b_ref[...]


def _scale_body(h_ref, degp_ref, u_ref):
    dinv = _dinv_from_parts(degp_ref[...])
    u_ref[...] = dinv[:, None] * h_ref[...]


def _layer_body(h_ref, p_ref, degp_ref, w0_ref, w1_ref, b_ref, hn_ref, un_ref):
    dinv = _dinv_from_parts(degp_ref[...])
    tx = (-dinv[:, None]) * (p_ref[0] + p_ref[1])
    hn = jnp.dot(h_ref[...], w0_ref[...], preferred_element_type=jnp.float32)
    hn = hn + jnp.dot(tx, w1_ref[...], preferred_element_type=jnp.float32)
    hn = jnp.maximum(hn + b_ref[...], 0.0)
    hn_ref[...] = hn
    un_ref[...] = dinv[:, None] * hn


def _final_body(h_ref, p_ref, degp_ref, w0_ref, w1_ref, b_ref,
                mw1_ref, mb1_ref, mw2_ref, mb2_ref, o_ref, cs_ref):
    i = pl.program_id(0)
    dinv = _dinv_from_parts(degp_ref[...])
    tx = (-dinv[:, None]) * (p_ref[0] + p_ref[1])
    hn = jnp.dot(h_ref[...], w0_ref[...], preferred_element_type=jnp.float32)
    hn = hn + jnp.dot(tx, w1_ref[...], preferred_element_type=jnp.float32)
    hn = jnp.maximum(hn + b_ref[...], 0.0)

    @pl.when(i == 0)
    def _():
        cs_ref[...] = jnp.zeros_like(cs_ref)

    cs_ref[...] += jnp.sum(hn, axis=0, keepdims=True)

    @pl.when(i == _GRID - 1)
    def _():
        mean = cs_ref[...] * jnp.float32(1.0 / N)
        m = jnp.maximum(
            jnp.dot(mean, mw1_ref[...], preferred_element_type=jnp.float32)
            + mb1_ref[...], 0.0)
        o_ref[...] = (jnp.dot(m, mw2_ref[...],
                              preferred_element_type=jnp.float32)
                      + mb2_ref[...])


def _i32(t):
    return tuple(jnp.int32(v) for v in t)


def _row_blocked(shape):
    return pl.BlockSpec(
        shape, lambda i: _i32((0,) * (len(shape) - 2)) + (jnp.int32(i), jnp.int32(0)))


def _full(shape):
    return pl.BlockSpec(shape, lambda i: _i32((0,) * len(shape)))


_GRID = N // _RB

_embed_call = pl.pallas_call(
    _embed_body,
    grid=(_GRID,),
    in_specs=[
        _row_blocked((_RB, D)),
        _full((D, D)),
        _full((1, D)),
    ],
    out_specs=_row_blocked((_RB, D)),
    out_shape=jax.ShapeDtypeStruct((N, D), jnp.float32),
)

_scale_call = pl.pallas_call(
    _scale_body,
    grid=(_GRID,),
    in_specs=[
        _row_blocked((_RB, D)),
        _row_blocked((2, _RB, DEGW)),
    ],
    out_specs=_row_blocked((_RB, D)),
    out_shape=jax.ShapeDtypeStruct((N, D), jnp.float32),
)

_layer_call = pl.pallas_call(
    _layer_body,
    grid=(_GRID,),
    in_specs=[
        _row_blocked((_RB, D)),
        _row_blocked((2, _RB, D)),
        _row_blocked((2, _RB, DEGW)),
        _full((D, D)),
        _full((D, D)),
        _full((1, D)),
    ],
    out_specs=[_row_blocked((_RB, D)), _row_blocked((_RB, D))],
    out_shape=[jax.ShapeDtypeStruct((N, D), jnp.float32)] * 2,
)

_final_call = pl.pallas_call(
    _final_body,
    grid=(_GRID,),
    in_specs=[
        _row_blocked((_RB, D)),
        _row_blocked((2, _RB, D)),
        _row_blocked((2, _RB, DEGW)),
        _full((D, D)),
        _full((D, D)),
        _full((1, D)),
        _full((D, 64)),
        _full((1, 64)),
        _full((64, 32)),
        _full((1, 32)),
    ],
    out_specs=_full((1, 32)),
    out_shape=jax.ShapeDtypeStruct((1, 32), jnp.float32),
    scratch_shapes=[pltpu.VMEM((1, D), jnp.float32)],
)


def kernel(x, edge_index, embed_W, embed_b, c0_W0, c0_W1, c0_b,
           c1_W0, c1_W1, c1_b, mlp_W1, mlp_b1, mlp_W2, mlp_b2):
    xm = x.reshape(N, D).astype(jnp.float32)
    ei = edge_index.astype(jnp.int32)
    f32 = jnp.float32
    embed_W = embed_W.astype(f32)
    c0_W0 = c0_W0.astype(f32)
    c0_W1 = c0_W1.astype(f32)
    c1_W0 = c1_W0.astype(f32)
    c1_W1 = c1_W1.astype(f32)
    mlp_W1 = mlp_W1.astype(f32)
    mlp_W2 = mlp_W2.astype(f32)
    src3 = ei[0].reshape(NW, NCHUNK, CHUNK)
    src4 = ei[0].reshape(E)
    dst4 = ei[1].reshape(E)
    ones_rows = jnp.ones((CHUNK, D), jnp.float32)
    zbig = jnp.zeros((NP, D), jnp.float32)
    b_e = embed_b.reshape(1, D).astype(jnp.float32)
    b0 = c0_b.reshape(1, D).astype(jnp.float32)
    b1 = c1_b.reshape(1, D).astype(jnp.float32)
    mb1 = mlp_b1.reshape(1, 64).astype(jnp.float32)
    mb2 = mlp_b2.reshape(1, 32).astype(jnp.float32)

    degp = _deg_kernel(src3, ones_rows, zbig)
    h0 = _embed_call(xm, embed_W, b_e)
    u0 = _scale_call(h0, degp)
    p0 = _scatter_kernel(u0, src4, dst4, zbig)
    h1, u1 = _layer_call(h0, p0, degp, c0_W0, c0_W1, b0)
    p1 = _scatter_kernel(u1, src4, dst4, zbig)
    out1 = _final_call(h1, p1, degp, c1_W0, c1_W1, b1,
                       mlp_W1, mb1, mlp_W2, mb2).astype(jnp.float64)
    return jnp.broadcast_to(out1[:, None, None, :], (1, 1, N, 32))

# --- scband reference (transcript-rebuilt; emitter-appended) ---
"""Pipeline reference for scband-gcnmlp-15960098472302 (READ-ONLY COPY).

The authoritative reference and input builder live on the scoring server;
editing this copy changes nothing except your own understanding.
"""

import jax, jax.numpy as jnp
import numpy as np

jax.config.update("jax_enable_x64", True)

B = 1
N_NODES = 10000
N_EDGES = 320000
D_FEAT = 128
EMB = 128
HID = 64
PRED = 32


def setup_inputs(seed: int = 0) -> dict:
    key = jax.random.key(seed)
    ks = jax.random.split(key, 16)
    x = jax.random.normal(ks[0], (B, N_NODES, D_FEAT), dtype=jnp.float32)
    edge_index = jax.random.randint(ks[1], (2, N_EDGES), 0, B * N_NODES, dtype=jnp.int64)
    s_d = 1.0 / np.sqrt(D_FEAT)
    s_e = 1.0 / np.sqrt(EMB)
    s_h = 1.0 / np.sqrt(HID)
    return {
        "x": x,
        "edge_index": edge_index,
        "embed_W": jax.random.normal(ks[2], (D_FEAT, EMB), dtype=jnp.float32) * s_d,
        "embed_b": jnp.zeros((EMB,), jnp.float32),
        "c0_W0": jax.random.normal(ks[3], (EMB, EMB), dtype=jnp.float32) * s_e,
        "c0_W1": jax.random.normal(ks[4], (EMB, EMB), dtype=jnp.float32) * s_e,
        "c0_b": jnp.zeros((EMB,), jnp.float32),
        "c1_W0": jax.random.normal(ks[5], (EMB, EMB), dtype=jnp.float32) * s_e,
        "c1_W1": jax.random.normal(ks[6], (EMB, EMB), dtype=jnp.float32) * s_e,
        "c1_b": jnp.zeros((EMB,), jnp.float32),
        "mlp_W1": jax.random.normal(ks[7], (EMB, HID), dtype=jnp.float32) * s_e,
        "mlp_b1": jnp.zeros((HID,), jnp.float32),
        "mlp_W2": jax.random.normal(ks[8], (HID, PRED), dtype=jnp.float32) * s_h,
        "mlp_b2": jnp.zeros((PRED,), jnp.float32),
    }


def _cheb_conv(h, src, dst, W0, W1, b, n):
    # PyG ChebConv, K=2, normalization='sym', lambda_max=2.0 (default).
    # Tx_0 = h; Tx_1 = L_hat @ h with L_hat = L - I = -D^{-1/2} A D^{-1/2}
    # (diagonal of scaled-L (=1) cancels with the added self-loop weight (-1)).
    deg = jnp.zeros((n,), jnp.float32).at[src].add(1.0)
    dinv = jnp.where(deg > 0, 1.0 / jnp.sqrt(jnp.where(deg > 0, deg, 1.0)), 0.0)
    norm = -(dinv[src] * dinv[dst])
    tx1 = jnp.zeros_like(h).at[dst].add(norm[:, None] * h[src])
    return h @ W0 + tx1 @ W1 + b


def reference(x, edge_index, embed_W, embed_b, c0_W0, c0_W1, c0_b, c1_W0, c1_W1, c1_b, mlp_W1, mlp_b1, mlp_W2, mlp_b2):
    Bx, E, D = x.shape
    h = x @ embed_W + embed_b
    h = h.reshape(Bx * E, -1)
    n = Bx * E
    src = edge_index[0]
    dst = edge_index[1]
    h = jax.nn.relu(_cheb_conv(h, src, dst, c0_W0, c0_W1, c0_b, n))  # dropout in eval mode: identity
    h = jax.nn.relu(_cheb_conv(h, src, dst, c1_W0, c1_W1, c1_b, n))
    h = h.reshape(Bx, E, -1).mean(axis=1)
    m = jax.nn.relu(h @ mlp_W1 + mlp_b1)
    out1 = m @ mlp_W2 + mlp_b2
    # n_pred = 1: unsqueeze+repeat then expand over nodes
    out = jnp.broadcast_to(out1[:, None, None, :], (Bx, 1, E, out1.shape[-1]))
    return out

if __name__ == "__main__":
    import jax
    _d = setup_inputs()
    print(jax.jit(kernel)(*tuple(_d.values())))

</pallas_src>

<mosaic_0001>
#map = affine_map<(d0, d1) -> (0, 0, 0)>
#map1 = affine_map<(d0, d1) -> (0, 0)>
module attributes {stable_mosaic.version = 14 : i64} {
  func.func @_deg_kernel(%arg0: i32, %arg1: i32, %arg2: memref<32x80x125xi32, #tpu.memory_space<hbm>>, %arg3: memref<125x128xf32, #tpu.memory_space<hbm>>, %arg4: memref<10240x128xf32, #tpu.memory_space<hbm>>, %arg5: memref<2x10240x128xf32, #tpu.memory_space<hbm>>, %arg6: memref<125xi32, #tpu.memory_space<vmem>>, %arg7: memref<125xi32, #tpu.memory_space<vmem>>, %arg8: memref<125x128xf32, #tpu.memory_space<vmem>>, %arg9: memref<10240x128xf32, #tpu.memory_space<vmem_shared>>, %arg10: memref<!tpu.dma_semaphore, #tpu.memory_space<semaphore_mem>>, %arg11: memref<!tpu.dma_semaphore, #tpu.memory_space<semaphore_mem>>) attributes {dimension_semantics = [#tpu.dimension_semantics<core_parallel>, #tpu.dimension_semantics<subcore_parallel>], iteration_bounds = array<i64: 2, 16>, scalar_prefetch = 0 : i64, scratch_operands = 6 : i64, tpu.core_type = #tpu.core_type<sc_vector_subcore>, window_params = [{transform_indices = #map}, {transform_indices = #map1}, {transform_indices = #map1}, {transform_indices = #map}]} {
    %mul3A = arith.constant 2 : i32
    %mul3A_0 = arith.muli %arg1, %mul3A : i32
    %add3A = arith.addi %mul3A_0, %arg0 : i32
    %mul3A_1 = arith.constant 640 : i32
    %mul3A_2 = arith.muli %arg1, %mul3A_1 : i32
    "tpu.region"() ({
      %run_scoped3A = tpu.sem_alloc : memref<!tpu.dma_semaphore, #tpu.memory_space<semaphore_mem>>
      tpu.enqueue_dma source(%arg3 : memref<125x128xf32, #tpu.memory_space<hbm>>) target(%arg8 : memref<125x128xf32, #tpu.memory_space<vmem>>) target_semaphore(%run_scoped3A : memref<!tpu.dma_semaphore, #tpu.memory_space<semaphore_mem>>)
      tpu.wait_dma2 semaphore(%run_scoped3A : memref<!tpu.dma_semaphore, #tpu.memory_space<semaphore_mem>>) src(%arg3 : memref<125x128xf32, #tpu.memory_space<hbm>>) dst(%arg8 : memref<125x128xf32, #tpu.memory_space<vmem>>)
      tpu.yield
    }) : () -> ()
    "tpu.region"() ({
      %run_scoped3A = tpu.sem_alloc : memref<!tpu.dma_semaphore, #tpu.memory_space<semaphore_mem>>
      %dma_start3A_20 = arith.constant 0 : i32
      %dma_start3A_21 = tpu.memref_slice %arg9[%mul3A_2, %dma_start3A_20] : memref<10240x128xf32, #tpu.memory_space<vmem_shared>> -> memref<640x128xf32, #tpu.memory_space<vmem_shared>>
      %dma_start3A_22 = arith.constant 0 : i32
      %dma_start3A_23 = tpu.memref_slice %arg4[%mul3A_2, %dma_start3A_22] : memref<10240x128xf32, #tpu.memory_space<hbm>> -> memref<640x128xf32, #tpu.memory_space<hbm>>
      tpu.enqueue_dma source(%dma_start3A_23 : memref<640x128xf32, #tpu.memory_space<hbm>>) target(%dma_start3A_21 : memref<640x128xf32, #tpu.memory_space<vmem_shared>>) target_semaphore(%run_scoped3A : memref<!tpu.dma_semaphore, #tpu.memory_space<semaphore_mem>>)
      %dma_wait3A = arith.constant 0 : i32
      %dma_wait3A_24 = tpu.memref_slice %arg9[%mul3A_2, %dma_wait3A] : memref<10240x128xf32, #tpu.memory_space<vmem_shared>> -> memref<640x128xf32, #tpu.memory_space<vmem_shared>>
      %dma_wait3A_25 = arith.constant 0 : i32
      %dma_wait3A_26 = tpu.memref_slice %arg4[%mul3A_2, %dma_wait3A_25] : memref<10240x128xf32, #tpu.memory_space<hbm>> -> memref<640x128xf32, #tpu.memory_space<hbm>>
      tpu.wait_dma2 semaphore(%run_scoped3A : memref<!tpu.dma_semaphore, #tpu.memory_space<semaphore_mem>>) src(%dma_wait3A_26 : memref<640x128xf32, #tpu.memory_space<hbm>>) dst(%dma_wait3A_24 : memref<640x128xf32, #tpu.memory_space<vmem_shared>>)
      tpu.yield
    }) : () -> ()
    %barrier3A = arith.constant 0 : index
    tpu.barrier barrier_id(%barrier3A)
    %dma_start3A = arith.constant 0 : i32
    %dma_start3A_3 = arith.constant 0 : i32
    %dma_start3A_4 = tpu.memref_slice %arg2[%add3A, %dma_start3A, %dma_start3A_3] : memref<32x80x125xi32, #tpu.memory_space<hbm>> -> memref<1x1x125xi32, #tpu.memory_space<hbm>>
    %dma_start3A_5 = tpu.memref_squeeze %dma_start3A_4 : memref<1x1x125xi32, #tpu.memory_space<hbm>> -> memref<125xi32, #tpu.memory_space<hbm>>
    %dma_start3A_6 = arith.constant 0 : i32
    %dma_start3A_7 = tpu.memref_slice %arg2[%add3A, %dma_start3A, %dma_start3A_6] : memref<32x80x125xi32, #tpu.memory_space<hbm>> -> memref<1x1x125xi32, #tpu.memory_space<hbm>>
    %dma_start3A_8 = tpu.memref_squeeze %dma_start3A_7 : memref<1x1x125xi32, #tpu.memory_space<hbm>> -> memref<125xi32, #tpu.memory_space<hbm>>
    tpu.enqueue_dma source(%dma_start3A_8 : memref<125xi32, #tpu.memory_space<hbm>>) target(%arg6 : memref<125xi32, #tpu.memory_space<vmem>>) target_semaphore(%arg10 : memref<!tpu.dma_semaphore, #tpu.memory_space<semaphore_mem>>)
    %while3A = arith.constant 0 : i32
    %while3A_9 = arith.constant 0 : i32
    %while3A_10 = arith.constant 40 : i32
    %while3A_11 = arith.subi %while3A_10, %while3A_9 : i32
    %while3A_12 = arith.addi %while3A_9, %while3A_11 : i32
    %while3A_13 = arith.constant 1 : i32
    %while3A_14 = arith.divsi %while3A_11, %while3A_13 : i32
    %while3A_15 = arith.muli %while3A_14, %while3A_13 : i32
    %while3A_16 = arith.addi %while3A_9, %while3A_15 : i32
    %while3A_17 = arith.constant 1 : i32
    scf.for %while3A_20 = %while3A_9 to %while3A_16 step %while3A_17  : i32 {
      %mul3A_21 = arith.constant 2 : i32
      %mul3A_22 = arith.muli %mul3A_21, %while3A_20 : i32
      %add3A_23 = arith.constant 1 : i32
      %add3A_24 = arith.addi %mul3A_22, %add3A_23 : i32
      %dma_wait3A = arith.constant 0 : i32
      %dma_wait3A_25 = tpu.memref_slice %arg2[%add3A, %mul3A_22, %dma_wait3A] : memref<32x80x125xi32, #tpu.memory_space<hbm>> -> memref<1x1x125xi32, #tpu.memory_space<hbm>>
      %dma_wait3A_26 = tpu.memref_squeeze %dma_wait3A_25 : memref<1x1x125xi32, #tpu.memory_space<hbm>> -> memref<125xi32, #tpu.memory_space<hbm>>
      %dma_wait3A_27 = arith.constant 0 : i32
      %dma_wait3A_28 = tpu.memref_slice %arg2[%add3A, %mul3A_22, %dma_wait3A_27] : memref<32x80x125xi32, #tpu.memory_space<hbm>> -> memref<1x1x125xi32, #tpu.memory_space<hbm>>
      %dma_wait3A_29 = tpu.memref_squeeze %dma_wait3A_28 : memref<1x1x125xi32, #tpu.memory_space<hbm>> -> memref<125xi32, #tpu.memory_space<hbm>>
      tpu.wait_dma2 semaphore(%arg10 : memref<!tpu.dma_semaphore, #tpu.memory_space<semaphore_mem>>) src(%dma_wait3A_29 : memref<125xi32, #tpu.memory_space<hbm>>) dst(%arg6 : memref<125xi32, #tpu.memory_space<vmem>>)
      %dma_start3A_30 = arith.constant 0 : i32
      %dma_start3A_31 = tpu.memref_slice %arg2[%add3A, %add3A_24, %dma_start3A_30] : memref<32x80x125xi32, #tpu.memory_space<hbm>> -> memref<1x1x125xi32, #tpu.memory_space<hbm>>
      %dma_start3A_32 = tpu.memref_squeeze %dma_start3A_31 : memref<1x1x125xi32, #tpu.memory_space<hbm>> -> memref<125xi32, #tpu.memory_space<hbm>>
      %dma_start3A_33 = arith.constant 0 : i32
      %dma_start3A_34 = tpu.memref_slice %arg2[%add3A, %add3A_24, %dma_start3A_33] : memref<32x80x125xi32, #tpu.memory_space<hbm>> -> memref<1x1x125xi32, #tpu.memory_space<hbm>>
      %dma_start3A_35 = tpu.memref_squeeze %dma_start3A_34 : memref<1x1x125xi32, #tpu.memory_space<hbm>> -> memref<125xi32, #tpu.memory_space<hbm>>
      tpu.enqueue_dma source(%dma_start3A_35 : memref<125xi32, #tpu.memory_space<hbm>>) target(%arg7 : memref<125xi32, #tpu.memory_space<vmem>>) target_semaphore(%arg11 : memref<!tpu.dma_semaphore, #tpu.memory_space<semaphore_mem>>)
      "tpu.region"() ({
        %run_scoped3A = tpu.sem_alloc : memref<!tpu.dma_semaphore, #tpu.memory_space<semaphore_mem>>
        %dma_start3A_44 = arith.constant 0 : i32
        %dma_start3A_45 = arith.constant 0 : i32
        %dma_start3A_46 = tpu.memref_slice %arg9[%dma_start3A_44, %dma_start3A_45] : memref<10240x128xf32, #tpu.memory_space<vmem_shared>> -> memref<10240x128xf32, #tpu.memory_space<vmem_shared>>
        tpu.enqueue_indirect_dma source(%arg8 : memref<125x128xf32, #tpu.memory_space<vmem>>) target(%dma_start3A_46 : memref<10240x128xf32, #tpu.memory_space<vmem_shared>>) offsets(%arg6 : memref<125xi32, #tpu.memory_space<vmem>>) semaphore(%run_scoped3A : memref<!tpu.dma_semaphore, #tpu.memory_space<semaphore_mem>>) {add = true}
        %dma_wait3A_47 = arith.constant 0 : i32
        %dma_wait3A_48 = arith.constant 0 : i32
        %dma_wait3A_49 = tpu.memref_slice %arg9[%dma_wait3A_47, %dma_wait3A_48] : memref<10240x128xf32, #tpu.memory_space<vmem_shared>> -> memref<10240x128xf32, #tpu.memory_space<vmem_shared>>
        tpu.wait_indirect_dma semaphore(%run_scoped3A : memref<!tpu.dma_semaphore, #tpu.memory_space<semaphore_mem>>) src(%arg8 : memref<125x128xf32, #tpu.memory_space<vmem>>) dst(%dma_wait3A_49 : memref<10240x128xf32, #tpu.memory_space<vmem_shared>>)
        tpu.yield
      }) : () -> ()
      %dma_wait3A_36 = arith.constant 0 : i32
      %dma_wait3A_37 = tpu.memref_slice %arg2[%add3A, %add3A_24, %dma_wait3A_36] : memref<32x80x125xi32, #tpu.memory_space<hbm>> -> memref<1x1x125xi32, #tpu.memory_space<hbm>>
      %dma_wait3A_38 = tpu.memref_squeeze %dma_wait3A_37 : memref<1x1x125xi32, #tpu.memory_space<hbm>> -> memref<125xi32, #tpu.memory_space<hbm>>
      %dma_wait3A_39 = arith.constant 0 : i32
      %dma_wait3A_40 = tpu.memref_slice %arg2[%add3A, %add3A_24, %dma_wait3A_39] : memref<32x80x125xi32, #tpu.memory_space<hbm>> -> memref<1x1x125xi32, #tpu.memory_space<hbm>>
      %dma_wait3A_41 = tpu.memref_squeeze %dma_wait3A_40 : memref<1x1x125xi32, #tpu.memory_space<hbm>> -> memref<125xi32, #tpu.memory_space<hbm>>
      tpu.wait_dma2 semaphore(%arg11 : memref<!tpu.dma_semaphore, #tpu.memory_space<semaphore_mem>>) src(%dma_wait3A_41 : memref<125xi32, #tpu.memory_space<hbm>>) dst(%arg7 : memref<125xi32, #tpu.memory_space<vmem>>)
      %lt3A = arith.constant 39 : i32
      %lt3A_42 = arith.cmpi slt, %while3A_20, %lt3A : i32
      %convert_element_type3A = arith.extui %lt3A_42 : i1 to i32
      %cond3A = arith.constant 0 : i32
      %cond3A_43 = arith.cmpi ne, %convert_element_type3A, %cond3A : i32
      scf.if %cond3A_43 {
        %add3A_44 = arith.constant 2 : i32
        %add3A_45 = arith.addi %mul3A_22, %add3A_44 : i32
        %dma_start3A_46 = arith.constant 0 : i32
        %dma_start3A_47 = tpu.memref_slice %arg2[%add3A, %add3A_45, %dma_start3A_46] : memref<32x80x125xi32, #tpu.memory_space<hbm>> -> memref<1x1x125xi32, #tpu.memory_space<hbm>>
        %dma_start3A_48 = tpu.memref_squeeze %dma_start3A_47 : memref<1x1x125xi32, #tpu.memory_space<hbm>> -> memref<125xi32, #tpu.memory_space<hbm>>
        %dma_start3A_49 = arith.constant 0 : i32
        %dma_start3A_50 = tpu.memref_slice %arg2[%add3A, %add3A_45, %dma_start3A_49] : memref<32x80x125xi32, #tpu.memory_space<hbm>> -> memref<1x1x125xi32, #tpu.memory_space<hbm>>
        %dma_start3A_51 = tpu.memref_squeeze %dma_start3A_50 : memref<1x1x125xi32, #tpu.memory_space<hbm>> -> memref<125xi32, #tpu.memory_space<hbm>>
        tpu.enqueue_dma source(%dma_start3A_51 : memref<125xi32, #tpu.memory_space<hbm>>) target(%arg6 : memref<125xi32, #tpu.memory_space<vmem>>) target_semaphore(%arg10 : memref<!tpu.dma_semaphore, #tpu.memory_space<semaphore_mem>>)
      } else {
      }
      "tpu.region"() ({
        %run_scoped3A = tpu.sem_alloc : memref<!tpu.dma_semaphore, #tpu.memory_space<semaphore_mem>>
        %dma_start3A_44 = arith.constant 0 : i32
        %dma_start3A_45 = arith.constant 0 : i32
        %dma_start3A_46 = tpu.memref_slice %arg9[%dma_start3A_44, %dma_start3A_45] : memref<10240x128xf32, #tpu.memory_space<vmem_shared>> -> memref<10240x128xf32, #tpu.memory_space<vmem_shared>>
        tpu.enqueue_indirect_dma source(%arg8 : memref<125x128xf32, #tpu.memory_space<vmem>>) target(%dma_start3A_46 : memref<10240x128xf32, #tpu.memory_space<vmem_shared>>) offsets(%arg7 : memref<125xi32, #tpu.memory_space<vmem>>) semaphore(%run_scoped3A : memref<!tpu.dma_semaphore, #tpu.memory_space<semaphore_mem>>) {add = true}
        %dma_wait3A_47 = arith.constant 0 : i32
        %dma_wait3A_48 = arith.constant 0 : i32
        %dma_wait3A_49 = tpu.memref_slice %arg9[%dma_wait3A_47, %dma_wait3A_48] : memref<10240x128xf32, #tpu.memory_space<vmem_shared>> -> memref<10240x128xf32, #tpu.memory_space<vmem_shared>>
        tpu.wait_indirect_dma semaphore(%run_scoped3A : memref<!tpu.dma_semaphore, #tpu.memory_space<semaphore_mem>>) src(%arg8 : memref<125x128xf32, #tpu.memory_space<vmem>>) dst(%dma_wait3A_49 : memref<10240x128xf32, #tpu.memory_space<vmem_shared>>)
        tpu.yield
      }) : () -> ()
    }
    %while3A_18 = arith.constant 1 : i32
    scf.for %while3A_20 = %while3A_16 to %while3A_12 step %while3A_18  : i32 {
      %mul3A_21 = arith.constant 2 : i32
      %mul3A_22 = arith.muli %mul3A_21, %while3A_20 : i32
      %add3A_23 = arith.constant 1 : i32
      %add3A_24 = arith.addi %mul3A_22, %add3A_23 : i32
      %dma_wait3A = arith.constant 0 : i32
      %dma_wait3A_25 = tpu.memref_slice %arg2[%add3A, %mul3A_22, %dma_wait3A] : memref<32x80x125xi32, #tpu.memory_space<hbm>> -> memref<1x1x125xi32, #tpu.memory_space<hbm>>
      %dma_wait3A_26 = tpu.memref_squeeze %dma_wait3A_25 : memref<1x1x125xi32, #tpu.memory_space<hbm>> -> memref<125xi32, #tpu.memory_space<hbm>>
      %dma_wait3A_27 = arith.constant 0 : i32
      %dma_wait3A_28 = tpu.memref_slice %arg2[%add3A, %mul3A_22, %dma_wait3A_27] : memref<32x80x125xi32, #tpu.memory_space<hbm>> -> memref<1x1x125xi32, #tpu.memory_space<hbm>>
      %dma_wait3A_29 = tpu.memref_squeeze %dma_wait3A_28 : memref<1x1x125xi32, #tpu.memory_space<hbm>> -> memref<125xi32, #tpu.memory_space<hbm>>
      tpu.wait_dma2 semaphore(%arg10 : memref<!tpu.dma_semaphore, #tpu.memory_space<semaphore_mem>>) src(%dma_wait3A_29 : memref<125xi32, #tpu.memory_space<hbm>>) dst(%arg6 : memref<125xi32, #tpu.memory_space<vmem>>)
      %dma_start3A_30 = arith.constant 0 : i32
      %dma_start3A_31 = tpu.memref_slice %arg2[%add3A, %add3A_24, %dma_start3A_30] : memref<32x80x125xi32, #tpu.memory_space<hbm>> -> memref<1x1x125xi32, #tpu.memory_space<hbm>>
      %dma_start3A_32 = tpu.memref_squeeze %dma_start3A_31 : memref<1x1x125xi32, #tpu.memory_space<hbm>> -> memref<125xi32, #tpu.memory_space<hbm>>
      %dma_start3A_33 = arith.constant 0 : i32
      %dma_start3A_34 = tpu.memref_slice %arg2[%add3A, %add3A_24, %dma_start3A_33] : memref<32x80x125xi32, #tpu.memory_space<hbm>> -> memref<1x1x125xi32, #tpu.memory_space<hbm>>
      %dma_start3A_35 = tpu.memref_squeeze %dma_start3A_34 : memref<1x1x125xi32, #tpu.memory_space<hbm>> -> memref<125xi32, #tpu.memory_space<hbm>>
      tpu.enqueue_dma source(%dma_start3A_35 : memref<125xi32, #tpu.memory_space<hbm>>) target(%arg7 : memref<125xi32, #tpu.memory_space<vmem>>) target_semaphore(%arg11 : memref<!tpu.dma_semaphore, #tpu.memory_space<semaphore_mem>>)
      "tpu.region"() ({
        %run_scoped3A = tpu.sem_alloc : memref<!tpu.dma_semaphore, #tpu.memory_space<semaphore_mem>>
        %dma_start3A_44 = arith.constant 0 : i32
        %dma_start3A_45 = arith.constant 0 : i32
        %dma_start3A_46 = tpu.memref_slice %arg9[%dma_start3A_44, %dma_start3A_45] : memref<10240x128xf32, #tpu.memory_space<vmem_shared>> -> memref<10240x128xf32, #tpu.memory_space<vmem_shared>>
        tpu.enqueue_indirect_dma source(%arg8 : memref<125x128xf32, #tpu.memory_space<vmem>>) target(%dma_start3A_46 : memref<10240x128xf32, #tpu.memory_space<vmem_shared>>) offsets(%arg6 : memref<125xi32, #tpu.memory_space<vmem>>) semaphore(%run_scoped3A : memref<!tpu.dma_semaphore, #tpu.memory_space<semaphore_mem>>) {add = true}
        %dma_wait3A_47 = arith.constant 0 : i32
        %dma_wait3A_48 = arith.constant 0 : i32
        %dma_wait3A_49 = tpu.memref_slice %arg9[%dma_wait3A_47, %dma_wait3A_48] : memref<10240x128xf32, #tpu.memory_space<vmem_shared>> -> memref<10240x128xf32, #tpu.memory_space<vmem_shared>>
        tpu.wait_indirect_dma semaphore(%run_scoped3A : memref<!tpu.dma_semaphore, #tpu.memory_space<semaphore_mem>>) src(%arg8 : memref<125x128xf32, #tpu.memory_space<vmem>>) dst(%dma_wait3A_49 : memref<10240x128xf32, #tpu.memory_space<vmem_shared>>)
        tpu.yield
      }) : () -> ()
      %dma_wait3A_36 = arith.constant 0 : i32
      %dma_wait3A_37 = tpu.memref_slice %arg2[%add3A, %add3A_24, %dma_wait3A_36] : memref<32x80x125xi32, #tpu.memory_space<hbm>> -> memref<1x1x125xi32, #tpu.memory_space<hbm>>
      %dma_wait3A_38 = tpu.memref_squeeze %dma_wait3A_37 : memref<1x1x125xi32, #tpu.memory_space<hbm>> -> memref<125xi32, #tpu.memory_space<hbm>>
      %dma_wait3A_39 = arith.constant 0 : i32
      %dma_wait3A_40 = tpu.memref_slice %arg2[%add3A, %add3A_24, %dma_wait3A_39] : memref<32x80x125xi32, #tpu.memory_space<hbm>> -> memref<1x1x125xi32, #tpu.memory_space<hbm>>
      %dma_wait3A_41 = tpu.memref_squeeze %dma_wait3A_40 : memref<1x1x125xi32, #tpu.memory_space<hbm>> -> memref<125xi32, #tpu.memory_space<hbm>>
      tpu.wait_dma2 semaphore(%arg11 : memref<!tpu.dma_semaphore, #tpu.memory_space<semaphore_mem>>) src(%dma_wait3A_41 : memref<125xi32, #tpu.memory_space<hbm>>) dst(%arg7 : memref<125xi32, #tpu.memory_space<vmem>>)
      %lt3A = arith.constant 39 : i32
      %lt3A_42 = arith.cmpi slt, %while3A_20, %lt3A : i32
      %convert_element_type3A = arith.extui %lt3A_42 : i1 to i32
      %cond3A = arith.constant 0 : i32
      %cond3A_43 = arith.cmpi ne, %convert_element_type3A, %cond3A : i32
      scf.if %cond3A_43 {
        %add3A_44 = arith.constant 2 : i32
        %add3A_45 = arith.addi %mul3A_22, %add3A_44 : i32
        %dma_start3A_46 = arith.constant 0 : i32
        %dma_start3A_47 = tpu.memref_slice %arg2[%add3A, %add3A_45, %dma_start3A_46] : memref<32x80x125xi32, #tpu.memory_space<hbm>> -> memref<1x1x125xi32, #tpu.memory_space<hbm>>
        %dma_start3A_48 = tpu.memref_squeeze %dma_start3A_47 : memref<1x1x125xi32, #tpu.memory_space<hbm>> -> memref<125xi32, #tpu.memory_space<hbm>>
        %dma_start3A_49 = arith.constant 0 : i32
        %dma_start3A_50 = tpu.memref_slice %arg2[%add3A, %add3A_45, %dma_start3A_49] : memref<32x80x125xi32, #tpu.memory_space<hbm>> -> memref<1x1x125xi32, #tpu.memory_space<hbm>>
        %dma_start3A_51 = tpu.memref_squeeze %dma_start3A_50 : memref<1x1x125xi32, #tpu.memory_space<hbm>> -> memref<125xi32, #tpu.memory_space<hbm>>
        tpu.enqueue_dma source(%dma_start3A_51 : memref<125xi32, #tpu.memory_space<hbm>>) target(%arg6 : memref<125xi32, #tpu.memory_space<vmem>>) target_semaphore(%arg10 : memref<!tpu.dma_semaphore, #tpu.memory_space<semaphore_mem>>)
      } else {
      }
      "tpu.region"() ({
        %run_scoped3A = tpu.sem_alloc : memref<!tpu.dma_semaphore, #tpu.memory_space<semaphore_mem>>
        %dma_start3A_44 = arith.constant 0 : i32
        %dma_start3A_45 = arith.constant 0 : i32
        %dma_start3A_46 = tpu.memref_slice %arg9[%dma_start3A_44, %dma_start3A_45] : memref<10240x128xf32, #tpu.memory_space<vmem_shared>> -> memref<10240x128xf32, #tpu.memory_space<vmem_shared>>
        tpu.enqueue_indirect_dma source(%arg8 : memref<125x128xf32, #tpu.memory_space<vmem>>) target(%dma_start3A_46 : memref<10240x128xf32, #tpu.memory_space<vmem_shared>>) offsets(%arg7 : memref<125xi32, #tpu.memory_space<vmem>>) semaphore(%run_scoped3A : memref<!tpu.dma_semaphore, #tpu.memory_space<semaphore_mem>>) {add = true}
        %dma_wait3A_47 = arith.constant 0 : i32
        %dma_wait3A_48 = arith.constant 0 : i32
        %dma_wait3A_49 = tpu.memref_slice %arg9[%dma_wait3A_47, %dma_wait3A_48] : memref<10240x128xf32, #tpu.memory_space<vmem_shared>> -> memref<10240x128xf32, #tpu.memory_space<vmem_shared>>
        tpu.wait_indirect_dma semaphore(%run_scoped3A : memref<!tpu.dma_semaphore, #tpu.memory_space<semaphore_mem>>) src(%arg8 : memref<125x128xf32, #tpu.memory_space<vmem>>) dst(%dma_wait3A_49 : memref<10240x128xf32, #tpu.memory_space<vmem_shared>>)
        tpu.yield
      }) : () -> ()
    }
    %barrier3A_19 = arith.constant 0 : index
    tpu.barrier barrier_id(%barrier3A_19)
    "tpu.region"() ({
      %run_scoped3A = tpu.sem_alloc : memref<!tpu.dma_semaphore, #tpu.memory_space<semaphore_mem>>
      %dma_start3A_20 = arith.constant 0 : i32
      %dma_start3A_21 = tpu.memref_slice %arg5[%arg0, %mul3A_2, %dma_start3A_20] : memref<2x10240x128xf32, #tpu.memory_space<hbm>> -> memref<1x640x128xf32, #tpu.memory_space<hbm>>
      %dma_start3A_22 = tpu.memref_squeeze %dma_start3A_21 : memref<1x640x128xf32, #tpu.memory_space<hbm>> -> memref<640x128xf32, #tpu.memory_space<hbm>>
      %dma_start3A_23 = arith.constant 0 : i32
      %dma_start3A_24 = tpu.memref_slice %arg9[%mul3A_2, %dma_start3A_23] : memref<10240x128xf32, #tpu.memory_space<vmem_shared>> -> memref<640x128xf32, #tpu.memory_space<vmem_shared>>
      tpu.enqueue_dma source(%dma_start3A_24 : memref<640x128xf32, #tpu.memory_space<vmem_shared>>) target(%dma_start3A_22 : memref<640x128xf32, #tpu.memory_space<hbm>>) target_semaphore(%run_scoped3A : memref<!tpu.dma_semaphore, #tpu.memory_space<semaphore_mem>>)
      %dma_wait3A = arith.constant 0 : i32
      %dma_wait3A_25 = tpu.memref_slice %arg5[%arg0, %mul3A_2, %dma_wait3A] : memref<2x10240x128xf32, #tpu.memory_space<hbm>> -> memref<1x640x128xf32, #tpu.memory_space<hbm>>
      %dma_wait3A_26 = tpu.memref_squeeze %dma_wait3A_25 : memref<1x640x128xf32, #tpu.memory_space<hbm>> -> memref<640x128xf32, #tpu.memory_space<hbm>>
      %dma_wait3A_27 = arith.constant 0 : i32
      %dma_wait3A_28 = tpu.memref_slice %arg9[%mul3A_2, %dma_wait3A_27] : memref<10240x128xf32, #tpu.memory_space<vmem_shared>> -> memref<640x128xf32, #tpu.memory_space<vmem_shared>>
      tpu.wait_dma2 semaphore(%run_scoped3A : memref<!tpu.dma_semaphore, #tpu.memory_space<semaphore_mem>>) src(%dma_wait3A_28 : memref<640x128xf32, #tpu.memory_space<vmem_shared>>) dst(%dma_wait3A_26 : memref<640x128xf32, #tpu.memory_space<hbm>>)
      tpu.yield
    }) : () -> ()
    return
  }
}

#map = affine_map<(d0, d1) -> (0, 0)>
#map1 = affine_map<(d0, d1) -> (0)>
#map2 = affine_map<(d0, d1) -> (0, 0, 0)>
module attributes {stable_mosaic.version = 14 : i64} {
  func.func @_scatter_kernel(%arg0: i32, %arg1: i32, %arg2: memref<10000x128xf32, #tpu.memory_space<hbm>>, %arg3: memref<320000xi32, #tpu.memory_space<hbm>>, %arg4: memref<320000xi32, #tpu.memory_space<hbm>>, %arg5: memref<10240x128xf32, #tpu.memory_space<hbm>>, %arg6: memref<2x10240x128xf32, #tpu.memory_space<hbm>>, %arg7: memref<80xi32, #tpu.memory_space<vmem>>, %arg8: memref<80xi32, #tpu.memory_space<vmem>>, %arg9: memref<80xi32, #tpu.memory_space<vmem>>, %arg10: memref<80xi32, #tpu.memory_space<vmem>>, %arg11: memref<80xi32, #tpu.memory_space<vmem>>, %arg12: memref<80xi32, #tpu.memory_space<vmem>>, %arg13: memref<80xi32, #tpu.memory_space<vmem>>, %arg14: memref<80xi32, #tpu.memory_space<vmem>>, %arg15: memref<80x128xf32, #tpu.memory_space<vmem>>, %arg16: memref<80x128xf32, #tpu.memory_space<vmem>>, %arg17: memref<80x128xf32, #tpu.memory_space<vmem>>, %arg18: memref<80x128xf32, #tpu.memory_space<vmem>>, %arg19: memref<10240x128xf32, #tpu.memory_space<vmem_shared>>, %arg20: memref<!tpu.dma_semaphore, #tpu.memory_space<semaphore_mem>>, %arg21: memref<!tpu.dma_semaphore, #tpu.memory_space<semaphore_mem>>, %arg22: memref<!tpu.dma_semaphore, #tpu.memory_space<semaphore_mem>>, %arg23: memref<!tpu.dma_semaphore, #tpu.memory_space<semaphore_mem>>, %arg24: memref<!tpu.dma_semaphore, #tpu.memory_space<semaphore_mem>>, %arg25: memref<!tpu.dma_semaphore, #tpu.memory_space<semaphore_mem>>, %arg26: memref<!tpu.dma_semaphore, #tpu.memory_space<semaphore_mem>>, %arg27: memref<!tpu.dma_semaphore, #tpu.memory_space<semaphore_mem>>, %arg28: memref<!tpu.dma_semaphore, #tpu.memory_space<semaphore_mem>>, %arg29: memref<!tpu.dma_semaphore, #tpu.memory_space<semaphore_mem>>, %arg30: memref<!tpu.dma_semaphore, #tpu.memory_space<semaphore_mem>>, %arg31: memref<!tpu.dma_semaphore, #tpu.memory_space<semaphore_mem>>) attributes {dimension_semantics = [#tpu.dimension_semantics<core_parallel>, #tpu.dimension_semantics<subcore_parallel>], iteration_bounds = array<i64: 2, 16>, scalar_prefetch = 0 : i64, scratch_operands = 25 : i64, tpu.core_type = #tpu.core_type<sc_vector_subcore>, window_params = [{transform_indices = #map}, {transform_indices = #map1}, {transform_indices = #map1}, {transform_indices = #map}, {transform_indices = #map2}]} {
    %mul3A = arith.constant 2 : i32
    %mul3A_0 = arith.muli %arg1, %mul3A : i32
    %add3A = arith.addi %mul3A_0, %arg0 : i32
    %mul3A_1 = arith.constant 10000 : i32
    %mul3A_2 = arith.muli %add3A, %mul3A_1 : i32
    %mul3A_3 = arith.constant 640 : i32
    %mul3A_4 = arith.muli %arg1, %mul3A_3 : i32
    "tpu.region"() ({
      %run_scoped3A = tpu.sem_alloc : memref<!tpu.dma_semaphore, #tpu.memory_space<semaphore_mem>>
      %dma_start3A_69 = arith.constant 0 : i32
      %dma_start3A_70 = tpu.memref_slice %arg19[%mul3A_4, %dma_start3A_69] : memref<10240x128xf32, #tpu.memory_space<vmem_shared>> -> memref<640x128xf32, #tpu.memory_space<vmem_shared>>
      %dma_start3A_71 = arith.constant 0 : i32
      %dma_start3A_72 = tpu.memref_slice %arg5[%mul3A_4, %dma_start3A_71] : memref<10240x128xf32, #tpu.memory_space<hbm>> -> memref<640x128xf32, #tpu.memory_space<hbm>>
      tpu.enqueue_dma source(%dma_start3A_72 : memref<640x128xf32, #tpu.memory_space<hbm>>) target(%dma_start3A_70 : memref<640x128xf32, #tpu.memory_space<vmem_shared>>) target_semaphore(%run_scoped3A : memref<!tpu.dma_semaphore, #tpu.memory_space<semaphore_mem>>)
      %dma_wait3A_73 = arith.constant 0 : i32
      %dma_wait3A_74 = tpu.memref_slice %arg19[%mul3A_4, %dma_wait3A_73] : memref<10240x128xf32, #tpu.memory_space<vmem_shared>> -> memref<640x128xf32, #tpu.memory_space<vmem_shared>>
      %dma_wait3A_75 = arith.constant 0 : i32
      %dma_wait3A_76 = tpu.memref_slice %arg5[%mul3A_4, %dma_wait3A_75] : memref<10240x128xf32, #tpu.memory_space<hbm>> -> memref<640x128xf32, #tpu.memory_space<hbm>>
      tpu.wait_dma2 semaphore(%run_scoped3A : memref<!tpu.dma_semaphore, #tpu.memory_space<semaphore_mem>>) src(%dma_wait3A_76 : memref<640x128xf32, #tpu.memory_space<hbm>>) dst(%dma_wait3A_74 : memref<640x128xf32, #tpu.memory_space<vmem_shared>>)
      tpu.yield
    }) : () -> ()
    %barrier3A = arith.constant 0 : index
    tpu.barrier barrier_id(%barrier3A)
    %add3A_5 = arith.constant 0 : i32
    %add3A_6 = arith.addi %mul3A_2, %add3A_5 : i32
    %dma_start3A = tpu.memref_slice %arg3[%add3A_6] : memref<320000xi32, #tpu.memory_space<hbm>> -> memref<80xi32, #tpu.memory_space<hbm>>
    %dma_start3A_7 = tpu.memref_slice %arg3[%add3A_6] : memref<320000xi32, #tpu.memory_space<hbm>> -> memref<80xi32, #tpu.memory_space<hbm>>
    tpu.enqueue_dma source(%dma_start3A_7 : memref<80xi32, #tpu.memory_space<hbm>>) target(%arg7 : memref<80xi32, #tpu.memory_space<vmem>>) target_semaphore(%arg20 : memref<!tpu.dma_semaphore, #tpu.memory_space<semaphore_mem>>)
    %add3A_8 = arith.constant 0 : i32
    %add3A_9 = arith.addi %mul3A_2, %add3A_8 : i32
    %dma_start3A_10 = tpu.memref_slice %arg4[%add3A_9] : memref<320000xi32, #tpu.memory_space<hbm>> -> memref<80xi32, #tpu.memory_space<hbm>>
    %dma_start3A_11 = tpu.memref_slice %arg4[%add3A_9] : memref<320000xi32, #tpu.memory_space<hbm>> -> memref<80xi32, #tpu.memory_space<hbm>>
    tpu.enqueue_dma source(%dma_start3A_11 : memref<80xi32, #tpu.memory_space<hbm>>) target(%arg11 : memref<80xi32, #tpu.memory_space<vmem>>) target_semaphore(%arg24 : memref<!tpu.dma_semaphore, #tpu.memory_space<semaphore_mem>>)
    %add3A_12 = arith.constant 80 : i32
    %add3A_13 = arith.addi %mul3A_2, %add3A_12 : i32
    %dma_start3A_14 = tpu.memref_slice %arg3[%add3A_13] : memref<320000xi32, #tpu.memory_space<hbm>> -> memref<80xi32, #tpu.memory_space<hbm>>
    %dma_start3A_15 = tpu.memref_slice %arg3[%add3A_13] : memref<320000xi32, #tpu.memory_space<hbm>> -> memref<80xi32, #tpu.memory_space<hbm>>
    tpu.enqueue_dma source(%dma_start3A_15 : memref<80xi32, #tpu.memory_space<hbm>>) target(%arg8 : memref<80xi32, #tpu.memory_space<vmem>>) target_semaphore(%arg21 : memref<!tpu.dma_semaphore, #tpu.memory_space<semaphore_mem>>)
    %add3A_16 = arith.constant 80 : i32
    %add3A_17 = arith.addi %mul3A_2, %add3A_16 : i32
    %dma_start3A_18 = tpu.memref_slice %arg4[%add3A_17] : memref<320000xi32, #tpu.memory_space<hbm>> -> memref<80xi32, #tpu.memory_space<hbm>>
    %dma_start3A_19 = tpu.memref_slice %arg4[%add3A_17] : memref<320000xi32, #tpu.memory_space<hbm>> -> memref<80xi32, #tpu.memory_space<hbm>>
    tpu.enqueue_dma source(%dma_start3A_19 : memref<80xi32, #tpu.memory_space<hbm>>) target(%arg12 : memref<80xi32, #tpu.memory_space<vmem>>) target_semaphore(%arg25 : memref<!tpu.dma_semaphore, #tpu.memory_space<semaphore_mem>>)
    %add3A_20 = arith.constant 160 : i32
    %add3A_21 = arith.addi %mul3A_2, %add3A_20 : i32
    %dma_start3A_22 = tpu.memref_slice %arg3[%add3A_21] : memref<320000xi32, #tpu.memory_space<hbm>> -> memref<80xi32, #tpu.memory_space<hbm>>
    %dma_start3A_23 = tpu.memref_slice %arg3[%add3A_21] : memref<320000xi32, #tpu.memory_space<hbm>> -> memref<80xi32, #tpu.memory_space<hbm>>
    tpu.enqueue_dma source(%dma_start3A_23 : memref<80xi32, #tpu.memory_space<hbm>>) target(%arg9 : memref<80xi32, #tpu.memory_space<vmem>>) target_semaphore(%arg22 : memref<!tpu.dma_semaphore, #tpu.memory_space<semaphore_mem>>)
    %add3A_24 = arith.constant 160 : i32
    %add3A_25 = arith.addi %mul3A_2, %add3A_24 : i32
    %dma_start3A_26 = tpu.memref_slice %arg4[%add3A_25] : memref<320000xi32, #tpu.memory_space<hbm>> -> memref<80xi32, #tpu.memory_space<hbm>>
    %dma_start3A_27 = tpu.memref_slice %arg4[%add3A_25] : memref<320000xi32, #tpu.memory_space<hbm>> -> memref<80xi32, #tpu.memory_space<hbm>>
    tpu.enqueue_dma source(%dma_start3A_27 : memref<80xi32, #tpu.memory_space<hbm>>) target(%arg13 : memref<80xi32, #tpu.memory_space<vmem>>) target_semaphore(%arg26 : memref<!tpu.dma_semaphore, #tpu.memory_space<semaphore_mem>>)
    %add3A_28 = arith.constant 240 : i32
    %add3A_29 = arith.addi %mul3A_2, %add3A_28 : i32
    %dma_start3A_30 = tpu.memref_slice %arg3[%add3A_29] : memref<320000xi32, #tpu.memory_space<hbm>> -> memref<80xi32, #tpu.memory_space<hbm>>
    %dma_start3A_31 = tpu.memref_slice %arg3[%add3A_29] : memref<320000xi32, #tpu.memory_space<hbm>> -> memref<80xi32, #tpu.memory_space<hbm>>
    tpu.enqueue_dma source(%dma_start3A_31 : memref<80xi32, #tpu.memory_space<hbm>>) target(%arg10 : memref<80xi32, #tpu.memory_space<vmem>>) target_semaphore(%arg23 : memref<!tpu.dma_semaphore, #tpu.memory_space<semaphore_mem>>)
    %add3A_32 = arith.constant 240 : i32
    %add3A_33 = arith.addi %mul3A_2, %add3A_32 : i32
    %dma_start3A_34 = tpu.memref_slice %arg4[%add3A_33] : memref<320000xi32, #tpu.memory_space<hbm>> -> memref<80xi32, #tpu.memory_space<hbm>>
    %dma_start3A_35 = tpu.memref_slice %arg4[%add3A_33] : memref<320000xi32, #tpu.memory_space<hbm>> -> memref<80xi32, #tpu.memory_space<hbm>>
    tpu.enqueue_dma source(%dma_start3A_35 : memref<80xi32, #tpu.memory_space<hbm>>) target(%arg14 : memref<80xi32, #tpu.memory_space<vmem>>) target_semaphore(%arg27 : memref<!tpu.dma_semaphore, #tpu.memory_space<semaphore_mem>>)
    %add3A_36 = arith.constant 0 : i32
    %add3A_37 = arith.addi %mul3A_2, %add3A_36 : i32
    %dma_wait3A = tpu.memref_slice %arg3[%add3A_37] : memref<320000xi32, #tpu.memory_space<hbm>> -> memref<80xi32, #tpu.memory_space<hbm>>
    %dma_wait3A_38 = tpu.memref_slice %arg3[%add3A_37] : memref<320000xi32, #tpu.memory_space<hbm>> -> memref<80xi32, #tpu.memory_space<hbm>>
    tpu.wait_dma2 semaphore(%arg20 : memref<!tpu.dma_semaphore, #tpu.memory_space<semaphore_mem>>) src(%dma_wait3A_38 : memref<80xi32, #tpu.memory_space<hbm>>) dst(%arg7 : memref<80xi32, #tpu.memory_space<vmem>>)
    %dma_start3A_39 = arith.constant 0 : i32
    %dma_start3A_40 = arith.constant 0 : i32
    %dma_start3A_41 = tpu.memref_slice %arg2[%dma_start3A_39, %dma_start3A_40] : memref<10000x128xf32, #tpu.memory_space<hbm>> -> memref<10000x128xf32, #tpu.memory_space<hbm>>
    tpu.enqueue_indirect_dma source(%dma_start3A_41 : memref<10000x128xf32, #tpu.memory_space<hbm>>) target(%arg15 : memref<80x128xf32, #tpu.memory_space<vmem>>) offsets(%arg7 : memref<80xi32, #tpu.memory_space<vmem>>) semaphore(%arg28 : memref<!tpu.dma_semaphore, #tpu.memory_space<semaphore_mem>>)
    %add3A_42 = arith.constant 80 : i32
    %add3A_43 = arith.addi %mul3A_2, %add3A_42 : i32
    %dma_wait3A_44 = tpu.memref_slice %arg3[%add3A_43] : memref<320000xi32, #tpu.memory_space<hbm>> -> memref<80xi32, #tpu.memory_space<hbm>>
    %dma_wait3A_45 = tpu.memref_slice %arg3[%add3A_43] : memref<320000xi32, #tpu.memory_space<hbm>> -> memref<80xi32, #tpu.memory_space<hbm>>
    tpu.wait_dma2 semaphore(%arg21 : memref<!tpu.dma_semaphore, #tpu.memory_space<semaphore_mem>>) src(%dma_wait3A_45 : memref<80xi32, #tpu.memory_space<hbm>>) dst(%arg8 : memref<80xi32, #tpu.memory_space<vmem>>)
    %dma_start3A_46 = arith.constant 0 : i32
    %dma_start3A_47 = arith.constant 0 : i32
    %dma_start3A_48 = tpu.memref_slice %arg2[%dma_start3A_46, %dma_start3A_47] : memref<10000x128xf32, #tpu.memory_space<hbm>> -> memref<10000x128xf32, #tpu.memory_space<hbm>>
    tpu.enqueue_indirect_dma source(%dma_start3A_48 : memref<10000x128xf32, #tpu.memory_space<hbm>>) target(%arg16 : memref<80x128xf32, #tpu.memory_space<vmem>>) offsets(%arg8 : memref<80xi32, #tpu.memory_space<vmem>>) semaphore(%arg29 : memref<!tpu.dma_semaphore, #tpu.memory_space<semaphore_mem>>)
    %while3A = arith.constant 0 : i32
    %while3A_49 = arith.constant 0 : i32
    %while3A_50 = arith.constant 31 : i32
    %while3A_51 = arith.subi %while3A_50, %while3A_49 : i32
    %while3A_52 = arith.addi %while3A_49, %while3A_51 : i32
    %while3A_53 = arith.constant 1 : i32
    %while3A_54 = arith.divsi %while3A_51, %while3A_53 : i32
    %while3A_55 = arith.muli %while3A_54, %while3A_53 : i32
    %while3A_56 = arith.addi %while3A_49, %while3A_55 : i32
    %while3A_57 = arith.constant 1 : i32
    scf.for %while3A_69 = %while3A_49 to %while3A_56 step %while3A_57  : i32 {
      %mul3A_70 = arith.constant 4 : i32
      %mul3A_71 = arith.muli %mul3A_70, %while3A_69 : i32
      %add3A_72 = arith.constant 0 : i32
      %add3A_73 = arith.addi %mul3A_71, %add3A_72 : i32
      %dma_wait3A_74 = arith.constant 0 : i32
      %dma_wait3A_75 = arith.constant 0 : i32
      %dma_wait3A_76 = tpu.memref_slice %arg2[%dma_wait3A_74, %dma_wait3A_75] : memref<10000x128xf32, #tpu.memory_space<hbm>> -> memref<10000x128xf32, #tpu.memory_space<hbm>>
      tpu.wait_indirect_dma semaphore(%arg28 : memref<!tpu.dma_semaphore, #tpu.memory_space<semaphore_mem>>) src(%dma_wait3A_76 : memref<10000x128xf32, #tpu.memory_space<hbm>>) dst(%arg15 : memref<80x128xf32, #tpu.memory_space<vmem>>)
      %mul3A_77 = arith.constant 80 : i32
      %mul3A_78 = arith.muli %add3A_73, %mul3A_77 : i32
      %add3A_79 = arith.addi %mul3A_2, %mul3A_78 : i32
      %dma_wait3A_80 = tpu.memref_slice %arg4[%add3A_79] : memref<320000xi32, #tpu.memory_space<hbm>> -> memref<80xi32, #tpu.memory_space<hbm>>
      %dma_wait3A_81 = tpu.memref_slice %arg4[%add3A_79] : memref<320000xi32, #tpu.memory_space<hbm>> -> memref<80xi32, #tpu.memory_space<hbm>>
      tpu.wait_dma2 semaphore(%arg24 : memref<!tpu.dma_semaphore, #tpu.memory_space<semaphore_mem>>) src(%dma_wait3A_81 : memref<80xi32, #tpu.memory_space<hbm>>) dst(%arg11 : memref<80xi32, #tpu.memory_space<vmem>>)
      "tpu.region"() ({
        %run_scoped3A = tpu.sem_alloc : memref<!tpu.dma_semaphore, #tpu.memory_space<semaphore_mem>>
        %dma_start3A_165 = arith.constant 0 : i32
        %dma_start3A_166 = arith.constant 0 : i32
        %dma_start3A_167 = tpu.memref_slice %arg19[%dma_start3A_165, %dma_start3A_166] : memref<10240x128xf32, #tpu.memory_space<vmem_shared>> -> memref<10240x128xf32, #tpu.memory_space<vmem_shared>>
        tpu.enqueue_indirect_dma source(%arg15 : memref<80x128xf32, #tpu.memory_space<vmem>>) target(%dma_start3A_167 : memref<10240x128xf32, #tpu.memory_space<vmem_shared>>) offsets(%arg11 : memref<80xi32, #tpu.memory_space<vmem>>) semaphore(%run_scoped3A : memref<!tpu.dma_semaphore, #tpu.memory_space<semaphore_mem>>) {add = true}
        %dma_wait3A_168 = arith.constant 0 : i32
        %dma_wait3A_169 = arith.constant 0 : i32
        %dma_wait3A_170 = tpu.memref_slice %arg19[%dma_wait3A_168, %dma_wait3A_169] : memref<10240x128xf32, #tpu.memory_space<vmem_shared>> -> memref<10240x128xf32, #tpu.memory_space<vmem_shared>>
        tpu.wait_indirect_dma semaphore(%run_scoped3A : memref<!tpu.dma_semaphore, #tpu.memory_space<semaphore_mem>>) src(%arg15 : memref<80x128xf32, #tpu.memory_space<vmem>>) dst(%dma_wait3A_170 : memref<10240x128xf32, #tpu.memory_space<vmem_shared>>)
        tpu.yield
      }) : () -> ()
      %add3A_82 = arith.constant 4 : i32
      %add3A_83 = arith.addi %add3A_73, %add3A_82 : i32
      %lt3A = arith.constant 125 : i32
      %lt3A_84 = arith.cmpi slt, %add3A_83, %lt3A : i32
      %convert_element_type3A = arith.extui %lt3A_84 : i1 to i32
      %cond3A = arith.constant 0 : i32
      %cond3A_85 = arith.cmpi ne, %convert_element_type3A, %cond3A : i32
      scf.if %cond3A_85 {
        %add3A_165 = arith.constant 4 : i32
        %add3A_166 = arith.addi %add3A_73, %add3A_165 : i32
        %mul3A_167 = arith.constant 80 : i32
        %mul3A_168 = arith.muli %add3A_166, %mul3A_167 : i32
        %add3A_169 = arith.addi %mul3A_2, %mul3A_168 : i32
        %dma_start3A_170 = tpu.memref_slice %arg3[%add3A_169] : memref<320000xi32, #tpu.memory_space<hbm>> -> memref<80xi32, #tpu.memory_space<hbm>>
        %dma_start3A_171 = tpu.memref_slice %arg3[%add3A_169] : memref<320000xi32, #tpu.memory_space<hbm>> -> memref<80xi32, #tpu.memory_space<hbm>>
        tpu.enqueue_dma source(%dma_start3A_171 : memref<80xi32, #tpu.memory_space<hbm>>) target(%arg7 : memref<80xi32, #tpu.memory_space<vmem>>) target_semaphore(%arg20 : memref<!tpu.dma_semaphore, #tpu.memory_space<semaphore_mem>>)
        %add3A_172 = arith.addi %mul3A_2, %mul3A_168 : i32
        %dma_start3A_173 = tpu.memref_slice %arg4[%add3A_172] : memref<320000xi32, #tpu.memory_space<hbm>> -> memref<80xi32, #tpu.memory_space<hbm>>
        %dma_start3A_174 = tpu.memref_slice %arg4[%add3A_172] : memref<320000xi32, #tpu.memory_space<hbm>> -> memref<80xi32, #tpu.memory_space<hbm>>
        tpu.enqueue_dma source(%dma_start3A_174 : memref<80xi32, #tpu.memory_space<hbm>>) target(%arg11 : memref<80xi32, #tpu.memory_space<vmem>>) target_semaphore(%arg24 : memref<!tpu.dma_semaphore, #tpu.memory_space<semaphore_mem>>)
      } else {
      }
      %add3A_86 = arith.constant 2 : i32
      %add3A_87 = arith.addi %add3A_73, %add3A_86 : i32
      %lt3A_88 = arith.constant 125 : i32
      %lt3A_89 = arith.cmpi slt, %add3A_87, %lt3A_88 : i32
      %convert_element_type3A_90 = arith.extui %lt3A_89 : i1 to i32
      %cond3A_91 = arith.constant 0 : i32
      %cond3A_92 = arith.cmpi ne, %convert_element_type3A_90, %cond3A_91 : i32
      scf.if %cond3A_92 {
        %add3A_165 = arith.constant 2 : i32
        %add3A_166 = arith.addi %add3A_73, %add3A_165 : i32
        %mul3A_167 = arith.constant 80 : i32
        %mul3A_168 = arith.muli %add3A_166, %mul3A_167 : i32
        %add3A_169 = arith.addi %mul3A_2, %mul3A_168 : i32
        %dma_wait3A_170 = tpu.memref_slice %arg3[%add3A_169] : memref<320000xi32, #tpu.memory_space<hbm>> -> memref<80xi32, #tpu.memory_space<hbm>>
        %dma_wait3A_171 = tpu.memref_slice %arg3[%add3A_169] : memref<320000xi32, #tpu.memory_space<hbm>> -> memref<80xi32, #tpu.memory_space<hbm>>
        tpu.wait_dma2 semaphore(%arg22 : memref<!tpu.dma_semaphore, #tpu.memory_space<semaphore_mem>>) src(%dma_wait3A_171 : memref<80xi32, #tpu.memory_space<hbm>>) dst(%arg9 : memref<80xi32, #tpu.memory_space<vmem>>)
        %dma_start3A_172 = arith.constant 0 : i32
        %dma_start3A_173 = arith.constant 0 : i32
        %dma_start3A_174 = tpu.memref_slice %arg2[%dma_start3A_172, %dma_start3A_173] : memref<10000x128xf32, #tpu.memory_space<hbm>> -> memref<10000x128xf32, #tpu.memory_space<hbm>>
        tpu.enqueue_indirect_dma source(%dma_start3A_174 : memref<10000x128xf32, #tpu.memory_space<hbm>>) target(%arg17 : memref<80x128xf32, #tpu.memory_space<vmem>>) offsets(%arg9 : memref<80xi32, #tpu.memory_space<vmem>>) semaphore(%arg30 : memref<!tpu.dma_semaphore, #tpu.memory_space<semaphore_mem>>)
      } else {
      }
      %add3A_93 = arith.constant 1 : i32
      %add3A_94 = arith.addi %mul3A_71, %add3A_93 : i32
      %dma_wait3A_95 = arith.constant 0 : i32
      %dma_wait3A_96 = arith.constant 0 : i32
      %dma_wait3A_97 = tpu.memref_slice %arg2[%dma_wait3A_95, %dma_wait3A_96] : memref<10000x128xf32, #tpu.memory_space<hbm>> -> memref<10000x128xf32, #tpu.memory_space<hbm>>
      tpu.wait_indirect_dma semaphore(%arg29 : memref<!tpu.dma_semaphore, #tpu.memory_space<semaphore_mem>>) src(%dma_wait3A_97 : memref<10000x128xf32, #tpu.memory_space<hbm>>) dst(%arg16 : memref<80x128xf32, #tpu.memory_space<vmem>>)
      %mul3A_98 = arith.constant 80 : i32
      %mul3A_99 = arith.muli %add3A_94, %mul3A_98 : i32
      %add3A_100 = arith.addi %mul3A_2, %mul3A_99 : i32
      %dma_wait3A_101 = tpu.memref_slice %arg4[%add3A_100] : memref<320000xi32, #tpu.memory_space<hbm>> -> memref<80xi32, #tpu.memory_space<hbm>>
      %dma_wait3A_102 = tpu.memref_slice %arg4[%add3A_100] : memref<320000xi32, #tpu.memory_space<hbm>> -> memref<80xi32, #tpu.memory_space<hbm>>
      tpu.wait_dma2 semaphore(%arg25 : memref<!tpu.dma_semaphore, #tpu.memory_space<semaphore_mem>>) src(%dma_wait3A_102 : memref<80xi32, #tpu.memory_space<hbm>>) dst(%arg12 : memref<80xi32, #tpu.memory_space<vmem>>)
      "tpu.region"() ({
        %run_scoped3A = tpu.sem_alloc : memref<!tpu.dma_semaphore, #tpu.memory_space<semaphore_mem>>
        %dma_start3A_165 = arith.constant 0 : i32
        %dma_start3A_166 = arith.constant 0 : i32
        %dma_start3A_167 = tpu.memref_slice %arg19[%dma_start3A_165, %dma_start3A_166] : memref<10240x128xf32, #tpu.memory_space<vmem_shared>> -> memref<10240x128xf32, #tpu.memory_space<vmem_shared>>
        tpu.enqueue_indirect_dma source(%arg16 : memref<80x128xf32, #tpu.memory_space<vmem>>) target(%dma_start3A_167 : memref<10240x128xf32, #tpu.memory_space<vmem_shared>>) offsets(%arg12 : memref<80xi32, #tpu.memory_space<vmem>>) semaphore(%run_scoped3A : memref<!tpu.dma_semaphore, #tpu.memory_space<semaphore_mem>>) {add = true}
        %dma_wait3A_168 = arith.constant 0 : i32
        %dma_wait3A_169 = arith.constant 0 : i32
        %dma_wait3A_170 = tpu.memref_slice %arg19[%dma_wait3A_168, %dma_wait3A_169] : memref<10240x128xf32, #tpu.memory_space<vmem_shared>> -> memref<10240x128xf32, #tpu.memory_space<vmem_shared>>
        tpu.wait_indirect_dma semaphore(%run_scoped3A : memref<!tpu.dma_semaphore, #tpu.memory_space<semaphore_mem>>) src(%arg16 : memref<80x128xf32, #tpu.memory_space<vmem>>) dst(%dma_wait3A_170 : memref<10240x128xf32, #tpu.memory_space<vmem_shared>>)
        tpu.yield
      }) : () -> ()
      %add3A_103 = arith.constant 4 : i32
      %add3A_104 = arith.addi %add3A_94, %add3A_103 : i32
      %lt3A_105 = arith.constant 125 : i32
      %lt3A_106 = arith.cmpi slt, %add3A_104, %lt3A_105 : i32
      %convert_element_type3A_107 = arith.extui %lt3A_106 : i1 to i32
      %cond3A_108 = arith.constant 0 : i32
      %cond3A_109 = arith.cmpi ne, %convert_element_type3A_107, %cond3A_108 : i32
      scf.if %cond3A_109 {
        %add3A_165 = arith.constant 4 : i32
        %add3A_166 = arith.addi %add3A_94, %add3A_165 : i32
        %mul3A_167 = arith.constant 80 : i32
        %mul3A_168 = arith.muli %add3A_166, %mul3A_167 : i32
        %add3A_169 = arith.addi %mul3A_2, %mul3A_168 : i32
        %dma_start3A_170 = tpu.memref_slice %arg3[%add3A_169] : memref<320000xi32, #tpu.memory_space<hbm>> -> memref<80xi32, #tpu.memory_space<hbm>>
        %dma_start3A_171 = tpu.memref_slice %arg3[%add3A_169] : memref<320000xi32, #tpu.memory_space<hbm>> -> memref<80xi32, #tpu.memory_space<hbm>>
        tpu.enqueue_dma source(%dma_start3A_171 : memref<80xi32, #tpu.memory_space<hbm>>) target(%arg8 : memref<80xi32, #tpu.memory_space<vmem>>) target_semaphore(%arg21 : memref<!tpu.dma_semaphore, #tpu.memory_space<semaphore_mem>>)
        %add3A_172 = arith.addi %mul3A_2, %mul3A_168 : i32
        %dma_start3A_173 = tpu.memref_slice %arg4[%add3A_172] : memref<320000xi32, #tpu.memory_space<hbm>> -> memref<80xi32, #tpu.memory_space<hbm>>
        %dma_start3A_174 = tpu.memref_slice %arg4[%add3A_172] : memref<320000xi32, #tpu.memory_space<hbm>> -> memref<80xi32, #tpu.memory_space<hbm>>
        tpu.enqueue_dma source(%dma_start3A_174 : memref<80xi32, #tpu.memory_space<hbm>>) target(%arg12 : memref<80xi32, #tpu.memory_space<vmem>>) target_semaphore(%arg25 : memref<!tpu.dma_semaphore, #tpu.memory_space<semaphore_mem>>)
      } else {
      }
      %add3A_110 = arith.constant 2 : i32
      %add3A_111 = arith.addi %add3A_94, %add3A_110 : i32
      %lt3A_112 = arith.constant 125 : i32
      %lt3A_113 = arith.cmpi slt, %add3A_111, %lt3A_112 : i32
      %convert_element_type3A_114 = arith.extui %lt3A_113 : i1 to i32
      %cond3A_115 = arith.constant 0 : i32
      %cond3A_116 = arith.cmpi ne, %convert_element_type3A_114, %cond3A_115 : i32
      scf.if %cond3A_116 {
        %add3A_165 = arith.constant 2 : i32
        %add3A_166 = arith.addi %add3A_94, %add3A_165 : i32
        %mul3A_167 = arith.constant 80 : i32
        %mul3A_168 = arith.muli %add3A_166, %mul3A_167 : i32
        %add3A_169 = arith.addi %mul3A_2, %mul3A_168 : i32
        %dma_wait3A_170 = tpu.memref_slice %arg3[%add3A_169] : memref<320000xi32, #tpu.memory_space<hbm>> -> memref<80xi32, #tpu.memory_space<hbm>>
        %dma_wait3A_171 = tpu.memref_slice %arg3[%add3A_169] : memref<320000xi32, #tpu.memory_space<hbm>> -> memref<80xi32, #tpu.memory_space<hbm>>
        tpu.wait_dma2 semaphore(%arg23 : memref<!tpu.dma_semaphore, #tpu.memory_space<semaphore_mem>>) src(%dma_wait3A_171 : memref<80xi32, #tpu.memory_space<hbm>>) dst(%arg10 : memref<80xi32, #tpu.memory_space<vmem>>)
        %dma_start3A_172 = arith.constant 0 : i32
        %dma_start3A_173 = arith.constant 0 : i32
        %dma_start3A_174 = tpu.memref_slice %arg2[%dma_start3A_172, %dma_start3A_173] : memref<10000x128xf32, #tpu.memory_space<hbm>> -> memref<10000x128xf32, #tpu.memory_space<hbm>>
        tpu.enqueue_indirect_dma source(%dma_start3A_174 : memref<10000x128xf32, #tpu.memory_space<hbm>>) target(%arg18 : memref<80x128xf32, #tpu.memory_space<vmem>>) offsets(%arg10 : memref<80xi32, #tpu.memory_space<vmem>>) semaphore(%arg31 : memref<!tpu.dma_semaphore, #tpu.memory_space<semaphore_mem>>)
      } else {
      }
      %add3A_117 = arith.constant 2 : i32
      %add3A_118 = arith.addi %mul3A_71, %add3A_117 : i32
      %dma_wait3A_119 = arith.constant 0 : i32
      %dma_wait3A_120 = arith.constant 0 : i32
      %dma_wait3A_121 = tpu.memref_slice %arg2[%dma_wait3A_119, %dma_wait3A_120] : memref<10000x128xf32, #tpu.memory_space<hbm>> -> memref<10000x128xf32, #tpu.memory_space<hbm>>
      tpu.wait_indirect_dma semaphore(%arg30 : memref<!tpu.dma_semaphore, #tpu.memory_space<semaphore_mem>>) src(%dma_wait3A_121 : memref<10000x128xf32, #tpu.memory_space<hbm>>) dst(%arg17 : memref<80x128xf32, #tpu.memory_space<vmem>>)
      %mul3A_122 = arith.constant 80 : i32
      %mul3A_123 = arith.muli %add3A_118, %mul3A_122 : i32
      %add3A_124 = arith.addi %mul3A_2, %mul3A_123 : i32
      %dma_wait3A_125 = tpu.memref_slice %arg4[%add3A_124] : memref<320000xi32, #tpu.memory_space<hbm>> -> memref<80xi32, #tpu.memory_space<hbm>>
      %dma_wait3A_126 = tpu.memref_slice %arg4[%add3A_124] : memref<320000xi32, #tpu.memory_space<hbm>> -> memref<80xi32, #tpu.memory_space<hbm>>
      tpu.wait_dma2 semaphore(%arg26 : memref<!tpu.dma_semaphore, #tpu.memory_space<semaphore_mem>>) src(%dma_wait3A_126 : memref<80xi32, #tpu.memory_space<hbm>>) dst(%arg13 : memref<80xi32, #tpu.memory_space<vmem>>)
      "tpu.region"() ({
        %run_scoped3A = tpu.sem_alloc : memref<!tpu.dma_semaphore, #tpu.memory_space<semaphore_mem>>
        %dma_start3A_165 = arith.constant 0 : i32
        %dma_start3A_166 = arith.constant 0 : i32
        %dma_start3A_167 = tpu.memref_slice %arg19[%dma_start3A_165, %dma_start3A_166] : memref<10240x128xf32, #tpu.memory_space<vmem_shared>> -> memref<10240x128xf32, #tpu.memory_space<vmem_shared>>
        tpu.enqueue_indirect_dma source(%arg17 : memref<80x128xf32, #tpu.memory_space<vmem>>) target(%dma_start3A_167 : memref<10240x128xf32, #tpu.memory_space<vmem_shared>>) offsets(%arg13 : memref<80xi32, #tpu.memory_space<vmem>>) semaphore(%run_scoped3A : memref<!tpu.dma_semaphore, #tpu.memory_space<semaphore_mem>>) {add = true}
        %dma_wait3A_168 = arith.constant 0 : i32
        %dma_wait3A_169 = arith.constant 0 : i32
        %dma_wait3A_170 = tpu.memref_slice %arg19[%dma_wait3A_168, %dma_wait3A_169] : memref<10240x128xf32, #tpu.memory_space<vmem_shared>> -> memref<10240x128xf32, #tpu.memory_space<vmem_shared>>
        tpu.wait_indirect_dma semaphore(%run_scoped3A : memref<!tpu.dma_semaphore, #tpu.memory_space<semaphore_mem>>) src(%arg17 : memref<80x128xf32, #tpu.memory_space<vmem>>) dst(%dma_wait3A_170 : memref<10240x128xf32, #tpu.memory_space<vmem_shared>>)
        tpu.yield
      }) : () -> ()
      %add3A_127 = arith.constant 4 : i32
      %add3A_128 = arith.addi %add3A_118, %add3A_127 : i32
      %lt3A_129 = arith.constant 125 : i32
      %lt3A_130 = arith.cmpi slt, %add3A_128, %lt3A_129 : i32
      %convert_element_type3A_131 = arith.extui %lt3A_130 : i1 to i32
      %cond3A_132 = arith.constant 0 : i32
      %cond3A_133 = arith.cmpi ne, %convert_element_type3A_131, %cond3A_132 : i32
      scf.if %cond3A_133 {
        %add3A_165 = arith.constant 4 : i32
        %add3A_166 = arith.addi %add3A_118, %add3A_165 : i32
        %mul3A_167 = arith.constant 80 : i32
        %mul3A_168 = arith.muli %add3A_166, %mul3A_167 : i32
        %add3A_169 = arith.addi %mul3A_2, %mul3A_168 : i32
        %dma_start3A_170 = tpu.memref_slice %arg3[%add3A_169] : memref<320000xi32, #tpu.memory_space<hbm>> -> memref<80xi32, #tpu.memory_space<hbm>>
        %dma_start3A_171 = tpu.memref_slice %arg3[%add3A_169] : memref<320000xi32, #tpu.memory_space<hbm>> -> memref<80xi32, #tpu.memory_space<hbm>>
        tpu.enqueue_dma source(%dma_start3A_171 : memref<80xi32, #tpu.memory_space<hbm>>) target(%arg9 : memref<80xi32, #tpu.memory_space<vmem>>) target_semaphore(%arg22 : memref<!tpu.dma_semaphore, #tpu.memory_space<semaphore_mem>>)
        %add3A_172 = arith.addi %mul3A_2, %mul3A_168 : i32
        %dma_start3A_173 = tpu.memref_slice %arg4[%add3A_172] : memref<320000xi32, #tpu.memory_space<hbm>> -> memref<80xi32, #tpu.memory_space<hbm>>
        %dma_start3A_174 = tpu.memref_slice %arg4[%add3A_172] : memref<320000xi32, #tpu.memory_space<hbm>> -> memref<80xi32, #tpu.memory_space<hbm>>
        tpu.enqueue_dma source(%dma_start3A_174 : memref<80xi32, #tpu.memory_space<hbm>>) target(%arg13 : memref<80xi32, #tpu.memory_space<vmem>>) target_semaphore(%arg26 : memref<!tpu.dma_semaphore, #tpu.memory_space<semaphore_mem>>)
      } else {
      }
      %add3A_134 = arith.constant 2 : i32
      %add3A_135 = arith.addi %add3A_118, %add3A_134 : i32
      %lt3A_136 = arith.constant 125 : i32
      %lt3A_137 = arith.cmpi slt, %add3A_135, %lt3A_136 : i32
      %convert_element_type3A_138 = arith.extui %lt3A_137 : i1 to i32
      %cond3A_139 = arith.constant 0 : i32
      %cond3A_140 = arith.cmpi ne, %convert_element_type3A_138, %cond3A_139 : i32
      scf.if %cond3A_140 {
        %add3A_165 = arith.constant 2 : i32
        %add3A_166 = arith.addi %add3A_118, %add3A_165 : i32
        %mul3A_167 = arith.constant 80 : i32
        %mul3A_168 = arith.muli %add3A_166, %mul3A_167 : i32
        %add3A_169 = arith.addi %mul3A_2, %mul3A_168 : i32
        %dma_wait3A_170 = tpu.memref_slice %arg3[%add3A_169] : memref<320000xi32, #tpu.memory_space<hbm>> -> memref<80xi32, #tpu.memory_space<hbm>>
        %dma_wait3A_171 = tpu.memref_slice %arg3[%add3A_169] : memref<320000xi32, #tpu.memory_space<hbm>> -> memref<80xi32, #tpu.memory_space<hbm>>
        tpu.wait_dma2 semaphore(%arg20 : memref<!tpu.dma_semaphore, #tpu.memory_space<semaphore_mem>>) src(%dma_wait3A_171 : memref<80xi32, #tpu.memory_space<hbm>>) dst(%arg7 : memref<80xi32, #tpu.memory_space<vmem>>)
        %dma_start3A_172 = arith.constant 0 : i32
        %dma_start3A_173 = arith.constant 0 : i32
        %dma_start3A_174 = tpu.memref_slice %arg2[%dma_start3A_172, %dma_start3A_173] : memref<10000x128xf32, #tpu.memory_space<hbm>> -> memref<10000x128xf32, #tpu.memory_space<hbm>>
        tpu.enqueue_indirect_dma source(%dma_start3A_174 : memref<10000x128xf32, #tpu.memory_space<hbm>>) target(%arg15 : memref<80x128xf32, #tpu.memory_space<vmem>>) offsets(%arg7 : memref<80xi32, #tpu.memory_space<vmem>>) semaphore(%arg28 : memref<!tpu.dma_semaphore, #tpu.memory_space<semaphore_mem>>)
      } else {
      }
      %add3A_141 = arith.constant 3 : i32
      %add3A_142 = arith.addi %mul3A_71, %add3A_141 : i32
      %dma_wait3A_143 = arith.constant 0 : i32
      %dma_wait3A_144 = arith.constant 0 : i32
      %dma_wait3A_145 = tpu.memref_slice %arg2[%dma_wait3A_143, %dma_wait3A_144] : memref<10000x128xf32, #tpu.memory_space<hbm>> -> memref<10000x128xf32, #tpu.memory_space<hbm>>
      tpu.wait_indirect_dma semaphore(%arg31 : memref<!tpu.dma_semaphore, #tpu.memory_space<semaphore_mem>>) src(%dma_wait3A_145 : memref<10000x128xf32, #tpu.memory_space<hbm>>) dst(%arg18 : memref<80x128xf32, #tpu.memory_space<vmem>>)
      %mul3A_146 = arith.constant 80 : i32
      %mul3A_147 = arith.muli %add3A_142, %mul3A_146 : i32
      %add3A_148 = arith.addi %mul3A_2, %mul3A_147 : i32
      %dma_wait3A_149 = tpu.memref_slice %arg4[%add3A_148] : memref<320000xi32, #tpu.memory_space<hbm>> -> memref<80xi32, #tpu.memory_space<hbm>>
      %dma_wait3A_150 = tpu.memref_slice %arg4[%add3A_148] : memref<320000xi32, #tpu.memory_space<hbm>> -> memref<80xi32, #tpu.memory_space<hbm>>
      tpu.wait_dma2 semaphore(%arg27 : memref<!tpu.dma_semaphore, #tpu.memory_space<semaphore_mem>>) src(%dma_wait3A_150 : memref<80xi32, #tpu.memory_space<hbm>>) dst(%arg14 : memref<80xi32, #tpu.memory_space<vmem>>)
      "tpu.region"() ({
        %run_scoped3A = tpu.sem_alloc : memref<!tpu.dma_semaphore, #tpu.memory_space<semaphore_mem>>
        %dma_start3A_165 = arith.constant 0 : i32
        %dma_start3A_166 = arith.constant 0 : i32
        %dma_start3A_167 = tpu.memref_slice %arg19[%dma_start3A_165, %dma_start3A_166] : memref<10240x128xf32, #tpu.memory_space<vmem_shared>> -> memref<10240x128xf32, #tpu.memory_space<vmem_shared>>
        tpu.enqueue_indirect_dma source(%arg18 : memref<80x128xf32, #tpu.memory_space<vmem>>) target(%dma_start3A_167 : memref<10240x128xf32, #tpu.memory_space<vmem_shared>>) offsets(%arg14 : memref<80xi32, #tpu.memory_space<vmem>>) semaphore(%run_scoped3A : memref<!tpu.dma_semaphore, #tpu.memory_space<semaphore_mem>>) {add = true}
        %dma_wait3A_168 = arith.constant 0 : i32
        %dma_wait3A_169 = arith.constant 0 : i32
        %dma_wait3A_170 = tpu.memref_slice %arg19[%dma_wait3A_168, %dma_wait3A_169] : memref<10240x128xf32, #tpu.memory_space<vmem_shared>> -> memref<10240x128xf32, #tpu.memory_space<vmem_shared>>
        tpu.wait_indirect_dma semaphore(%run_scoped3A : memref<!tpu.dma_semaphore, #tpu.memory_space<semaphore_mem>>) src(%arg18 : memref<80x128xf32, #tpu.memory_space<vmem>>) dst(%dma_wait3A_170 : memref<10240x128xf32, #tpu.memory_space<vmem_shared>>)
        tpu.yield
      }) : () -> ()
      %add3A_151 = arith.constant 4 : i32
      %add3A_152 = arith.addi %add3A_142, %add3A_151 : i32
      %lt3A_153 = arith.constant 125 : i32
      %lt3A_154 = arith.cmpi slt, %add3A_152, %lt3A_153 : i32
      %convert_element_type3A_155 = arith.extui %lt3A_154 : i1 to i32
      %cond3A_156 = arith.constant 0 : i32
      %cond3A_157 = arith.cmpi ne, %convert_element_type3A_155, %cond3A_156 : i32
      scf.if %cond3A_157 {
        %add3A_165 = arith.constant 4 : i32
        %add3A_166 = arith.addi %add3A_142, %add3A_165 : i32
        %mul3A_167 = arith.constant 80 : i32
        %mul3A_168 = arith.muli %add3A_166, %mul3A_167 : i32
        %add3A_169 = arith.addi %mul3A_2, %mul3A_168 : i32
        %dma_start3A_170 = tpu.memref_slice %arg3[%add3A_169] : memref<320000xi32, #tpu.memory_space<hbm>> -> memref<80xi32, #tpu.memory_space<hbm>>
        %dma_start3A_171 = tpu.memref_slice %arg3[%add3A_169] : memref<320000xi32, #tpu.memory_space<hbm>> -> memref<80xi32, #tpu.memory_space<hbm>>
        tpu.enqueue_dma source(%dma_start3A_171 : memref<80xi32, #tpu.memory_space<hbm>>) target(%arg10 : memref<80xi32, #tpu.memory_space<vmem>>) target_semaphore(%arg23 : memref<!tpu.dma_semaphore, #tpu.memory_space<semaphore_mem>>)
        %add3A_172 = arith.addi %mul3A_2, %mul3A_168 : i32
        %dma_start3A_173 = tpu.memref_slice %arg4[%add3A_172] : memref<320000xi32, #tpu.memory_space<hbm>> -> memref<80xi32, #tpu.memory_space<hbm>>
        %dma_start3A_174 = tpu.memref_slice %arg4[%add3A_172] : memref<320000xi32, #tpu.memory_space<hbm>> -> memref<80xi32, #tpu.memory_space<hbm>>
        tpu.enqueue_dma source(%dma_start3A_174 : memref<80xi32, #tpu.memory_space<hbm>>) target(%arg14 : memref<80xi32, #tpu.memory_space<vmem>>) target_semaphore(%arg27 : memref<!tpu.dma_semaphore, #tpu.memory_space<semaphore_mem>>)
      } else {
      }
      %add3A_158 = arith.constant 2 : i32
      %add3A_159 = arith.addi %add3A_142, %add3A_158 : i32
      %lt3A_160 = arith.constant 125 : i32
      %lt3A_161 = arith.cmpi slt, %add3A_159, %lt3A_160 : i32
      %convert_element_type3A_162 = arith.extui %lt3A_161 : i1 to i32
      %cond3A_163 = arith.constant 0 : i32
      %cond3A_164 = arith.cmpi ne, %convert_element_type3A_162, %cond3A_163 : i32
      scf.if %cond3A_164 {
        %add3A_165 = arith.constant 2 : i32
        %add3A_166 = arith.addi %add3A_142, %add3A_165 : i32
        %mul3A_167 = arith.constant 80 : i32
        %mul3A_168 = arith.muli %add3A_166, %mul3A_167 : i32
        %add3A_169 = arith.addi %mul3A_2, %mul3A_168 : i32
        %dma_wait3A_170 = tpu.memref_slice %arg3[%add3A_169] : memref<320000xi32, #tpu.memory_space<hbm>> -> memref<80xi32, #tpu.memory_space<hbm>>
        %dma_wait3A_171 = tpu.memref_slice %arg3[%add3A_169] : memref<320000xi32, #tpu.memory_space<hbm>> -> memref<80xi32, #tpu.memory_space<hbm>>
        tpu.wait_dma2 semaphore(%arg21 : memref<!tpu.dma_semaphore, #tpu.memory_space<semaphore_mem>>) src(%dma_wait3A_171 : memref<80xi32, #tpu.memory_space<hbm>>) dst(%arg8 : memref<80xi32, #tpu.memory_space<vmem>>)
        %dma_start3A_172 = arith.constant 0 : i32
        %dma_start3A_173 = arith.constant 0 : i32
        %dma_start3A_174 = tpu.memref_slice %arg2[%dma_start3A_172, %dma_start3A_173] : memref<10000x128xf32, #tpu.memory_space<hbm>> -> memref<10000x128xf32, #tpu.memory_space<hbm>>
        tpu.enqueue_indirect_dma source(%dma_start3A_174 : memref<10000x128xf32, #tpu.memory_space<hbm>>) target(%arg16 : memref<80x128xf32, #tpu.memory_space<vmem>>) offsets(%arg8 : memref<80xi32, #tpu.memory_space<vmem>>) semaphore(%arg29 : memref<!tpu.dma_semaphore, #tpu.memory_space<semaphore_mem>>)
      } else {
      }
    }
    %while3A_58 = arith.constant 1 : i32
    scf.for %while3A_69 = %while3A_56 to %while3A_52 step %while3A_58  : i32 {
      %mul3A_70 = arith.constant 4 : i32
      %mul3A_71 = arith.muli %mul3A_70, %while3A_69 : i32
      %add3A_72 = arith.constant 0 : i32
      %add3A_73 = arith.addi %mul3A_71, %add3A_72 : i32
      %dma_wait3A_74 = arith.constant 0 : i32
      %dma_wait3A_75 = arith.constant 0 : i32
      %dma_wait3A_76 = tpu.memref_slice %arg2[%dma_wait3A_74, %dma_wait3A_75] : memref<10000x128xf32, #tpu.memory_space<hbm>> -> memref<10000x128xf32, #tpu.memory_space<hbm>>
      tpu.wait_indirect_dma semaphore(%arg28 : memref<!tpu.dma_semaphore, #tpu.memory_space<semaphore_mem>>) src(%dma_wait3A_76 : memref<10000x128xf32, #tpu.memory_space<hbm>>) dst(%arg15 : memref<80x128xf32, #tpu.memory_space<vmem>>)
      %mul3A_77 = arith.constant 80 : i32
      %mul3A_78 = arith.muli %add3A_73, %mul3A_77 : i32
      %add3A_79 = arith.addi %mul3A_2, %mul3A_78 : i32
      %dma_wait3A_80 = tpu.memref_slice %arg4[%add3A_79] : memref<320000xi32, #tpu.memory_space<hbm>> -> memref<80xi32, #tpu.memory_space<hbm>>
      %dma_wait3A_81 = tpu.memref_slice %arg4[%add3A_79] : memref<320000xi32, #tpu.memory_space<hbm>> -> memref<80xi32, #tpu.memory_space<hbm>>
      tpu.wait_dma2 semaphore(%arg24 : memref<!tpu.dma_semaphore, #tpu.memory_space<semaphore_mem>>) src(%dma_wait3A_81 : memref<80xi32, #tpu.memory_space<hbm>>) dst(%arg11 : memref<80xi32, #tpu.memory_space<vmem>>)
      "tpu.region"() ({
        %run_scoped3A = tpu.sem_alloc : memref<!tpu.dma_semaphore, #tpu.memory_space<semaphore_mem>>
        %dma_start3A_165 = arith.constant 0 : i32
        %dma_start3A_166 = arith.constant 0 : i32
        %dma_start3A_167 = tpu.memref_slice %arg19[%dma_start3A_165, %dma_start3A_166] : memref<10240x128xf32, #tpu.memory_space<vmem_shared>> -> memref<10240x128xf32, #tpu.memory_space<vmem_shared>>
        tpu.enqueue_indirect_dma source(%arg15 : memref<80x128xf32, #tpu.memory_space<vmem>>) target(%dma_start3A_167 : memref<10240x128xf32, #tpu.memory_space<vmem_shared>>) offsets(%arg11 : memref<80xi32, #tpu.memory_space<vmem>>) semaphore(%run_scoped3A : memref<!tpu.dma_semaphore, #tpu.memory_space<semaphore_mem>>) {add = true}
        %dma_wait3A_168 = arith.constant 0 : i32
        %dma_wait3A_169 = arith.constant 0 : i32
        %dma_wait3A_170 = tpu.memref_slice %arg19[%dma_wait3A_168, %dma_wait3A_169] : memref<10240x128xf32, #tpu.memory_space<vmem_shared>> -> memref<10240x128xf32, #tpu.memory_space<vmem_shared>>
        tpu.wait_indirect_dma semaphore(%run_scoped3A : memref<!tpu.dma_semaphore, #tpu.memory_space<semaphore_mem>>) src(%arg15 : memref<80x128xf32, #tpu.memory_space<vmem>>) dst(%dma_wait3A_170 : memref<10240x128xf32, #tpu.memory_space<vmem_shared>>)
        tpu.yield
      }) : () -> ()
      %add3A_82 = arith.constant 4 : i32
      %add3A_83 = arith.addi %add3A_73, %add3A_82 : i32
      %lt3A = arith.constant 125 : i32
      %lt3A_84 = arith.cmpi slt, %add3A_83, %lt3A : i32
      %convert_element_type3A = arith.extui %lt3A_84 : i1 to i32
      %cond3A = arith.constant 0 : i32
      %cond3A_85 = arith.cmpi ne, %convert_element_type3A, %cond3A : i32
      scf.if %cond3A_85 {
        %add3A_165 = arith.constant 4 : i32
        %add3A_166 = arith.addi %add3A_73, %add3A_165 : i32
        %mul3A_167 = arith.constant 80 : i32
        %mul3A_168 = arith.muli %add3A_166, %mul3A_167 : i32
        %add3A_169 = arith.addi %mul3A_2, %mul3A_168 : i32
        %dma_start3A_170 = tpu.memref_slice %arg3[%add3A_169] : memref<320000xi32, #tpu.memory_space<hbm>> -> memref<80xi32, #tpu.memory_space<hbm>>
        %dma_start3A_171 = tpu.memref_slice %arg3[%add3A_169] : memref<320000xi32, #tpu.memory_space<hbm>> -> memref<80xi32, #tpu.memory_space<hbm>>
        tpu.enqueue_dma source(%dma_start3A_171 : memref<80xi32, #tpu.memory_space<hbm>>) target(%arg7 : memref<80xi32, #tpu.memory_space<vmem>>) target_semaphore(%arg20 : memref<!tpu.dma_semaphore, #tpu.memory_space<semaphore_mem>>)
        %add3A_172 = arith.addi %mul3A_2, %mul3A_168 : i32
        %dma_start3A_173 = tpu.memref_slice %arg4[%add3A_172] : memref<320000xi32, #tpu.memory_space<hbm>> -> memref<80xi32, #tpu.memory_space<hbm>>
        %dma_start3A_174 = tpu.memref_slice %arg4[%add3A_172] : memref<320000xi32, #tpu.memory_space<hbm>> -> memref<80xi32, #tpu.memory_space<hbm>>
        tpu.enqueue_dma source(%dma_start3A_174 : memref<80xi32, #tpu.memory_space<hbm>>) target(%arg11 : memref<80xi32, #tpu.memory_space<vmem>>) target_semaphore(%arg24 : memref<!tpu.dma_semaphore, #tpu.memory_space<semaphore_mem>>)
      } else {
      }
      %add3A_86 = arith.constant 2 : i32
      %add3A_87 = arith.addi %add3A_73, %add3A_86 : i32
      %lt3A_88 = arith.constant 125 : i32
      %lt3A_89 = arith.cmpi slt, %add3A_87, %lt3A_88 : i32
      %convert_element_type3A_90 = arith.extui %lt3A_89 : i1 to i32
      %cond3A_91 = arith.constant 0 : i32
      %cond3A_92 = arith.cmpi ne, %convert_element_type3A_90, %cond3A_91 : i32
      scf.if %cond3A_92 {
        %add3A_165 = arith.constant 2 : i32
        %add3A_166 = arith.addi %add3A_73, %add3A_165 : i32
        %mul3A_167 = arith.constant 80 : i32
        %mul3A_168 = arith.muli %add3A_166, %mul3A_167 : i32
        %add3A_169 = arith.addi %mul3A_2, %mul3A_168 : i32
        %dma_wait3A_170 = tpu.memref_slice %arg3[%add3A_169] : memref<320000xi32, #tpu.memory_space<hbm>> -> memref<80xi32, #tpu.memory_space<hbm>>
        %dma_wait3A_171 = tpu.memref_slice %arg3[%add3A_169] : memref<320000xi32, #tpu.memory_space<hbm>> -> memref<80xi32, #tpu.memory_space<hbm>>
        tpu.wait_dma2 semaphore(%arg22 : memref<!tpu.dma_semaphore, #tpu.memory_space<semaphore_mem>>) src(%dma_wait3A_171 : memref<80xi32, #tpu.memory_space<hbm>>) dst(%arg9 : memref<80xi32, #tpu.memory_space<vmem>>)
        %dma_start3A_172 = arith.constant 0 : i32
        %dma_start3A_173 = arith.constant 0 : i32
        %dma_start3A_174 = tpu.memref_slice %arg2[%dma_start3A_172, %dma_start3A_173] : memref<10000x128xf32, #tpu.memory_space<hbm>> -> memref<10000x128xf32, #tpu.memory_space<hbm>>
        tpu.enqueue_indirect_dma source(%dma_start3A_174 : memref<10000x128xf32, #tpu.memory_space<hbm>>) target(%arg17 : memref<80x128xf32, #tpu.memory_space<vmem>>) offsets(%arg9 : memref<80xi32, #tpu.memory_space<vmem>>) semaphore(%arg30 : memref<!tpu.dma_semaphore, #tpu.memory_space<semaphore_mem>>)
      } else {
      }
      %add3A_93 = arith.constant 1 : i32
      %add3A_94 = arith.addi %mul3A_71, %add3A_93 : i32
      %dma_wait3A_95 = arith.constant 0 : i32
      %dma_wait3A_96 = arith.constant 0 : i32
      %dma_wait3A_97 = tpu.memref_slice %arg2[%dma_wait3A_95, %dma_wait3A_96] : memref<10000x128xf32, #tpu.memory_space<hbm>> -> memref<10000x128xf32, #tpu.memory_space<hbm>>
      tpu.wait_indirect_dma semaphore(%arg29 : memref<!tpu.dma_semaphore, #tpu.memory_space<semaphore_mem>>) src(%dma_wait3A_97 : memref<10000x128xf32, #tpu.memory_space<hbm>>) dst(%arg16 : memref<80x128xf32, #tpu.memory_space<vmem>>)
      %mul3A_98 = arith.constant 80 : i32
      %mul3A_99 = arith.muli %add3A_94, %mul3A_98 : i32
      %add3A_100 = arith.addi %mul3A_2, %mul3A_99 : i32
      %dma_wait3A_101 = tpu.memref_slice %arg4[%add3A_100] : memref<320000xi32, #tpu.memory_space<hbm>> -> memref<80xi32, #tpu.memory_space<hbm>>
      %dma_wait3A_102 = tpu.memref_slice %arg4[%add3A_100] : memref<320000xi32, #tpu.memory_space<hbm>> -> memref<80xi32, #tpu.memory_space<hbm>>
      tpu.wait_dma2 semaphore(%arg25 : memref<!tpu.dma_semaphore, #tpu.memory_space<semaphore_mem>>) src(%dma_wait3A_102 : memref<80xi32, #tpu.memory_space<hbm>>) dst(%arg12 : memref<80xi32, #tpu.memory_space<vmem>>)
      "tpu.region"() ({
        %run_scoped3A = tpu.sem_alloc : memref<!tpu.dma_semaphore, #tpu.memory_space<semaphore_mem>>
        %dma_start3A_165 = arith.constant 0 : i32
        %dma_start3A_166 = arith.constant 0 : i32
        %dma_start3A_167 = tpu.memref_slice %arg19[%dma_start3A_165, %dma_start3A_166] : memref<10240x128xf32, #tpu.memory_space<vmem_shared>> -> memref<10240x128xf32, #tpu.memory_space<vmem_shared>>
        tpu.enqueue_indirect_dma source(%arg16 : memref<80x128xf32, #tpu.memory_space<vmem>>) target(%dma_start3A_167 : memref<10240x128xf32, #tpu.memory_space<vmem_shared>>) offsets(%arg12 : memref<80xi32, #tpu.memory_space<vmem>>) semaphore(%run_scoped3A : memref<!tpu.dma_semaphore, #tpu.memory_space<semaphore_mem>>) {add = true}
        %dma_wait3A_168 = arith.constant 0 : i32
        %dma_wait3A_169 = arith.constant 0 : i32
        %dma_wait3A_170 = tpu.memref_slice %arg19[%dma_wait3A_168, %dma_wait3A_169] : memref<10240x128xf32, #tpu.memory_space<vmem_shared>> -> memref<10240x128xf32, #tpu.memory_space<vmem_shared>>
        tpu.wait_indirect_dma semaphore(%run_scoped3A : memref<!tpu.dma_semaphore, #tpu.memory_space<semaphore_mem>>) src(%arg16 : memref<80x128xf32, #tpu.memory_space<vmem>>) dst(%dma_wait3A_170 : memref<10240x128xf32, #tpu.memory_space<vmem_shared>>)
        tpu.yield
      }) : () -> ()
      %add3A_103 = arith.constant 4 : i32
      %add3A_104 = arith.addi %add3A_94, %add3A_103 : i32
      %lt3A_105 = arith.constant 125 : i32
      %lt3A_106 = arith.cmpi slt, %add3A_104, %lt3A_105 : i32
      %convert_element_type3A_107 = arith.extui %lt3A_106 : i1 to i32
      %cond3A_108 = arith.constant 0 : i32
      %cond3A_109 = arith.cmpi ne, %convert_element_type3A_107, %cond3A_108 : i32
      scf.if %cond3A_109 {
        %add3A_165 = arith.constant 4 : i32
        %add3A_166 = arith.addi %add3A_94, %add3A_165 : i32
        %mul3A_167 = arith.constant 80 : i32
        %mul3A_168 = arith.muli %add3A_166, %mul3A_167 : i32
        %add3A_169 = arith.addi %mul3A_2, %mul3A_168 : i32
        %dma_start3A_170 = tpu.memref_slice %arg3[%add3A_169] : memref<320000xi32, #tpu.memory_space<hbm>> -> memref<80xi32, #tpu.memory_space<hbm>>
        %dma_start3A_171 = tpu.memref_slice %arg3[%add3A_169] : memref<320000xi32, #tpu.memory_space<hbm>> -> memref<80xi32, #tpu.memory_space<hbm>>
        tpu.enqueue_dma source(%dma_start3A_171 : memref<80xi32, #tpu.memory_space<hbm>>) target(%arg8 : memref<80xi32, #tpu.memory_space<vmem>>) target_semaphore(%arg21 : memref<!tpu.dma_semaphore, #tpu.memory_space<semaphore_mem>>)
        %add3A_172 = arith.addi %mul3A_2, %mul3A_168 : i32
        %dma_start3A_173 = tpu.memref_slice %arg4[%add3A_172] : memref<320000xi32, #tpu.memory_space<hbm>> -> memref<80xi32, #tpu.memory_space<hbm>>
        %dma_start3A_174 = tpu.memref_slice %arg4[%add3A_172] : memref<320000xi32, #tpu.memory_space<hbm>> -> memref<80xi32, #tpu.memory_space<hbm>>
        tpu.enqueue_dma source(%dma_start3A_174 : memref<80xi32, #tpu.memory_space<hbm>>) target(%arg12 : memref<80xi32, #tpu.memory_space<vmem>>) target_semaphore(%arg25 : memref<!tpu.dma_semaphore, #tpu.memory_space<semaphore_mem>>)
      } else {
      }
      %add3A_110 = arith.constant 2 : i32
      %add3A_111 = arith.addi %add3A_94, %add3A_110 : i32
      %lt3A_112 = arith.constant 125 : i32
      %lt3A_113 = arith.cmpi slt, %add3A_111, %lt3A_112 : i32
      %convert_element_type3A_114 = arith.extui %lt3A_113 : i1 to i32
      %cond3A_115 = arith.constant 0 : i32
      %cond3A_116 = arith.cmpi ne, %convert_element_type3A_114, %cond3A_115 : i32
      scf.if %cond3A_116 {
        %add3A_165 = arith.constant 2 : i32
        %add3A_166 = arith.addi %add3A_94, %add3A_165 : i32
        %mul3A_167 = arith.constant 80 : i32
        %mul3A_168 = arith.muli %add3A_166, %mul3A_167 : i32
        %add3A_169 = arith.addi %mul3A_2, %mul3A_168 : i32
        %dma_wait3A_170 = tpu.memref_slice %arg3[%add3A_169] : memref<320000xi32, #tpu.memory_space<hbm>> -> memref<80xi32, #tpu.memory_space<hbm>>
        %dma_wait3A_171 = tpu.memref_slice %arg3[%add3A_169] : memref<320000xi32, #tpu.memory_space<hbm>> -> memref<80xi32, #tpu.memory_space<hbm>>
        tpu.wait_dma2 semaphore(%arg23 : memref<!tpu.dma_semaphore, #tpu.memory_space<semaphore_mem>>) src(%dma_wait3A_171 : memref<80xi32, #tpu.memory_space<hbm>>) dst(%arg10 : memref<80xi32, #tpu.memory_space<vmem>>)
        %dma_start3A_172 = arith.constant 0 : i32
        %dma_start3A_173 = arith.constant 0 : i32
        %dma_start3A_174 = tpu.memref_slice %arg2[%dma_start3A_172, %dma_start3A_173] : memref<10000x128xf32, #tpu.memory_space<hbm>> -> memref<10000x128xf32, #tpu.memory_space<hbm>>
        tpu.enqueue_indirect_dma source(%dma_start3A_174 : memref<10000x128xf32, #tpu.memory_space<hbm>>) target(%arg18 : memref<80x128xf32, #tpu.memory_space<vmem>>) offsets(%arg10 : memref<80xi32, #tpu.memory_space<vmem>>) semaphore(%arg31 : memref<!tpu.dma_semaphore, #tpu.memory_space<semaphore_mem>>)
      } else {
      }
      %add3A_117 = arith.constant 2 : i32
      %add3A_118 = arith.addi %mul3A_71, %add3A_117 : i32
      %dma_wait3A_119 = arith.constant 0 : i32
      %dma_wait3A_120 = arith.constant 0 : i32
      %dma_wait3A_121 = tpu.memref_slice %arg2[%dma_wait3A_119, %dma_wait3A_120] : memref<10000x128xf32, #tpu.memory_space<hbm>> -> memref<10000x128xf32, #tpu.memory_space<hbm>>
      tpu.wait_indirect_dma semaphore(%arg30 : memref<!tpu.dma_semaphore, #tpu.memory_space<semaphore_mem>>) src(%dma_wait3A_121 : memref<10000x128xf32, #tpu.memory_space<hbm>>) dst(%arg17 : memref<80x128xf32, #tpu.memory_space<vmem>>)
      %mul3A_122 = arith.constant 80 : i32
      %mul3A_123 = arith.muli %add3A_118, %mul3A_122 : i32
      %add3A_124 = arith.addi %mul3A_2, %mul3A_123 : i32
      %dma_wait3A_125 = tpu.memref_slice %arg4[%add3A_124] : memref<320000xi32, #tpu.memory_space<hbm>> -> memref<80xi32, #tpu.memory_space<hbm>>
      %dma_wait3A_126 = tpu.memref_slice %arg4[%add3A_124] : memref<320000xi32, #tpu.memory_space<hbm>> -> memref<80xi32, #tpu.memory_space<hbm>>
      tpu.wait_dma2 semaphore(%arg26 : memref<!tpu.dma_semaphore, #tpu.memory_space<semaphore_mem>>) src(%dma_wait3A_126 : memref<80xi32, #tpu.memory_space<hbm>>) dst(%arg13 : memref<80xi32, #tpu.memory_space<vmem>>)
      "tpu.region"() ({
        %run_scoped3A = tpu.sem_alloc : memref<!tpu.dma_semaphore, #tpu.memory_space<semaphore_mem>>
        %dma_start3A_165 = arith.constant 0 : i32
        %dma_start3A_166 = arith.constant 0 : i32
        %dma_start3A_167 = tpu.memref_slice %arg19[%dma_start3A_165, %dma_start3A_166] : memref<10240x128xf32, #tpu.memory_space<vmem_shared>> -> memref<10240x128xf32, #tpu.memory_space<vmem_shared>>
        tpu.enqueue_indirect_dma source(%arg17 : memref<80x128xf32, #tpu.memory_space<vmem>>) target(%dma_start3A_167 : memref<10240x128xf32, #tpu.memory_space<vmem_shared>>) offsets(%arg13 : memref<80xi32, #tpu.memory_space<vmem>>) semaphore(%run_scoped3A : memref<!tpu.dma_semaphore, #tpu.memory_space<semaphore_mem>>) {add = true}
        %dma_wait3A_168 = arith.constant 0 : i32
        %dma_wait3A_169 = arith.constant 0 : i32
        %dma_wait3A_170 = tpu.memref_slice %arg19[%dma_wait3A_168, %dma_wait3A_169] : memref<10240x128xf32, #tpu.memory_space<vmem_shared>> -> memref<10240x128xf32, #tpu.memory_space<vmem_shared>>
        tpu.wait_indirect_dma semaphore(%run_scoped3A : memref<!tpu.dma_semaphore, #tpu.memory_space<semaphore_mem>>) src(%arg17 : memref<80x128xf32, #tpu.memory_space<vmem>>) dst(%dma_wait3A_170 : memref<10240x128xf32, #tpu.memory_space<vmem_shared>>)
        tpu.yield
      }) : () -> ()
      %add3A_127 = arith.constant 4 : i32
      %add3A_128 = arith.addi %add3A_118, %add3A_127 : i32
      %lt3A_129 = arith.constant 125 : i32
      %lt3A_130 = arith.cmpi slt, %add3A_128, %lt3A_129 : i32
      %convert_element_type3A_131 = arith.extui %lt3A_130 : i1 to i32
      %cond3A_132 = arith.constant 0 : i32
      %cond3A_133 = arith.cmpi ne, %convert_element_type3A_131, %cond3A_132 : i32
      scf.if %cond3A_133 {
        %add3A_165 = arith.constant 4 : i32
        %add3A_166 = arith.addi %add3A_118, %add3A_165 : i32
        %mul3A_167 = arith.constant 80 : i32
        %mul3A_168 = arith.muli %add3A_166, %mul3A_167 : i32
        %add3A_169 = arith.addi %mul3A_2, %mul3A_168 : i32
        %dma_start3A_170 = tpu.memref_slice %arg3[%add3A_169] : memref<320000xi32, #tpu.memory_space<hbm>> -> memref<80xi32, #tpu.memory_space<hbm>>
        %dma_start3A_171 = tpu.memref_slice %arg3[%add3A_169] : memref<320000xi32, #tpu.memory_space<hbm>> -> memref<80xi32, #tpu.memory_space<hbm>>
        tpu.enqueue_dma source(%dma_start3A_171 : memref<80xi32, #tpu.memory_space<hbm>>) target(%arg9 : memref<80xi32, #tpu.memory_space<vmem>>) target_semaphore(%arg22 : memref<!tpu.dma_semaphore, #tpu.memory_space<semaphore_mem>>)
        %add3A_172 = arith.addi %mul3A_2, %mul3A_168 : i32
        %dma_start3A_173 = tpu.memref_slice %arg4[%add3A_172] : memref<320000xi32, #tpu.memory_space<hbm>> -> memref<80xi32, #tpu.memory_space<hbm>>
        %dma_start3A_174 = tpu.memref_slice %arg4[%add3A_172] : memref<320000xi32, #tpu.memory_space<hbm>> -> memref<80xi32, #tpu.memory_space<hbm>>
        tpu.enqueue_dma source(%dma_start3A_174 : memref<80xi32, #tpu.memory_space<hbm>>) target(%arg13 : memref<80xi32, #tpu.memory_space<vmem>>) target_semaphore(%arg26 : memref<!tpu.dma_semaphore, #tpu.memory_space<semaphore_mem>>)
      } else {
      }
      %add3A_134 = arith.constant 2 : i32
      %add3A_135 = arith.addi %add3A_118, %add3A_134 : i32
      %lt3A_136 = arith.constant 125 : i32
      %lt3A_137 = arith.cmpi slt, %add3A_135, %lt3A_136 : i32
      %convert_element_type3A_138 = arith.extui %lt3A_137 : i1 to i32
      %cond3A_139 = arith.constant 0 : i32
      %cond3A_140 = arith.cmpi ne, %convert_element_type3A_138, %cond3A_139 : i32
      scf.if %cond3A_140 {
        %add3A_165 = arith.constant 2 : i32
        %add3A_166 = arith.addi %add3A_118, %add3A_165 : i32
        %mul3A_167 = arith.constant 80 : i32
        %mul3A_168 = arith.muli %add3A_166, %mul3A_167 : i32
        %add3A_169 = arith.addi %mul3A_2, %mul3A_168 : i32
        %dma_wait3A_170 = tpu.memref_slice %arg3[%add3A_169] : memref<320000xi32, #tpu.memory_space<hbm>> -> memref<80xi32, #tpu.memory_space<hbm>>
        %dma_wait3A_171 = tpu.memref_slice %arg3[%add3A_169] : memref<320000xi32, #tpu.memory_space<hbm>> -> memref<80xi32, #tpu.memory_space<hbm>>
        tpu.wait_dma2 semaphore(%arg20 : memref<!tpu.dma_semaphore, #tpu.memory_space<semaphore_mem>>) src(%dma_wait3A_171 : memref<80xi32, #tpu.memory_space<hbm>>) dst(%arg7 : memref<80xi32, #tpu.memory_space<vmem>>)
        %dma_start3A_172 = arith.constant 0 : i32
        %dma_start3A_173 = arith.constant 0 : i32
        %dma_start3A_174 = tpu.memref_slice %arg2[%dma_start3A_172, %dma_start3A_173] : memref<10000x128xf32, #tpu.memory_space<hbm>> -> memref<10000x128xf32, #tpu.memory_space<hbm>>
        tpu.enqueue_indirect_dma source(%dma_start3A_174 : memref<10000x128xf32, #tpu.memory_space<hbm>>) target(%arg15 : memref<80x128xf32, #tpu.memory_space<vmem>>) offsets(%arg7 : memref<80xi32, #tpu.memory_space<vmem>>) semaphore(%arg28 : memref<!tpu.dma_semaphore, #tpu.memory_space<semaphore_mem>>)
      } else {
      }
      %add3A_141 = arith.constant 3 : i32
      %add3A_142 = arith.addi %mul3A_71, %add3A_141 : i32
      %dma_wait3A_143 = arith.constant 0 : i32
      %dma_wait3A_144 = arith.constant 0 : i32
      %dma_wait3A_145 = tpu.memref_slice %arg2[%dma_wait3A_143, %dma_wait3A_144] : memref<10000x128xf32, #tpu.memory_space<hbm>> -> memref<10000x128xf32, #tpu.memory_space<hbm>>
      tpu.wait_indirect_dma semaphore(%arg31 : memref<!tpu.dma_semaphore, #tpu.memory_space<semaphore_mem>>) src(%dma_wait3A_145 : memref<10000x128xf32, #tpu.memory_space<hbm>>) dst(%arg18 : memref<80x128xf32, #tpu.memory_space<vmem>>)
      %mul3A_146 = arith.constant 80 : i32
      %mul3A_147 = arith.muli %add3A_142, %mul3A_146 : i32
      %add3A_148 = arith.addi %mul3A_2, %mul3A_147 : i32
      %dma_wait3A_149 = tpu.memref_slice %arg4[%add3A_148] : memref<320000xi32, #tpu.memory_space<hbm>> -> memref<80xi32, #tpu.memory_space<hbm>>
      %dma_wait3A_150 = tpu.memref_slice %arg4[%add3A_148] : memref<320000xi32, #tpu.memory_space<hbm>> -> memref<80xi32, #tpu.memory_space<hbm>>
      tpu.wait_dma2 semaphore(%arg27 : memref<!tpu.dma_semaphore, #tpu.memory_space<semaphore_mem>>) src(%dma_wait3A_150 : memref<80xi32, #tpu.memory_space<hbm>>) dst(%arg14 : memref<80xi32, #tpu.memory_space<vmem>>)
      "tpu.region"() ({
        %run_scoped3A = tpu.sem_alloc : memref<!tpu.dma_semaphore, #tpu.memory_space<semaphore_mem>>
        %dma_start3A_165 = arith.constant 0 : i32
        %dma_start3A_166 = arith.constant 0 : i32
        %dma_start3A_167 = tpu.memref_slice %arg19[%dma_start3A_165, %dma_start3A_166] : memref<10240x128xf32, #tpu.memory_space<vmem_shared>> -> memref<10240x128xf32, #tpu.memory_space<vmem_shared>>
        tpu.enqueue_indirect_dma source(%arg18 : memref<80x128xf32, #tpu.memory_space<vmem>>) target(%dma_start3A_167 : memref<10240x128xf32, #tpu.memory_space<vmem_shared>>) offsets(%arg14 : memref<80xi32, #tpu.memory_space<vmem>>) semaphore(%run_scoped3A : memref<!tpu.dma_semaphore, #tpu.memory_space<semaphore_mem>>) {add = true}
        %dma_wait3A_168 = arith.constant 0 : i32
        %dma_wait3A_169 = arith.constant 0 : i32
        %dma_wait3A_170 = tpu.memref_slice %arg19[%dma_wait3A_168, %dma_wait3A_169] : memref<10240x128xf32, #tpu.memory_space<vmem_shared>> -> memref<10240x128xf32, #tpu.memory_space<vmem_shared>>
        tpu.wait_indirect_dma semaphore(%run_scoped3A : memref<!tpu.dma_semaphore, #tpu.memory_space<semaphore_mem>>) src(%arg18 : memref<80x128xf32, #tpu.memory_space<vmem>>) dst(%dma_wait3A_170 : memref<10240x128xf32, #tpu.memory_space<vmem_shared>>)
        tpu.yield
      }) : () -> ()
      %add3A_151 = arith.constant 4 : i32
      %add3A_152 = arith.addi %add3A_142, %add3A_151 : i32
      %lt3A_153 = arith.constant 125 : i32
      %lt3A_154 = arith.cmpi slt, %add3A_152, %lt3A_153 : i32
      %convert_element_type3A_155 = arith.extui %lt3A_154 : i1 to i32
      %cond3A_156 = arith.constant 0 : i32
      %cond3A_157 = arith.cmpi ne, %convert_element_type3A_155, %cond3A_156 : i32
      scf.if %cond3A_157 {
        %add3A_165 = arith.constant 4 : i32
        %add3A_166 = arith.addi %add3A_142, %add3A_165 : i32
        %mul3A_167 = arith.constant 80 : i32
        %mul3A_168 = arith.muli %add3A_166, %mul3A_167 : i32
        %add3A_169 = arith.addi %mul3A_2, %mul3A_168 : i32
        %dma_start3A_170 = tpu.memref_slice %arg3[%add3A_169] : memref<320000xi32, #tpu.memory_space<hbm>> -> memref<80xi32, #tpu.memory_space<hbm>>
        %dma_start3A_171 = tpu.memref_slice %arg3[%add3A_169] : memref<320000xi32, #tpu.memory_space<hbm>> -> memref<80xi32, #tpu.memory_space<hbm>>
        tpu.enqueue_dma source(%dma_start3A_171 : memref<80xi32, #tpu.memory_space<hbm>>) target(%arg10 : memref<80xi32, #tpu.memory_space<vmem>>) target_semaphore(%arg23 : memref<!tpu.dma_semaphore, #tpu.memory_space<semaphore_mem>>)
        %add3A_172 = arith.addi %mul3A_2, %mul3A_168 : i32
        %dma_start3A_173 = tpu.memref_slice %arg4[%add3A_172] : memref<320000xi32, #tpu.memory_space<hbm>> -> memref<80xi32, #tpu.memory_space<hbm>>
        %dma_start3A_174 = tpu.memref_slice %arg4[%add3A_172] : memref<320000xi32, #tpu.memory_space<hbm>> -> memref<80xi32, #tpu.memory_space<hbm>>
        tpu.enqueue_dma source(%dma_start3A_174 : memref<80xi32, #tpu.memory_space<hbm>>) target(%arg14 : memref<80xi32, #tpu.memory_space<vmem>>) target_semaphore(%arg27 : memref<!tpu.dma_semaphore, #tpu.memory_space<semaphore_mem>>)
      } else {
      }
      %add3A_158 = arith.constant 2 : i32
      %add3A_159 = arith.addi %add3A_142, %add3A_158 : i32
      %lt3A_160 = arith.constant 125 : i32
      %lt3A_161 = arith.cmpi slt, %add3A_159, %lt3A_160 : i32
      %convert_element_type3A_162 = arith.extui %lt3A_161 : i1 to i32
      %cond3A_163 = arith.constant 0 : i32
      %cond3A_164 = arith.cmpi ne, %convert_element_type3A_162, %cond3A_163 : i32
      scf.if %cond3A_164 {
        %add3A_165 = arith.constant 2 : i32
        %add3A_166 = arith.addi %add3A_142, %add3A_165 : i32
        %mul3A_167 = arith.constant 80 : i32
        %mul3A_168 = arith.muli %add3A_166, %mul3A_167 : i32
        %add3A_169 = arith.addi %mul3A_2, %mul3A_168 : i32
        %dma_wait3A_170 = tpu.memref_slice %arg3[%add3A_169] : memref<320000xi32, #tpu.memory_space<hbm>> -> memref<80xi32, #tpu.memory_space<hbm>>
        %dma_wait3A_171 = tpu.memref_slice %arg3[%add3A_169] : memref<320000xi32, #tpu.memory_space<hbm>> -> memref<80xi32, #tpu.memory_space<hbm>>
        tpu.wait_dma2 semaphore(%arg21 : memref<!tpu.dma_semaphore, #tpu.memory_space<semaphore_mem>>) src(%dma_wait3A_171 : memref<80xi32, #tpu.memory_space<hbm>>) dst(%arg8 : memref<80xi32, #tpu.memory_space<vmem>>)
        %dma_start3A_172 = arith.constant 0 : i32
        %dma_start3A_173 = arith.constant 0 : i32
        %dma_start3A_174 = tpu.memref_slice %arg2[%dma_start3A_172, %dma_start3A_173] : memref<10000x128xf32, #tpu.memory_space<hbm>> -> memref<10000x128xf32, #tpu.memory_space<hbm>>
        tpu.enqueue_indirect_dma source(%dma_start3A_174 : memref<10000x128xf32, #tpu.memory_space<hbm>>) target(%arg16 : memref<80x128xf32, #tpu.memory_space<vmem>>) offsets(%arg8 : memref<80xi32, #tpu.memory_space<vmem>>) semaphore(%arg29 : memref<!tpu.dma_semaphore, #tpu.memory_space<semaphore_mem>>)
      } else {
      }
    }
    %dma_wait3A_59 = arith.constant 0 : i32
    %dma_wait3A_60 = arith.constant 0 : i32
    %dma_wait3A_61 = tpu.memref_slice %arg2[%dma_wait3A_59, %dma_wait3A_60] : memref<10000x128xf32, #tpu.memory_space<hbm>> -> memref<10000x128xf32, #tpu.memory_space<hbm>>
    tpu.wait_indirect_dma semaphore(%arg28 : memref<!tpu.dma_semaphore, #tpu.memory_space<semaphore_mem>>) src(%dma_wait3A_61 : memref<10000x128xf32, #tpu.memory_space<hbm>>) dst(%arg15 : memref<80x128xf32, #tpu.memory_space<vmem>>)
    %mul3A_62 = arith.constant 124 : i32
    %mul3A_63 = arith.constant 80 : i32
    %mul3A_64 = arith.muli %mul3A_62, %mul3A_63 : i32
    %add3A_65 = arith.addi %mul3A_2, %mul3A_64 : i32
    %dma_wait3A_66 = tpu.memref_slice %arg4[%add3A_65] : memref<320000xi32, #tpu.memory_space<hbm>> -> memref<80xi32, #tpu.memory_space<hbm>>
    %dma_wait3A_67 = tpu.memref_slice %arg4[%add3A_65] : memref<320000xi32, #tpu.memory_space<hbm>> -> memref<80xi32, #tpu.memory_space<hbm>>
    tpu.wait_dma2 semaphore(%arg24 : memref<!tpu.dma_semaphore, #tpu.memory_space<semaphore_mem>>) src(%dma_wait3A_67 : memref<80xi32, #tpu.memory_space<hbm>>) dst(%arg11 : memref<80xi32, #tpu.memory_space<vmem>>)
    "tpu.region"() ({
      %run_scoped3A = tpu.sem_alloc : memref<!tpu.dma_semaphore, #tpu.memory_space<semaphore_mem>>
      %dma_start3A_69 = arith.constant 0 : i32
      %dma_start3A_70 = arith.constant 0 : i32
      %dma_start3A_71 = tpu.memref_slice %arg19[%dma_start3A_69, %dma_start3A_70] : memref<10240x128xf32, #tpu.memory_space<vmem_shared>> -> memref<10240x128xf32, #tpu.memory_space<vmem_shared>>
      tpu.enqueue_indirect_dma source(%arg15 : memref<80x128xf32, #tpu.memory_space<vmem>>) target(%dma_start3A_71 : memref<10240x128xf32, #tpu.memory_space<vmem_shared>>) offsets(%arg11 : memref<80xi32, #tpu.memory_space<vmem>>) semaphore(%run_scoped3A : memref<!tpu.dma_semaphore, #tpu.memory_space<semaphore_mem>>) {add = true}
      %dma_wait3A_72 = arith.constant 0 : i32
      %dma_wait3A_73 = arith.constant 0 : i32
      %dma_wait3A_74 = tpu.memref_slice %arg19[%dma_wait3A_72, %dma_wait3A_73] : memref<10240x128xf32, #tpu.memory_space<vmem_shared>> -> memref<10240x128xf32, #tpu.memory_space<vmem_shared>>
      tpu.wait_indirect_dma semaphore(%run_scoped3A : memref<!tpu.dma_semaphore, #tpu.memory_space<semaphore_mem>>) src(%arg15 : memref<80x128xf32, #tpu.memory_space<vmem>>) dst(%dma_wait3A_74 : memref<10240x128xf32, #tpu.memory_space<vmem_shared>>)
      tpu.yield
    }) : () -> ()
    %barrier3A_68 = arith.constant 0 : index
    tpu.barrier barrier_id(%barrier3A_68)
    "tpu.region"() ({
      %run_scoped3A = tpu.sem_alloc : memref<!tpu.dma_semaphore, #tpu.memory_space<semaphore_mem>>
      %dma_start3A_69 = arith.constant 0 : i32
      %dma_start3A_70 = tpu.memref_slice %arg6[%arg0, %mul3A_4, %dma_start3A_69] : memref<2x10240x128xf32, #tpu.memory_space<hbm>> -> memref<1x640x128xf32, #tpu.memory_space<hbm>>
      %dma_start3A_71 = tpu.memref_squeeze %dma_start3A_70 : memref<1x640x128xf32, #tpu.memory_space<hbm>> -> memref<640x128xf32, #tpu.memory_space<hbm>>
      %dma_start3A_72 = arith.constant 0 : i32
      %dma_start3A_73 = tpu.memref_slice %arg19[%mul3A_4, %dma_start3A_72] : memref<10240x128xf32, #tpu.memory_space<vmem_shared>> -> memref<640x128xf32, #tpu.memory_space<vmem_shared>>
      tpu.enqueue_dma source(%dma_start3A_73 : memref<640x128xf32, #tpu.memory_space<vmem_shared>>) target(%dma_start3A_71 : memref<640x128xf32, #tpu.memory_space<hbm>>) target_semaphore(%run_scoped3A : memref<!tpu.dma_semaphore, #tpu.memory_space<semaphore_mem>>)
      %dma_wait3A_74 = arith.constant 0 : i32
      %dma_wait3A_75 = tpu.memref_slice %arg6[%arg0, %mul3A_4, %dma_wait3A_74] : memref<2x10240x128xf32, #tpu.memory_space<hbm>> -> memref<1x640x128xf32, #tpu.memory_space<hbm>>
      %dma_wait3A_76 = tpu.memref_squeeze %dma_wait3A_75 : memref<1x640x128xf32, #tpu.memory_space<hbm>> -> memref<640x128xf32, #tpu.memory_space<hbm>>
      %dma_wait3A_77 = arith.constant 0 : i32
      %dma_wait3A_78 = tpu.memref_slice %arg19[%mul3A_4, %dma_wait3A_77] : memref<10240x128xf32, #tpu.memory_space<vmem_shared>> -> memref<640x128xf32, #tpu.memory_space<vmem_shared>>
      tpu.wait_dma2 semaphore(%run_scoped3A : memref<!tpu.dma_semaphore, #tpu.memory_space<semaphore_mem>>) src(%dma_wait3A_78 : memref<640x128xf32, #tpu.memory_space<vmem_shared>>) dst(%dma_wait3A_76 : memref<640x128xf32, #tpu.memory_space<hbm>>)
      tpu.yield
    }) : () -> ()
    return
  }
}

#map = affine_map<(d0, d1) -> (0, 0)>
#map1 = affine_map<(d0, d1) -> (0)>
#map2 = affine_map<(d0, d1) -> (0, 0, 0)>
module attributes {stable_mosaic.version = 14 : i64} {
  func.func @_scatter_kernel(%arg0: i32, %arg1: i32, %arg2: memref<10000x128xf32, #tpu.memory_space<hbm>>, %arg3: memref<320000xi32, #tpu.memory_space<hbm>>, %arg4: memref<320000xi32, #tpu.memory_space<hbm>>, %arg5: memref<10240x128xf32, #tpu.memory_space<hbm>>, %arg6: memref<2x10240x128xf32, #tpu.memory_space<hbm>>, %arg7: memref<80xi32, #tpu.memory_space<vmem>>, %arg8: memref<80xi32, #tpu.memory_space<vmem>>, %arg9: memref<80xi32, #tpu.memory_space<vmem>>, %arg10: memref<80xi32, #tpu.memory_space<vmem>>, %arg11: memref<80xi32, #tpu.memory_space<vmem>>, %arg12: memref<80xi32, #tpu.memory_space<vmem>>, %arg13: memref<80xi32, #tpu.memory_space<vmem>>, %arg14: memref<80xi32, #tpu.memory_space<vmem>>, %arg15: memref<80x128xf32, #tpu.memory_space<vmem>>, %arg16: memref<80x128xf32, #tpu.memory_space<vmem>>, %arg17: memref<80x128xf32, #tpu.memory_space<vmem>>, %arg18: memref<80x128xf32, #tpu.memory_space<vmem>>, %arg19: memref<10240x128xf32, #tpu.memory_space<vmem_shared>>, %arg20: memref<!tpu.dma_semaphore, #tpu.memory_space<semaphore_mem>>, %arg21: memref<!tpu.dma_semaphore, #tpu.memory_space<semaphore_mem>>, %arg22: memref<!tpu.dma_semaphore, #tpu.memory_space<semaphore_mem>>, %arg23: memref<!tpu.dma_semaphore, #tpu.memory_space<semaphore_mem>>, %arg24: memref<!tpu.dma_semaphore, #tpu.memory_space<semaphore_mem>>, %arg25: memref<!tpu.dma_semaphore, #tpu.memory_space<semaphore_mem>>, %arg26: memref<!tpu.dma_semaphore, #tpu.memory_space<semaphore_mem>>, %arg27: memref<!tpu.dma_semaphore, #tpu.memory_space<semaphore_mem>>, %arg28: memref<!tpu.dma_semaphore, #tpu.memory_space<semaphore_mem>>, %arg29: memref<!tpu.dma_semaphore, #tpu.memory_space<semaphore_mem>>, %arg30: memref<!tpu.dma_semaphore, #tpu.memory_space<semaphore_mem>>, %arg31: memref<!tpu.dma_semaphore, #tpu.memory_space<semaphore_mem>>) attributes {dimension_semantics = [#tpu.dimension_semantics<core_parallel>, #tpu.dimension_semantics<subcore_parallel>], iteration_bounds = array<i64: 2, 16>, scalar_prefetch = 0 : i64, scratch_operands = 25 : i64, tpu.core_type = #tpu.core_type<sc_vector_subcore>, window_params = [{transform_indices = #map}, {transform_indices = #map1}, {transform_indices = #map1}, {transform_indices = #map}, {transform_indices = #map2}]} {
    %mul3A = arith.constant 2 : i32
    %mul3A_0 = arith.muli %arg1, %mul3A : i32
    %add3A = arith.addi %mul3A_0, %arg0 : i32
    %mul3A_1 = arith.constant 10000 : i32
    %mul3A_2 = arith.muli %add3A, %mul3A_1 : i32
    %mul3A_3 = arith.constant 640 : i32
    %mul3A_4 = arith.muli %arg1, %mul3A_3 : i32
    "tpu.region"() ({
      %run_scoped3A = tpu.sem_alloc : memref<!tpu.dma_semaphore, #tpu.memory_space<semaphore_mem>>
      %dma_start3A_69 = arith.constant 0 : i32
      %dma_start3A_70 = tpu.memref_slice %arg19[%mul3A_4, %dma_start3A_69] : memref<10240x128xf32, #tpu.memory_space<vmem_shared>> -> memref<640x128xf32, #tpu.memory_space<vmem_shared>>
      %dma_start3A_71 = arith.constant 0 : i32
      %dma_start3A_72 = tpu.memref_slice %arg5[%mul3A_4, %dma_start3A_71] : memref<10240x128xf32, #tpu.memory_space<hbm>> -> memref<640x128xf32, #tpu.memory_space<hbm>>
      tpu.enqueue_dma source(%dma_start3A_72 : memref<640x128xf32, #tpu.memory_space<hbm>>) target(%dma_start3A_70 : memref<640x128xf32, #tpu.memory_space<vmem_shared>>) target_semaphore(%run_scoped3A : memref<!tpu.dma_semaphore, #tpu.memory_space<semaphore_mem>>)
      %dma_wait3A_73 = arith.constant 0 : i32
      %dma_wait3A_74 = tpu.memref_slice %arg19[%mul3A_4, %dma_wait3A_73] : memref<10240x128xf32, #tpu.memory_space<vmem_shared>> -> memref<640x128xf32, #tpu.memory_space<vmem_shared>>
      %dma_wait3A_75 = arith.constant 0 : i32
      %dma_wait3A_76 = tpu.memref_slice %arg5[%mul3A_4, %dma_wait3A_75] : memref<10240x128xf32, #tpu.memory_space<hbm>> -> memref<640x128xf32, #tpu.memory_space<hbm>>
      tpu.wait_dma2 semaphore(%run_scoped3A : memref<!tpu.dma_semaphore, #tpu.memory_space<semaphore_mem>>) src(%dma_wait3A_76 : memref<640x128xf32, #tpu.memory_space<hbm>>) dst(%dma_wait3A_74 : memref<640x128xf32, #tpu.memory_space<vmem_shared>>)
      tpu.yield
    }) : () -> ()
    %barrier3A = arith.constant 0 : index
    tpu.barrier barrier_id(%barrier3A)
    %add3A_5 = arith.constant 0 : i32
    %add3A_6 = arith.addi %mul3A_2, %add3A_5 : i32
    %dma_start3A = tpu.memref_slice %arg3[%add3A_6] : memref<320000xi32, #tpu.memory_space<hbm>> -> memref<80xi32, #tpu.memory_space<hbm>>
    %dma_start3A_7 = tpu.memref_slice %arg3[%add3A_6] : memref<320000xi32, #tpu.memory_space<hbm>> -> memref<80xi32, #tpu.memory_space<hbm>>
    tpu.enqueue_dma source(%dma_start3A_7 : memref<80xi32, #tpu.memory_space<hbm>>) target(%arg7 : memref<80xi32, #tpu.memory_space<vmem>>) target_semaphore(%arg20 : memref<!tpu.dma_semaphore, #tpu.memory_space<semaphore_mem>>)
    %add3A_8 = arith.constant 0 : i32
    %add3A_9 = arith.addi %mul3A_2, %add3A_8 : i32
    %dma_start3A_10 = tpu.memref_slice %arg4[%add3A_9] : memref<320000xi32, #tpu.memory_space<hbm>> -> memref<80xi32, #tpu.memory_space<hbm>>
    %dma_start3A_11 = tpu.memref_slice %arg4[%add3A_9] : memref<320000xi32, #tpu.memory_space<hbm>> -> memref<80xi32, #tpu.memory_space<hbm>>
    tpu.enqueue_dma source(%dma_start3A_11 : memref<80xi32, #tpu.memory_space<hbm>>) target(%arg11 : memref<80xi32, #tpu.memory_space<vmem>>) target_semaphore(%arg24 : memref<!tpu.dma_semaphore, #tpu.memory_space<semaphore_mem>>)
    %add3A_12 = arith.constant 80 : i32
    %add3A_13 = arith.addi %mul3A_2, %add3A_12 : i32
    %dma_start3A_14 = tpu.memref_slice %arg3[%add3A_13] : memref<320000xi32, #tpu.memory_space<hbm>> -> memref<80xi32, #tpu.memory_space<hbm>>
    %dma_start3A_15 = tpu.memref_slice %arg3[%add3A_13] : memref<320000xi32, #tpu.memory_space<hbm>> -> memref<80xi32, #tpu.memory_space<hbm>>
    tpu.enqueue_dma source(%dma_start3A_15 : memref<80xi32, #tpu.memory_space<hbm>>) target(%arg8 : memref<80xi32, #tpu.memory_space<vmem>>) target_semaphore(%arg21 : memref<!tpu.dma_semaphore, #tpu.memory_space<semaphore_mem>>)
    %add3A_16 = arith.constant 80 : i32
    %add3A_17 = arith.addi %mul3A_2, %add3A_16 : i32
    %dma_start3A_18 = tpu.memref_slice %arg4[%add3A_17] : memref<320000xi32, #tpu.memory_space<hbm>> -> memref<80xi32, #tpu.memory_space<hbm>>
    %dma_start3A_19 = tpu.memref_slice %arg4[%add3A_17] : memref<320000xi32, #tpu.memory_space<hbm>> -> memref<80xi32, #tpu.memory_space<hbm>>
    tpu.enqueue_dma source(%dma_start3A_19 : memref<80xi32, #tpu.memory_space<hbm>>) target(%arg12 : memref<80xi32, #tpu.memory_space<vmem>>) target_semaphore(%arg25 : memref<!tpu.dma_semaphore, #tpu.memory_space<semaphore_mem>>)
    %add3A_20 = arith.constant 160 : i32
    %add3A_21 = arith.addi %mul3A_2, %add3A_20 : i32
    %dma_start3A_22 = tpu.memref_slice %arg3[%add3A_21] : memref<320000xi32, #tpu.memory_space<hbm>> -> memref<80xi32, #tpu.memory_space<hbm>>
    %dma_start3A_23 = tpu.memref_slice %arg3[%add3A_21] : memref<320000xi32, #tpu.memory_space<hbm>> -> memref<80xi32, #tpu.memory_space<hbm>>
    tpu.enqueue_dma source(%dma_start3A_23 : memref<80xi32, #tpu.memory_space<hbm>>) target(%arg9 : memref<80xi32, #tpu.memory_space<vmem>>) target_semaphore(%arg22 : memref<!tpu.dma_semaphore, #tpu.memory_space<semaphore_mem>>)
    %add3A_24 = arith.constant 160 : i32
    %add3A_25 = arith.addi %mul3A_2, %add3A_24 : i32
    %dma_start3A_26 = tpu.memref_slice %arg4[%add3A_25] : memref<320000xi32, #tpu.memory_space<hbm>> -> memref<80xi32, #tpu.memory_space<hbm>>
    %dma_start3A_27 = tpu.memref_slice %arg4[%add3A_25] : memref<320000xi32, #tpu.memory_space<hbm>> -> memref<80xi32, #tpu.memory_space<hbm>>
    tpu.enqueue_dma source(%dma_start3A_27 : memref<80xi32, #tpu.memory_space<hbm>>) target(%arg13 : memref<80xi32, #tpu.memory_space<vmem>>) target_semaphore(%arg26 : memref<!tpu.dma_semaphore, #tpu.memory_space<semaphore_mem>>)
    %add3A_28 = arith.constant 240 : i32
    %add3A_29 = arith.addi %mul3A_2, %add3A_28 : i32
    %dma_start3A_30 = tpu.memref_slice %arg3[%add3A_29] : memref<320000xi32, #tpu.memory_space<hbm>> -> memref<80xi32, #tpu.memory_space<hbm>>
    %dma_start3A_31 = tpu.memref_slice %arg3[%add3A_29] : memref<320000xi32, #tpu.memory_space<hbm>> -> memref<80xi32, #tpu.memory_space<hbm>>
    tpu.enqueue_dma source(%dma_start3A_31 : memref<80xi32, #tpu.memory_space<hbm>>) target(%arg10 : memref<80xi32, #tpu.memory_space<vmem>>) target_semaphore(%arg23 : memref<!tpu.dma_semaphore, #tpu.memory_space<semaphore_mem>>)
    %add3A_32 = arith.constant 240 : i32
    %add3A_33 = arith.addi %mul3A_2, %add3A_32 : i32
    %dma_start3A_34 = tpu.memref_slice %arg4[%add3A_33] : memref<320000xi32, #tpu.memory_space<hbm>> -> memref<80xi32, #tpu.memory_space<hbm>>
    %dma_start3A_35 = tpu.memref_slice %arg4[%add3A_33] : memref<320000xi32, #tpu.memory_space<hbm>> -> memref<80xi32, #tpu.memory_space<hbm>>
    tpu.enqueue_dma source(%dma_start3A_35 : memref<80xi32, #tpu.memory_space<hbm>>) target(%arg14 : memref<80xi32, #tpu.memory_space<vmem>>) target_semaphore(%arg27 : memref<!tpu.dma_semaphore, #tpu.memory_space<semaphore_mem>>)
    %add3A_36 = arith.constant 0 : i32
    %add3A_37 = arith.addi %mul3A_2, %add3A_36 : i32
    %dma_wait3A = tpu.memref_slice %arg3[%add3A_37] : memref<320000xi32, #tpu.memory_space<hbm>> -> memref<80xi32, #tpu.memory_space<hbm>>
    %dma_wait3A_38 = tpu.memref_slice %arg3[%add3A_37] : memref<320000xi32, #tpu.memory_space<hbm>> -> memref<80xi32, #tpu.memory_space<hbm>>
    tpu.wait_dma2 semaphore(%arg20 : memref<!tpu.dma_semaphore, #tpu.memory_space<semaphore_mem>>) src(%dma_wait3A_38 : memref<80xi32, #tpu.memory_space<hbm>>) dst(%arg7 : memref<80xi32, #tpu.memory_space<vmem>>)
    %dma_start3A_39 = arith.constant 0 : i32
    %dma_start3A_40 = arith.constant 0 : i32
    %dma_start3A_41 = tpu.memref_slice %arg2[%dma_start3A_39, %dma_start3A_40] : memref<10000x128xf32, #tpu.memory_space<hbm>> -> memref<10000x128xf32, #tpu.memory_space<hbm>>
    tpu.enqueue_indirect_dma source(%dma_start3A_41 : memref<10000x128xf32, #tpu.memory_space<hbm>>) target(%arg15 : memref<80x128xf32, #tpu.memory_space<vmem>>) offsets(%arg7 : memref<80xi32, #tpu.memory_space<vmem>>) semaphore(%arg28 : memref<!tpu.dma_semaphore, #tpu.memory_space<semaphore_mem>>)
    %add3A_42 = arith.constant 80 : i32
    %add3A_43 = arith.addi %mul3A_2, %add3A_42 : i32
    %dma_wait3A_44 = tpu.memref_slice %arg3[%add3A_43] : memref<320000xi32, #tpu.memory_space<hbm>> -> memref<80xi32, #tpu.memory_space<hbm>>
    %dma_wait3A_45 = tpu.memref_slice %arg3[%add3A_43] : memref<320000xi32, #tpu.memory_space<hbm>> -> memref<80xi32, #tpu.memory_space<hbm>>
    tpu.wait_dma2 semaphore(%arg21 : memref<!tpu.dma_semaphore, #tpu.memory_space<semaphore_mem>>) src(%dma_wait3A_45 : memref<80xi32, #tpu.memory_space<hbm>>) dst(%arg8 : memref<80xi32, #tpu.memory_space<vmem>>)
    %dma_start3A_46 = arith.constant 0 : i32
    %dma_start3A_47 = arith.constant 0 : i32
    %dma_start3A_48 = tpu.memref_slice %arg2[%dma_start3A_46, %dma_start3A_47] : memref<10000x128xf32, #tpu.memory_space<hbm>> -> memref<10000x128xf32, #tpu.memory_space<hbm>>
    tpu.enqueue_indirect_dma source(%dma_start3A_48 : memref<10000x128xf32, #tpu.memory_space<hbm>>) target(%arg16 : memref<80x128xf32, #tpu.memory_space<vmem>>) offsets(%arg8 : memref<80xi32, #tpu.memory_space<vmem>>) semaphore(%arg29 : memref<!tpu.dma_semaphore, #tpu.memory_space<semaphore_mem>>)
    %while3A = arith.constant 0 : i32
    %while3A_49 = arith.constant 0 : i32
    %while3A_50 = arith.constant 31 : i32
    %while3A_51 = arith.subi %while3A_50, %while3A_49 : i32
    %while3A_52 = arith.addi %while3A_49, %while3A_51 : i32
    %while3A_53 = arith.constant 1 : i32
    %while3A_54 = arith.divsi %while3A_51, %while3A_53 : i32
    %while3A_55 = arith.muli %while3A_54, %while3A_53 : i32
    %while3A_56 = arith.addi %while3A_49, %while3A_55 : i32
    %while3A_57 = arith.constant 1 : i32
    scf.for %while3A_69 = %while3A_49 to %while3A_56 step %while3A_57  : i32 {
      %mul3A_70 = arith.constant 4 : i32
      %mul3A_71 = arith.muli %mul3A_70, %while3A_69 : i32
      %add3A_72 = arith.constant 0 : i32
      %add3A_73 = arith.addi %mul3A_71, %add3A_72 : i32
      %dma_wait3A_74 = arith.constant 0 : i32
      %dma_wait3A_75 = arith.constant 0 : i32
      %dma_wait3A_76 = tpu.memref_slice %arg2[%dma_wait3A_74, %dma_wait3A_75] : memref<10000x128xf32, #tpu.memory_space<hbm>> -> memref<10000x128xf32, #tpu.memory_space<hbm>>
      tpu.wait_indirect_dma semaphore(%arg28 : memref<!tpu.dma_semaphore, #tpu.memory_space<semaphore_mem>>) src(%dma_wait3A_76 : memref<10000x128xf32, #tpu.memory_space<hbm>>) dst(%arg15 : memref<80x128xf32, #tpu.memory_space<vmem>>)
      %mul3A_77 = arith.constant 80 : i32
      %mul3A_78 = arith.muli %add3A_73, %mul3A_77 : i32
      %add3A_79 = arith.addi %mul3A_2, %mul3A_78 : i32
      %dma_wait3A_80 = tpu.memref_slice %arg4[%add3A_79] : memref<320000xi32, #tpu.memory_space<hbm>> -> memref<80xi32, #tpu.memory_space<hbm>>
      %dma_wait3A_81 = tpu.memref_slice %arg4[%add3A_79] : memref<320000xi32, #tpu.memory_space<hbm>> -> memref<80xi32, #tpu.memory_space<hbm>>
      tpu.wait_dma2 semaphore(%arg24 : memref<!tpu.dma_semaphore, #tpu.memory_space<semaphore_mem>>) src(%dma_wait3A_81 : memref<80xi32, #tpu.memory_space<hbm>>) dst(%arg11 : memref<80xi32, #tpu.memory_space<vmem>>)
      "tpu.region"() ({
        %run_scoped3A = tpu.sem_alloc : memref<!tpu.dma_semaphore, #tpu.memory_space<semaphore_mem>>
        %dma_start3A_165 = arith.constant 0 : i32
        %dma_start3A_166 = arith.constant 0 : i32
        %dma_start3A_167 = tpu.memref_slice %arg19[%dma_start3A_165, %dma_start3A_166] : memref<10240x128xf32, #tpu.memory_space<vmem_shared>> -> memref<10240x128xf32, #tpu.memory_space<vmem_shared>>
        tpu.enqueue_indirect_dma source(%arg15 : memref<80x128xf32, #tpu.memory_space<vmem>>) target(%dma_start3A_167 : memref<10240x128xf32, #tpu.memory_space<vmem_shared>>) offsets(%arg11 : memref<80xi32, #tpu.memory_space<vmem>>) semaphore(%run_scoped3A : memref<!tpu.dma_semaphore, #tpu.memory_space<semaphore_mem>>) {add = true}
        %dma_wait3A_168 = arith.constant 0 : i32
        %dma_wait3A_169 = arith.constant 0 : i32
        %dma_wait3A_170 = tpu.memref_slice %arg19[%dma_wait3A_168, %dma_wait3A_169] : memref<10240x128xf32, #tpu.memory_space<vmem_shared>> -> memref<10240x128xf32, #tpu.memory_space<vmem_shared>>
        tpu.wait_indirect_dma semaphore(%run_scoped3A : memref<!tpu.dma_semaphore, #tpu.memory_space<semaphore_mem>>) src(%arg15 : memref<80x128xf32, #tpu.memory_space<vmem>>) dst(%dma_wait3A_170 : memref<10240x128xf32, #tpu.memory_space<vmem_shared>>)
        tpu.yield
      }) : () -> ()
      %add3A_82 = arith.constant 4 : i32
      %add3A_83 = arith.addi %add3A_73, %add3A_82 : i32
      %lt3A = arith.constant 125 : i32
      %lt3A_84 = arith.cmpi slt, %add3A_83, %lt3A : i32
      %convert_element_type3A = arith.extui %lt3A_84 : i1 to i32
      %cond3A = arith.constant 0 : i32
      %cond3A_85 = arith.cmpi ne, %convert_element_type3A, %cond3A : i32
      scf.if %cond3A_85 {
        %add3A_165 = arith.constant 4 : i32
        %add3A_166 = arith.addi %add3A_73, %add3A_165 : i32
        %mul3A_167 = arith.constant 80 : i32
        %mul3A_168 = arith.muli %add3A_166, %mul3A_167 : i32
        %add3A_169 = arith.addi %mul3A_2, %mul3A_168 : i32
        %dma_start3A_170 = tpu.memref_slice %arg3[%add3A_169] : memref<320000xi32, #tpu.memory_space<hbm>> -> memref<80xi32, #tpu.memory_space<hbm>>
        %dma_start3A_171 = tpu.memref_slice %arg3[%add3A_169] : memref<320000xi32, #tpu.memory_space<hbm>> -> memref<80xi32, #tpu.memory_space<hbm>>
        tpu.enqueue_dma source(%dma_start3A_171 : memref<80xi32, #tpu.memory_space<hbm>>) target(%arg7 : memref<80xi32, #tpu.memory_space<vmem>>) target_semaphore(%arg20 : memref<!tpu.dma_semaphore, #tpu.memory_space<semaphore_mem>>)
        %add3A_172 = arith.addi %mul3A_2, %mul3A_168 : i32
        %dma_start3A_173 = tpu.memref_slice %arg4[%add3A_172] : memref<320000xi32, #tpu.memory_space<hbm>> -> memref<80xi32, #tpu.memory_space<hbm>>
        %dma_start3A_174 = tpu.memref_slice %arg4[%add3A_172] : memref<320000xi32, #tpu.memory_space<hbm>> -> memref<80xi32, #tpu.memory_space<hbm>>
        tpu.enqueue_dma source(%dma_start3A_174 : memref<80xi32, #tpu.memory_space<hbm>>) target(%arg11 : memref<80xi32, #tpu.memory_space<vmem>>) target_semaphore(%arg24 : memref<!tpu.dma_semaphore, #tpu.memory_space<semaphore_mem>>)
      } else {
      }
      %add3A_86 = arith.constant 2 : i32
      %add3A_87 = arith.addi %add3A_73, %add3A_86 : i32
      %lt3A_88 = arith.constant 125 : i32
      %lt3A_89 = arith.cmpi slt, %add3A_87, %lt3A_88 : i32
      %convert_element_type3A_90 = arith.extui %lt3A_89 : i1 to i32
      %cond3A_91 = arith.constant 0 : i32
      %cond3A_92 = arith.cmpi ne, %convert_element_type3A_90, %cond3A_91 : i32
      scf.if %cond3A_92 {
        %add3A_165 = arith.constant 2 : i32
        %add3A_166 = arith.addi %add3A_73, %add3A_165 : i32
        %mul3A_167 = arith.constant 80 : i32
        %mul3A_168 = arith.muli %add3A_166, %mul3A_167 : i32
        %add3A_169 = arith.addi %mul3A_2, %mul3A_168 : i32
        %dma_wait3A_170 = tpu.memref_slice %arg3[%add3A_169] : memref<320000xi32, #tpu.memory_space<hbm>> -> memref<80xi32, #tpu.memory_space<hbm>>
        %dma_wait3A_171 = tpu.memref_slice %arg3[%add3A_169] : memref<320000xi32, #tpu.memory_space<hbm>> -> memref<80xi32, #tpu.memory_space<hbm>>
        tpu.wait_dma2 semaphore(%arg22 : memref<!tpu.dma_semaphore, #tpu.memory_space<semaphore_mem>>) src(%dma_wait3A_171 : memref<80xi32, #tpu.memory_space<hbm>>) dst(%arg9 : memref<80xi32, #tpu.memory_space<vmem>>)
        %dma_start3A_172 = arith.constant 0 : i32
        %dma_start3A_173 = arith.constant 0 : i32
        %dma_start3A_174 = tpu.memref_slice %arg2[%dma_start3A_172, %dma_start3A_173] : memref<10000x128xf32, #tpu.memory_space<hbm>> -> memref<10000x128xf32, #tpu.memory_space<hbm>>
        tpu.enqueue_indirect_dma source(%dma_start3A_174 : memref<10000x128xf32, #tpu.memory_space<hbm>>) target(%arg17 : memref<80x128xf32, #tpu.memory_space<vmem>>) offsets(%arg9 : memref<80xi32, #tpu.memory_space<vmem>>) semaphore(%arg30 : memref<!tpu.dma_semaphore, #tpu.memory_space<semaphore_mem>>)
      } else {
      }
      %add3A_93 = arith.constant 1 : i32
      %add3A_94 = arith.addi %mul3A_71, %add3A_93 : i32
      %dma_wait3A_95 = arith.constant 0 : i32
      %dma_wait3A_96 = arith.constant 0 : i32
      %dma_wait3A_97 = tpu.memref_slice %arg2[%dma_wait3A_95, %dma_wait3A_96] : memref<10000x128xf32, #tpu.memory_space<hbm>> -> memref<10000x128xf32, #tpu.memory_space<hbm>>
      tpu.wait_indirect_dma semaphore(%arg29 : memref<!tpu.dma_semaphore, #tpu.memory_space<semaphore_mem>>) src(%dma_wait3A_97 : memref<10000x128xf32, #tpu.memory_space<hbm>>) dst(%arg16 : memref<80x128xf32, #tpu.memory_space<vmem>>)
      %mul3A_98 = arith.constant 80 : i32
      %mul3A_99 = arith.muli %add3A_94, %mul3A_98 : i32
      %add3A_100 = arith.addi %mul3A_2, %mul3A_99 : i32
      %dma_wait3A_101 = tpu.memref_slice %arg4[%add3A_100] : memref<320000xi32, #tpu.memory_space<hbm>> -> memref<80xi32, #tpu.memory_space<hbm>>
      %dma_wait3A_102 = tpu.memref_slice %arg4[%add3A_100] : memref<320000xi32, #tpu.memory_space<hbm>> -> memref<80xi32, #tpu.memory_space<hbm>>
      tpu.wait_dma2 semaphore(%arg25 : memref<!tpu.dma_semaphore, #tpu.memory_space<semaphore_mem>>) src(%dma_wait3A_102 : memref<80xi32, #tpu.memory_space<hbm>>) dst(%arg12 : memref<80xi32, #tpu.memory_space<vmem>>)
      "tpu.region"() ({
        %run_scoped3A = tpu.sem_alloc : memref<!tpu.dma_semaphore, #tpu.memory_space<semaphore_mem>>
        %dma_start3A_165 = arith.constant 0 : i32
        %dma_start3A_166 = arith.constant 0 : i32
        %dma_start3A_167 = tpu.memref_slice %arg19[%dma_start3A_165, %dma_start3A_166] : memref<10240x128xf32, #tpu.memory_space<vmem_shared>> -> memref<10240x128xf32, #tpu.memory_space<vmem_shared>>
        tpu.enqueue_indirect_dma source(%arg16 : memref<80x128xf32, #tpu.memory_space<vmem>>) target(%dma_start3A_167 : memref<10240x128xf32, #tpu.memory_space<vmem_shared>>) offsets(%arg12 : memref<80xi32, #tpu.memory_space<vmem>>) semaphore(%run_scoped3A : memref<!tpu.dma_semaphore, #tpu.memory_space<semaphore_mem>>) {add = true}
        %dma_wait3A_168 = arith.constant 0 : i32
        %dma_wait3A_169 = arith.constant 0 : i32
        %dma_wait3A_170 = tpu.memref_slice %arg19[%dma_wait3A_168, %dma_wait3A_169] : memref<10240x128xf32, #tpu.memory_space<vmem_shared>> -> memref<10240x128xf32, #tpu.memory_space<vmem_shared>>
        tpu.wait_indirect_dma semaphore(%run_scoped3A : memref<!tpu.dma_semaphore, #tpu.memory_space<semaphore_mem>>) src(%arg16 : memref<80x128xf32, #tpu.memory_space<vmem>>) dst(%dma_wait3A_170 : memref<10240x128xf32, #tpu.memory_space<vmem_shared>>)
        tpu.yield
      }) : () -> ()
      %add3A_103 = arith.constant 4 : i32
      %add3A_104 = arith.addi %add3A_94, %add3A_103 : i32
      %lt3A_105 = arith.constant 125 : i32
      %lt3A_106 = arith.cmpi slt, %add3A_104, %lt3A_105 : i32
      %convert_element_type3A_107 = arith.extui %lt3A_106 : i1 to i32
      %cond3A_108 = arith.constant 0 : i32
      %cond3A_109 = arith.cmpi ne, %convert_element_type3A_107, %cond3A_108 : i32
      scf.if %cond3A_109 {
        %add3A_165 = arith.constant 4 : i32
        %add3A_166 = arith.addi %add3A_94, %add3A_165 : i32
        %mul3A_167 = arith.constant 80 : i32
        %mul3A_168 = arith.muli %add3A_166, %mul3A_167 : i32
        %add3A_169 = arith.addi %mul3A_2, %mul3A_168 : i32
        %dma_start3A_170 = tpu.memref_slice %arg3[%add3A_169] : memref<320000xi32, #tpu.memory_space<hbm>> -> memref<80xi32, #tpu.memory_space<hbm>>
        %dma_start3A_171 = tpu.memref_slice %arg3[%add3A_169] : memref<320000xi32, #tpu.memory_space<hbm>> -> memref<80xi32, #tpu.memory_space<hbm>>
        tpu.enqueue_dma source(%dma_start3A_171 : memref<80xi32, #tpu.memory_space<hbm>>) target(%arg8 : memref<80xi32, #tpu.memory_space<vmem>>) target_semaphore(%arg21 : memref<!tpu.dma_semaphore, #tpu.memory_space<semaphore_mem>>)
        %add3A_172 = arith.addi %mul3A_2, %mul3A_168 : i32
        %dma_start3A_173 = tpu.memref_slice %arg4[%add3A_172] : memref<320000xi32, #tpu.memory_space<hbm>> -> memref<80xi32, #tpu.memory_space<hbm>>
        %dma_start3A_174 = tpu.memref_slice %arg4[%add3A_172] : memref<320000xi32, #tpu.memory_space<hbm>> -> memref<80xi32, #tpu.memory_space<hbm>>
        tpu.enqueue_dma source(%dma_start3A_174 : memref<80xi32, #tpu.memory_space<hbm>>) target(%arg12 : memref<80xi32, #tpu.memory_space<vmem>>) target_semaphore(%arg25 : memref<!tpu.dma_semaphore, #tpu.memory_space<semaphore_mem>>)
      } else {
      }
      %add3A_110 = arith.constant 2 : i32
      %add3A_111 = arith.addi %add3A_94, %add3A_110 : i32
      %lt3A_112 = arith.constant 125 : i32
      %lt3A_113 = arith.cmpi slt, %add3A_111, %lt3A_112 : i32
      %convert_element_type3A_114 = arith.extui %lt3A_113 : i1 to i32
      %cond3A_115 = arith.constant 0 : i32
      %cond3A_116 = arith.cmpi ne, %convert_element_type3A_114, %cond3A_115 : i32
      scf.if %cond3A_116 {
        %add3A_165 = arith.constant 2 : i32
        %add3A_166 = arith.addi %add3A_94, %add3A_165 : i32
        %mul3A_167 = arith.constant 80 : i32
        %mul3A_168 = arith.muli %add3A_166, %mul3A_167 : i32
        %add3A_169 = arith.addi %mul3A_2, %mul3A_168 : i32
        %dma_wait3A_170 = tpu.memref_slice %arg3[%add3A_169] : memref<320000xi32, #tpu.memory_space<hbm>> -> memref<80xi32, #tpu.memory_space<hbm>>
        %dma_wait3A_171 = tpu.memref_slice %arg3[%add3A_169] : memref<320000xi32, #tpu.memory_space<hbm>> -> memref<80xi32, #tpu.memory_space<hbm>>
        tpu.wait_dma2 semaphore(%arg23 : memref<!tpu.dma_semaphore, #tpu.memory_space<semaphore_mem>>) src(%dma_wait3A_171 : memref<80xi32, #tpu.memory_space<hbm>>) dst(%arg10 : memref<80xi32, #tpu.memory_space<vmem>>)
        %dma_start3A_172 = arith.constant 0 : i32
        %dma_start3A_173 = arith.constant 0 : i32
        %dma_start3A_174 = tpu.memref_slice %arg2[%dma_start3A_172, %dma_start3A_173] : memref<10000x128xf32, #tpu.memory_space<hbm>> -> memref<10000x128xf32, #tpu.memory_space<hbm>>
        tpu.enqueue_indirect_dma source(%dma_start3A_174 : memref<10000x128xf32, #tpu.memory_space<hbm>>) target(%arg18 : memref<80x128xf32, #tpu.memory_space<vmem>>) offsets(%arg10 : memref<80xi32, #tpu.memory_space<vmem>>) semaphore(%arg31 : memref<!tpu.dma_semaphore, #tpu.memory_space<semaphore_mem>>)
      } else {
      }
      %add3A_117 = arith.constant 2 : i32
      %add3A_118 = arith.addi %mul3A_71, %add3A_117 : i32
      %dma_wait3A_119 = arith.constant 0 : i32
      %dma_wait3A_120 = arith.constant 0 : i32
      %dma_wait3A_121 = tpu.memref_slice %arg2[%dma_wait3A_119, %dma_wait3A_120] : memref<10000x128xf32, #tpu.memory_space<hbm>> -> memref<10000x128xf32, #tpu.memory_space<hbm>>
      tpu.wait_indirect_dma semaphore(%arg30 : memref<!tpu.dma_semaphore, #tpu.memory_space<semaphore_mem>>) src(%dma_wait3A_121 : memref<10000x128xf32, #tpu.memory_space<hbm>>) dst(%arg17 : memref<80x128xf32, #tpu.memory_space<vmem>>)
      %mul3A_122 = arith.constant 80 : i32
      %mul3A_123 = arith.muli %add3A_118, %mul3A_122 : i32
      %add3A_124 = arith.addi %mul3A_2, %mul3A_123 : i32
      %dma_wait3A_125 = tpu.memref_slice %arg4[%add3A_124] : memref<320000xi32, #tpu.memory_space<hbm>> -> memref<80xi32, #tpu.memory_space<hbm>>
      %dma_wait3A_126 = tpu.memref_slice %arg4[%add3A_124] : memref<320000xi32, #tpu.memory_space<hbm>> -> memref<80xi32, #tpu.memory_space<hbm>>
      tpu.wait_dma2 semaphore(%arg26 : memref<!tpu.dma_semaphore, #tpu.memory_space<semaphore_mem>>) src(%dma_wait3A_126 : memref<80xi32, #tpu.memory_space<hbm>>) dst(%arg13 : memref<80xi32, #tpu.memory_space<vmem>>)
      "tpu.region"() ({
        %run_scoped3A = tpu.sem_alloc : memref<!tpu.dma_semaphore, #tpu.memory_space<semaphore_mem>>
        %dma_start3A_165 = arith.constant 0 : i32
        %dma_start3A_166 = arith.constant 0 : i32
        %dma_start3A_167 = tpu.memref_slice %arg19[%dma_start3A_165, %dma_start3A_166] : memref<10240x128xf32, #tpu.memory_space<vmem_shared>> -> memref<10240x128xf32, #tpu.memory_space<vmem_shared>>
        tpu.enqueue_indirect_dma source(%arg17 : memref<80x128xf32, #tpu.memory_space<vmem>>) target(%dma_start3A_167 : memref<10240x128xf32, #tpu.memory_space<vmem_shared>>) offsets(%arg13 : memref<80xi32, #tpu.memory_space<vmem>>) semaphore(%run_scoped3A : memref<!tpu.dma_semaphore, #tpu.memory_space<semaphore_mem>>) {add = true}
        %dma_wait3A_168 = arith.constant 0 : i32
        %dma_wait3A_169 = arith.constant 0 : i32
        %dma_wait3A_170 = tpu.memref_slice %arg19[%dma_wait3A_168, %dma_wait3A_169] : memref<10240x128xf32, #tpu.memory_space<vmem_shared>> -> memref<10240x128xf32, #tpu.memory_space<vmem_shared>>
        tpu.wait_indirect_dma semaphore(%run_scoped3A : memref<!tpu.dma_semaphore, #tpu.memory_space<semaphore_mem>>) src(%arg17 : memref<80x128xf32, #tpu.memory_space<vmem>>) dst(%dma_wait3A_170 : memref<10240x128xf32, #tpu.memory_space<vmem_shared>>)
        tpu.yield
      }) : () -> ()
      %add3A_127 = arith.constant 4 : i32
      %add3A_128 = arith.addi %add3A_118, %add3A_127 : i32
      %lt3A_129 = arith.constant 125 : i32
      %lt3A_130 = arith.cmpi slt, %add3A_128, %lt3A_129 : i32
      %convert_element_type3A_131 = arith.extui %lt3A_130 : i1 to i32
      %cond3A_132 = arith.constant 0 : i32
      %cond3A_133 = arith.cmpi ne, %convert_element_type3A_131, %cond3A_132 : i32
      scf.if %cond3A_133 {
        %add3A_165 = arith.constant 4 : i32
        %add3A_166 = arith.addi %add3A_118, %add3A_165 : i32
        %mul3A_167 = arith.constant 80 : i32
        %mul3A_168 = arith.muli %add3A_166, %mul3A_167 : i32
        %add3A_169 = arith.addi %mul3A_2, %mul3A_168 : i32
        %dma_start3A_170 = tpu.memref_slice %arg3[%add3A_169] : memref<320000xi32, #tpu.memory_space<hbm>> -> memref<80xi32, #tpu.memory_space<hbm>>
        %dma_start3A_171 = tpu.memref_slice %arg3[%add3A_169] : memref<320000xi32, #tpu.memory_space<hbm>> -> memref<80xi32, #tpu.memory_space<hbm>>
        tpu.enqueue_dma source(%dma_start3A_171 : memref<80xi32, #tpu.memory_space<hbm>>) target(%arg9 : memref<80xi32, #tpu.memory_space<vmem>>) target_semaphore(%arg22 : memref<!tpu.dma_semaphore, #tpu.memory_space<semaphore_mem>>)
        %add3A_172 = arith.addi %mul3A_2, %mul3A_168 : i32
        %dma_start3A_173 = tpu.memref_slice %arg4[%add3A_172] : memref<320000xi32, #tpu.memory_space<hbm>> -> memref<80xi32, #tpu.memory_space<hbm>>
        %dma_start3A_174 = tpu.memref_slice %arg4[%add3A_172] : memref<320000xi32, #tpu.memory_space<hbm>> -> memref<80xi32, #tpu.memory_space<hbm>>
        tpu.enqueue_dma source(%dma_start3A_174 : memref<80xi32, #tpu.memory_space<hbm>>) target(%arg13 : memref<80xi32, #tpu.memory_space<vmem>>) target_semaphore(%arg26 : memref<!tpu.dma_semaphore, #tpu.memory_space<semaphore_mem>>)
      } else {
      }
      %add3A_134 = arith.constant 2 : i32
      %add3A_135 = arith.addi %add3A_118, %add3A_134 : i32
      %lt3A_136 = arith.constant 125 : i32
      %lt3A_137 = arith.cmpi slt, %add3A_135, %lt3A_136 : i32
      %convert_element_type3A_138 = arith.extui %lt3A_137 : i1 to i32
      %cond3A_139 = arith.constant 0 : i32
      %cond3A_140 = arith.cmpi ne, %convert_element_type3A_138, %cond3A_139 : i32
      scf.if %cond3A_140 {
        %add3A_165 = arith.constant 2 : i32
        %add3A_166 = arith.addi %add3A_118, %add3A_165 : i32
        %mul3A_167 = arith.constant 80 : i32
        %mul3A_168 = arith.muli %add3A_166, %mul3A_167 : i32
        %add3A_169 = arith.addi %mul3A_2, %mul3A_168 : i32
        %dma_wait3A_170 = tpu.memref_slice %arg3[%add3A_169] : memref<320000xi32, #tpu.memory_space<hbm>> -> memref<80xi32, #tpu.memory_space<hbm>>
        %dma_wait3A_171 = tpu.memref_slice %arg3[%add3A_169] : memref<320000xi32, #tpu.memory_space<hbm>> -> memref<80xi32, #tpu.memory_space<hbm>>
        tpu.wait_dma2 semaphore(%arg20 : memref<!tpu.dma_semaphore, #tpu.memory_space<semaphore_mem>>) src(%dma_wait3A_171 : memref<80xi32, #tpu.memory_space<hbm>>) dst(%arg7 : memref<80xi32, #tpu.memory_space<vmem>>)
        %dma_start3A_172 = arith.constant 0 : i32
        %dma_start3A_173 = arith.constant 0 : i32
        %dma_start3A_174 = tpu.memref_slice %arg2[%dma_start3A_172, %dma_start3A_173] : memref<10000x128xf32, #tpu.memory_space<hbm>> -> memref<10000x128xf32, #tpu.memory_space<hbm>>
        tpu.enqueue_indirect_dma source(%dma_start3A_174 : memref<10000x128xf32, #tpu.memory_space<hbm>>) target(%arg15 : memref<80x128xf32, #tpu.memory_space<vmem>>) offsets(%arg7 : memref<80xi32, #tpu.memory_space<vmem>>) semaphore(%arg28 : memref<!tpu.dma_semaphore, #tpu.memory_space<semaphore_mem>>)
      } else {
      }
      %add3A_141 = arith.constant 3 : i32
      %add3A_142 = arith.addi %mul3A_71, %add3A_141 : i32
      %dma_wait3A_143 = arith.constant 0 : i32
      %dma_wait3A_144 = arith.constant 0 : i32
      %dma_wait3A_145 = tpu.memref_slice %arg2[%dma_wait3A_143, %dma_wait3A_144] : memref<10000x128xf32, #tpu.memory_space<hbm>> -> memref<10000x128xf32, #tpu.memory_space<hbm>>
      tpu.wait_indirect_dma semaphore(%arg31 : memref<!tpu.dma_semaphore, #tpu.memory_space<semaphore_mem>>) src(%dma_wait3A_145 : memref<10000x128xf32, #tpu.memory_space<hbm>>) dst(%arg18 : memref<80x128xf32, #tpu.memory_space<vmem>>)
      %mul3A_146 = arith.constant 80 : i32
      %mul3A_147 = arith.muli %add3A_142, %mul3A_146 : i32
      %add3A_148 = arith.addi %mul3A_2, %mul3A_147 : i32
      %dma_wait3A_149 = tpu.memref_slice %arg4[%add3A_148] : memref<320000xi32, #tpu.memory_space<hbm>> -> memref<80xi32, #tpu.memory_space<hbm>>
      %dma_wait3A_150 = tpu.memref_slice %arg4[%add3A_148] : memref<320000xi32, #tpu.memory_space<hbm>> -> memref<80xi32, #tpu.memory_space<hbm>>
      tpu.wait_dma2 semaphore(%arg27 : memref<!tpu.dma_semaphore, #tpu.memory_space<semaphore_mem>>) src(%dma_wait3A_150 : memref<80xi32, #tpu.memory_space<hbm>>) dst(%arg14 : memref<80xi32, #tpu.memory_space<vmem>>)
      "tpu.region"() ({
        %run_scoped3A = tpu.sem_alloc : memref<!tpu.dma_semaphore, #tpu.memory_space<semaphore_mem>>
        %dma_start3A_165 = arith.constant 0 : i32
        %dma_start3A_166 = arith.constant 0 : i32
        %dma_start3A_167 = tpu.memref_slice %arg19[%dma_start3A_165, %dma_start3A_166] : memref<10240x128xf32, #tpu.memory_space<vmem_shared>> -> memref<10240x128xf32, #tpu.memory_space<vmem_shared>>
        tpu.enqueue_indirect_dma source(%arg18 : memref<80x128xf32, #tpu.memory_space<vmem>>) target(%dma_start3A_167 : memref<10240x128xf32, #tpu.memory_space<vmem_shared>>) offsets(%arg14 : memref<80xi32, #tpu.memory_space<vmem>>) semaphore(%run_scoped3A : memref<!tpu.dma_semaphore, #tpu.memory_space<semaphore_mem>>) {add = true}
        %dma_wait3A_168 = arith.constant 0 : i32
        %dma_wait3A_169 = arith.constant 0 : i32
        %dma_wait3A_170 = tpu.memref_slice %arg19[%dma_wait3A_168, %dma_wait3A_169] : memref<10240x128xf32, #tpu.memory_space<vmem_shared>> -> memref<10240x128xf32, #tpu.memory_space<vmem_shared>>
        tpu.wait_indirect_dma semaphore(%run_scoped3A : memref<!tpu.dma_semaphore, #tpu.memory_space<semaphore_mem>>) src(%arg18 : memref<80x128xf32, #tpu.memory_space<vmem>>) dst(%dma_wait3A_170 : memref<10240x128xf32, #tpu.memory_space<vmem_shared>>)
        tpu.yield
      }) : () -> ()
      %add3A_151 = arith.constant 4 : i32
      %add3A_152 = arith.addi %add3A_142, %add3A_151 : i32
      %lt3A_153 = arith.constant 125 : i32
      %lt3A_154 = arith.cmpi slt, %add3A_152, %lt3A_153 : i32
      %convert_element_type3A_155 = arith.extui %lt3A_154 : i1 to i32
      %cond3A_156 = arith.constant 0 : i32
      %cond3A_157 = arith.cmpi ne, %convert_element_type3A_155, %cond3A_156 : i32
      scf.if %cond3A_157 {
        %add3A_165 = arith.constant 4 : i32
        %add3A_166 = arith.addi %add3A_142, %add3A_165 : i32
        %mul3A_167 = arith.constant 80 : i32
        %mul3A_168 = arith.muli %add3A_166, %mul3A_167 : i32
        %add3A_169 = arith.addi %mul3A_2, %mul3A_168 : i32
        %dma_start3A_170 = tpu.memref_slice %arg3[%add3A_169] : memref<320000xi32, #tpu.memory_space<hbm>> -> memref<80xi32, #tpu.memory_space<hbm>>
        %dma_start3A_171 = tpu.memref_slice %arg3[%add3A_169] : memref<320000xi32, #tpu.memory_space<hbm>> -> memref<80xi32, #tpu.memory_space<hbm>>
        tpu.enqueue_dma source(%dma_start3A_171 : memref<80xi32, #tpu.memory_space<hbm>>) target(%arg10 : memref<80xi32, #tpu.memory_space<vmem>>) target_semaphore(%arg23 : memref<!tpu.dma_semaphore, #tpu.memory_space<semaphore_mem>>)
        %add3A_172 = arith.addi %mul3A_2, %mul3A_168 : i32
        %dma_start3A_173 = tpu.memref_slice %arg4[%add3A_172] : memref<320000xi32, #tpu.memory_space<hbm>> -> memref<80xi32, #tpu.memory_space<hbm>>
        %dma_start3A_174 = tpu.memref_slice %arg4[%add3A_172] : memref<320000xi32, #tpu.memory_space<hbm>> -> memref<80xi32, #tpu.memory_space<hbm>>
        tpu.enqueue_dma source(%dma_start3A_174 : memref<80xi32, #tpu.memory_space<hbm>>) target(%arg14 : memref<80xi32, #tpu.memory_space<vmem>>) target_semaphore(%arg27 : memref<!tpu.dma_semaphore, #tpu.memory_space<semaphore_mem>>)
      } else {
      }
      %add3A_158 = arith.constant 2 : i32
      %add3A_159 = arith.addi %add3A_142, %add3A_158 : i32
      %lt3A_160 = arith.constant 125 : i32
      %lt3A_161 = arith.cmpi slt, %add3A_159, %lt3A_160 : i32
      %convert_element_type3A_162 = arith.extui %lt3A_161 : i1 to i32
      %cond3A_163 = arith.constant 0 : i32
      %cond3A_164 = arith.cmpi ne, %convert_element_type3A_162, %cond3A_163 : i32
      scf.if %cond3A_164 {
        %add3A_165 = arith.constant 2 : i32
        %add3A_166 = arith.addi %add3A_142, %add3A_165 : i32
        %mul3A_167 = arith.constant 80 : i32
        %mul3A_168 = arith.muli %add3A_166, %mul3A_167 : i32
        %add3A_169 = arith.addi %mul3A_2, %mul3A_168 : i32
        %dma_wait3A_170 = tpu.memref_slice %arg3[%add3A_169] : memref<320000xi32, #tpu.memory_space<hbm>> -> memref<80xi32, #tpu.memory_space<hbm>>
        %dma_wait3A_171 = tpu.memref_slice %arg3[%add3A_169] : memref<320000xi32, #tpu.memory_space<hbm>> -> memref<80xi32, #tpu.memory_space<hbm>>
        tpu.wait_dma2 semaphore(%arg21 : memref<!tpu.dma_semaphore, #tpu.memory_space<semaphore_mem>>) src(%dma_wait3A_171 : memref<80xi32, #tpu.memory_space<hbm>>) dst(%arg8 : memref<80xi32, #tpu.memory_space<vmem>>)
        %dma_start3A_172 = arith.constant 0 : i32
        %dma_start3A_173 = arith.constant 0 : i32
        %dma_start3A_174 = tpu.memref_slice %arg2[%dma_start3A_172, %dma_start3A_173] : memref<10000x128xf32, #tpu.memory_space<hbm>> -> memref<10000x128xf32, #tpu.memory_space<hbm>>
        tpu.enqueue_indirect_dma source(%dma_start3A_174 : memref<10000x128xf32, #tpu.memory_space<hbm>>) target(%arg16 : memref<80x128xf32, #tpu.memory_space<vmem>>) offsets(%arg8 : memref<80xi32, #tpu.memory_space<vmem>>) semaphore(%arg29 : memref<!tpu.dma_semaphore, #tpu.memory_space<semaphore_mem>>)
      } else {
      }
    }
    %while3A_58 = arith.constant 1 : i32
    scf.for %while3A_69 = %while3A_56 to %while3A_52 step %while3A_58  : i32 {
      %mul3A_70 = arith.constant 4 : i32
      %mul3A_71 = arith.muli %mul3A_70, %while3A_69 : i32
      %add3A_72 = arith.constant 0 : i32
      %add3A_73 = arith.addi %mul3A_71, %add3A_72 : i32
      %dma_wait3A_74 = arith.constant 0 : i32
      %dma_wait3A_75 = arith.constant 0 : i32
      %dma_wait3A_76 = tpu.memref_slice %arg2[%dma_wait3A_74, %dma_wait3A_75] : memref<10000x128xf32, #tpu.memory_space<hbm>> -> memref<10000x128xf32, #tpu.memory_space<hbm>>
      tpu.wait_indirect_dma semaphore(%arg28 : memref<!tpu.dma_semaphore, #tpu.memory_space<semaphore_mem>>) src(%dma_wait3A_76 : memref<10000x128xf32, #tpu.memory_space<hbm>>) dst(%arg15 : memref<80x128xf32, #tpu.memory_space<vmem>>)
      %mul3A_77 = arith.constant 80 : i32
      %mul3A_78 = arith.muli %add3A_73, %mul3A_77 : i32
      %add3A_79 = arith.addi %mul3A_2, %mul3A_78 : i32
      %dma_wait3A_80 = tpu.memref_slice %arg4[%add3A_79] : memref<320000xi32, #tpu.memory_space<hbm>> -> memref<80xi32, #tpu.memory_space<hbm>>
      %dma_wait3A_81 = tpu.memref_slice %arg4[%add3A_79] : memref<320000xi32, #tpu.memory_space<hbm>> -> memref<80xi32, #tpu.memory_space<hbm>>
      tpu.wait_dma2 semaphore(%arg24 : memref<!tpu.dma_semaphore, #tpu.memory_space<semaphore_mem>>) src(%dma_wait3A_81 : memref<80xi32, #tpu.memory_space<hbm>>) dst(%arg11 : memref<80xi32, #tpu.memory_space<vmem>>)
      "tpu.region"() ({
        %run_scoped3A = tpu.sem_alloc : memref<!tpu.dma_semaphore, #tpu.memory_space<semaphore_mem>>
        %dma_start3A_165 = arith.constant 0 : i32
        %dma_start3A_166 = arith.constant 0 : i32
        %dma_start3A_167 = tpu.memref_slice %arg19[%dma_start3A_165, %dma_start3A_166] : memref<10240x128xf32, #tpu.memory_space<vmem_shared>> -> memref<10240x128xf32, #tpu.memory_space<vmem_shared>>
        tpu.enqueue_indirect_dma source(%arg15 : memref<80x128xf32, #tpu.memory_space<vmem>>) target(%dma_start3A_167 : memref<10240x128xf32, #tpu.memory_space<vmem_shared>>) offsets(%arg11 : memref<80xi32, #tpu.memory_space<vmem>>) semaphore(%run_scoped3A : memref<!tpu.dma_semaphore, #tpu.memory_space<semaphore_mem>>) {add = true}
        %dma_wait3A_168 = arith.constant 0 : i32
        %dma_wait3A_169 = arith.constant 0 : i32
        %dma_wait3A_170 = tpu.memref_slice %arg19[%dma_wait3A_168, %dma_wait3A_169] : memref<10240x128xf32, #tpu.memory_space<vmem_shared>> -> memref<10240x128xf32, #tpu.memory_space<vmem_shared>>
        tpu.wait_indirect_dma semaphore(%run_scoped3A : memref<!tpu.dma_semaphore, #tpu.memory_space<semaphore_mem>>) src(%arg15 : memref<80x128xf32, #tpu.memory_space<vmem>>) dst(%dma_wait3A_170 : memref<10240x128xf32, #tpu.memory_space<vmem_shared>>)
        tpu.yield
      }) : () -> ()
      %add3A_82 = arith.constant 4 : i32
      %add3A_83 = arith.addi %add3A_73, %add3A_82 : i32
      %lt3A = arith.constant 125 : i32
      %lt3A_84 = arith.cmpi slt, %add3A_83, %lt3A : i32
      %convert_element_type3A = arith.extui %lt3A_84 : i1 to i32
      %cond3A = arith.constant 0 : i32
      %cond3A_85 = arith.cmpi ne, %convert_element_type3A, %cond3A : i32
      scf.if %cond3A_85 {
        %add3A_165 = arith.constant 4 : i32
        %add3A_166 = arith.addi %add3A_73, %add3A_165 : i32
        %mul3A_167 = arith.constant 80 : i32
        %mul3A_168 = arith.muli %add3A_166, %mul3A_167 : i32
        %add3A_169 = arith.addi %mul3A_2, %mul3A_168 : i32
        %dma_start3A_170 = tpu.memref_slice %arg3[%add3A_169] : memref<320000xi32, #tpu.memory_space<hbm>> -> memref<80xi32, #tpu.memory_space<hbm>>
        %dma_start3A_171 = tpu.memref_slice %arg3[%add3A_169] : memref<320000xi32, #tpu.memory_space<hbm>> -> memref<80xi32, #tpu.memory_space<hbm>>
        tpu.enqueue_dma source(%dma_start3A_171 : memref<80xi32, #tpu.memory_space<hbm>>) target(%arg7 : memref<80xi32, #tpu.memory_space<vmem>>) target_semaphore(%arg20 : memref<!tpu.dma_semaphore, #tpu.memory_space<semaphore_mem>>)
        %add3A_172 = arith.addi %mul3A_2, %mul3A_168 : i32
        %dma_start3A_173 = tpu.memref_slice %arg4[%add3A_172] : memref<320000xi32, #tpu.memory_space<hbm>> -> memref<80xi32, #tpu.memory_space<hbm>>
        %dma_start3A_174 = tpu.memref_slice %arg4[%add3A_172] : memref<320000xi32, #tpu.memory_space<hbm>> -> memref<80xi32, #tpu.memory_space<hbm>>
        tpu.enqueue_dma source(%dma_start3A_174 : memref<80xi32, #tpu.memory_space<hbm>>) target(%arg11 : memref<80xi32, #tpu.memory_space<vmem>>) target_semaphore(%arg24 : memref<!tpu.dma_semaphore, #tpu.memory_space<semaphore_mem>>)
      } else {
      }
      %add3A_86 = arith.constant 2 : i32
      %add3A_87 = arith.addi %add3A_73, %add3A_86 : i32
      %lt3A_88 = arith.constant 125 : i32
      %lt3A_89 = arith.cmpi slt, %add3A_87, %lt3A_88 : i32
      %convert_element_type3A_90 = arith.extui %lt3A_89 : i1 to i32
      %cond3A_91 = arith.constant 0 : i32
      %cond3A_92 = arith.cmpi ne, %convert_element_type3A_90, %cond3A_91 : i32
      scf.if %cond3A_92 {
        %add3A_165 = arith.constant 2 : i32
        %add3A_166 = arith.addi %add3A_73, %add3A_165 : i32
        %mul3A_167 = arith.constant 80 : i32
        %mul3A_168 = arith.muli %add3A_166, %mul3A_167 : i32
        %add3A_169 = arith.addi %mul3A_2, %mul3A_168 : i32
        %dma_wait3A_170 = tpu.memref_slice %arg3[%add3A_169] : memref<320000xi32, #tpu.memory_space<hbm>> -> memref<80xi32, #tpu.memory_space<hbm>>
        %dma_wait3A_171 = tpu.memref_slice %arg3[%add3A_169] : memref<320000xi32, #tpu.memory_space<hbm>> -> memref<80xi32, #tpu.memory_space<hbm>>
        tpu.wait_dma2 semaphore(%arg22 : memref<!tpu.dma_semaphore, #tpu.memory_space<semaphore_mem>>) src(%dma_wait3A_171 : memref<80xi32, #tpu.memory_space<hbm>>) dst(%arg9 : memref<80xi32, #tpu.memory_space<vmem>>)
        %dma_start3A_172 = arith.constant 0 : i32
        %dma_start3A_173 = arith.constant 0 : i32
        %dma_start3A_174 = tpu.memref_slice %arg2[%dma_start3A_172, %dma_start3A_173] : memref<10000x128xf32, #tpu.memory_space<hbm>> -> memref<10000x128xf32, #tpu.memory_space<hbm>>
        tpu.enqueue_indirect_dma source(%dma_start3A_174 : memref<10000x128xf32, #tpu.memory_space<hbm>>) target(%arg17 : memref<80x128xf32, #tpu.memory_space<vmem>>) offsets(%arg9 : memref<80xi32, #tpu.memory_space<vmem>>) semaphore(%arg30 : memref<!tpu.dma_semaphore, #tpu.memory_space<semaphore_mem>>)
      } else {
      }
      %add3A_93 = arith.constant 1 : i32
      %add3A_94 = arith.addi %mul3A_71, %add3A_93 : i32
      %dma_wait3A_95 = arith.constant 0 : i32
      %dma_wait3A_96 = arith.constant 0 : i32
      %dma_wait3A_97 = tpu.memref_slice %arg2[%dma_wait3A_95, %dma_wait3A_96] : memref<10000x128xf32, #tpu.memory_space<hbm>> -> memref<10000x128xf32, #tpu.memory_space<hbm>>
      tpu.wait_indirect_dma semaphore(%arg29 : memref<!tpu.dma_semaphore, #tpu.memory_space<semaphore_mem>>) src(%dma_wait3A_97 : memref<10000x128xf32, #tpu.memory_space<hbm>>) dst(%arg16 : memref<80x128xf32, #tpu.memory_space<vmem>>)
      %mul3A_98 = arith.constant 80 : i32
      %mul3A_99 = arith.muli %add3A_94, %mul3A_98 : i32
      %add3A_100 = arith.addi %mul3A_2, %mul3A_99 : i32
      %dma_wait3A_101 = tpu.memref_slice %arg4[%add3A_100] : memref<320000xi32, #tpu.memory_space<hbm>> -> memref<80xi32, #tpu.memory_space<hbm>>
      %dma_wait3A_102 = tpu.memref_slice %arg4[%add3A_100] : memref<320000xi32, #tpu.memory_space<hbm>> -> memref<80xi32, #tpu.memory_space<hbm>>
      tpu.wait_dma2 semaphore(%arg25 : memref<!tpu.dma_semaphore, #tpu.memory_space<semaphore_mem>>) src(%dma_wait3A_102 : memref<80xi32, #tpu.memory_space<hbm>>) dst(%arg12 : memref<80xi32, #tpu.memory_space<vmem>>)
      "tpu.region"() ({
        %run_scoped3A = tpu.sem_alloc : memref<!tpu.dma_semaphore, #tpu.memory_space<semaphore_mem>>
        %dma_start3A_165 = arith.constant 0 : i32
        %dma_start3A_166 = arith.constant 0 : i32
        %dma_start3A_167 = tpu.memref_slice %arg19[%dma_start3A_165, %dma_start3A_166] : memref<10240x128xf32, #tpu.memory_space<vmem_shared>> -> memref<10240x128xf32, #tpu.memory_space<vmem_shared>>
        tpu.enqueue_indirect_dma source(%arg16 : memref<80x128xf32, #tpu.memory_space<vmem>>) target(%dma_start3A_167 : memref<10240x128xf32, #tpu.memory_space<vmem_shared>>) offsets(%arg12 : memref<80xi32, #tpu.memory_space<vmem>>) semaphore(%run_scoped3A : memref<!tpu.dma_semaphore, #tpu.memory_space<semaphore_mem>>) {add = true}
        %dma_wait3A_168 = arith.constant 0 : i32
        %dma_wait3A_169 = arith.constant 0 : i32
        %dma_wait3A_170 = tpu.memref_slice %arg19[%dma_wait3A_168, %dma_wait3A_169] : memref<10240x128xf32, #tpu.memory_space<vmem_shared>> -> memref<10240x128xf32, #tpu.memory_space<vmem_shared>>
        tpu.wait_indirect_dma semaphore(%run_scoped3A : memref<!tpu.dma_semaphore, #tpu.memory_space<semaphore_mem>>) src(%arg16 : memref<80x128xf32, #tpu.memory_space<vmem>>) dst(%dma_wait3A_170 : memref<10240x128xf32, #tpu.memory_space<vmem_shared>>)
        tpu.yield
      }) : () -> ()
      %add3A_103 = arith.constant 4 : i32
      %add3A_104 = arith.addi %add3A_94, %add3A_103 : i32
      %lt3A_105 = arith.constant 125 : i32
      %lt3A_106 = arith.cmpi slt, %add3A_104, %lt3A_105 : i32
      %convert_element_type3A_107 = arith.extui %lt3A_106 : i1 to i32
      %cond3A_108 = arith.constant 0 : i32
      %cond3A_109 = arith.cmpi ne, %convert_element_type3A_107, %cond3A_108 : i32
      scf.if %cond3A_109 {
        %add3A_165 = arith.constant 4 : i32
        %add3A_166 = arith.addi %add3A_94, %add3A_165 : i32
        %mul3A_167 = arith.constant 80 : i32
        %mul3A_168 = arith.muli %add3A_166, %mul3A_167 : i32
        %add3A_169 = arith.addi %mul3A_2, %mul3A_168 : i32
        %dma_start3A_170 = tpu.memref_slice %arg3[%add3A_169] : memref<320000xi32, #tpu.memory_space<hbm>> -> memref<80xi32, #tpu.memory_space<hbm>>
        %dma_start3A_171 = tpu.memref_slice %arg3[%add3A_169] : memref<320000xi32, #tpu.memory_space<hbm>> -> memref<80xi32, #tpu.memory_space<hbm>>
        tpu.enqueue_dma source(%dma_start3A_171 : memref<80xi32, #tpu.memory_space<hbm>>) target(%arg8 : memref<80xi32, #tpu.memory_space<vmem>>) target_semaphore(%arg21 : memref<!tpu.dma_semaphore, #tpu.memory_space<semaphore_mem>>)
        %add3A_172 = arith.addi %mul3A_2, %mul3A_168 : i32
        %dma_start3A_173 = tpu.memref_slice %arg4[%add3A_172] : memref<320000xi32, #tpu.memory_space<hbm>> -> memref<80xi32, #tpu.memory_space<hbm>>
        %dma_start3A_174 = tpu.memref_slice %arg4[%add3A_172] : memref<320000xi32, #tpu.memory_space<hbm>> -> memref<80xi32, #tpu.memory_space<hbm>>
        tpu.enqueue_dma source(%dma_start3A_174 : memref<80xi32, #tpu.memory_space<hbm>>) target(%arg12 : memref<80xi32, #tpu.memory_space<vmem>>) target_semaphore(%arg25 : memref<!tpu.dma_semaphore, #tpu.memory_space<semaphore_mem>>)
      } else {
      }
      %add3A_110 = arith.constant 2 : i32
      %add3A_111 = arith.addi %add3A_94, %add3A_110 : i32
      %lt3A_112 = arith.constant 125 : i32
      %lt3A_113 = arith.cmpi slt, %add3A_111, %lt3A_112 : i32
      %convert_element_type3A_114 = arith.extui %lt3A_113 : i1 to i32
      %cond3A_115 = arith.constant 0 : i32
      %cond3A_116 = arith.cmpi ne, %convert_element_type3A_114, %cond3A_115 : i32
      scf.if %cond3A_116 {
        %add3A_165 = arith.constant 2 : i32
        %add3A_166 = arith.addi %add3A_94, %add3A_165 : i32
        %mul3A_167 = arith.constant 80 : i32
        %mul3A_168 = arith.muli %add3A_166, %mul3A_167 : i32
        %add3A_169 = arith.addi %mul3A_2, %mul3A_168 : i32
        %dma_wait3A_170 = tpu.memref_slice %arg3[%add3A_169] : memref<320000xi32, #tpu.memory_space<hbm>> -> memref<80xi32, #tpu.memory_space<hbm>>
        %dma_wait3A_171 = tpu.memref_slice %arg3[%add3A_169] : memref<320000xi32, #tpu.memory_space<hbm>> -> memref<80xi32, #tpu.memory_space<hbm>>
        tpu.wait_dma2 semaphore(%arg23 : memref<!tpu.dma_semaphore, #tpu.memory_space<semaphore_mem>>) src(%dma_wait3A_171 : memref<80xi32, #tpu.memory_space<hbm>>) dst(%arg10 : memref<80xi32, #tpu.memory_space<vmem>>)
        %dma_start3A_172 = arith.constant 0 : i32
        %dma_start3A_173 = arith.constant 0 : i32
        %dma_start3A_174 = tpu.memref_slice %arg2[%dma_start3A_172, %dma_start3A_173] : memref<10000x128xf32, #tpu.memory_space<hbm>> -> memref<10000x128xf32, #tpu.memory_space<hbm>>
        tpu.enqueue_indirect_dma source(%dma_start3A_174 : memref<10000x128xf32, #tpu.memory_space<hbm>>) target(%arg18 : memref<80x128xf32, #tpu.memory_space<vmem>>) offsets(%arg10 : memref<80xi32, #tpu.memory_space<vmem>>) semaphore(%arg31 : memref<!tpu.dma_semaphore, #tpu.memory_space<semaphore_mem>>)
      } else {
      }
      %add3A_117 = arith.constant 2 : i32
      %add3A_118 = arith.addi %mul3A_71, %add3A_117 : i32
      %dma_wait3A_119 = arith.constant 0 : i32
      %dma_wait3A_120 = arith.constant 0 : i32
      %dma_wait3A_121 = tpu.memref_slice %arg2[%dma_wait3A_119, %dma_wait3A_120] : memref<10000x128xf32, #tpu.memory_space<hbm>> -> memref<10000x128xf32, #tpu.memory_space<hbm>>
      tpu.wait_indirect_dma semaphore(%arg30 : memref<!tpu.dma_semaphore, #tpu.memory_space<semaphore_mem>>) src(%dma_wait3A_121 : memref<10000x128xf32, #tpu.memory_space<hbm>>) dst(%arg17 : memref<80x128xf32, #tpu.memory_space<vmem>>)
      %mul3A_122 = arith.constant 80 : i32
      %mul3A_123 = arith.muli %add3A_118, %mul3A_122 : i32
      %add3A_124 = arith.addi %mul3A_2, %mul3A_123 : i32
      %dma_wait3A_125 = tpu.memref_slice %arg4[%add3A_124] : memref<320000xi32, #tpu.memory_space<hbm>> -> memref<80xi32, #tpu.memory_space<hbm>>
      %dma_wait3A_126 = tpu.memref_slice %arg4[%add3A_124] : memref<320000xi32, #tpu.memory_space<hbm>> -> memref<80xi32, #tpu.memory_space<hbm>>
      tpu.wait_dma2 semaphore(%arg26 : memref<!tpu.dma_semaphore, #tpu.memory_space<semaphore_mem>>) src(%dma_wait3A_126 : memref<80xi32, #tpu.memory_space<hbm>>) dst(%arg13 : memref<80xi32, #tpu.memory_space<vmem>>)
      "tpu.region"() ({
        %run_scoped3A = tpu.sem_alloc : memref<!tpu.dma_semaphore, #tpu.memory_space<semaphore_mem>>
        %dma_start3A_165 = arith.constant 0 : i32
        %dma_start3A_166 = arith.constant 0 : i32
        %dma_start3A_167 = tpu.memref_slice %arg19[%dma_start3A_165, %dma_start3A_166] : memref<10240x128xf32, #tpu.memory_space<vmem_shared>> -> memref<10240x128xf32, #tpu.memory_space<vmem_shared>>
        tpu.enqueue_indirect_dma source(%arg17 : memref<80x128xf32, #tpu.memory_space<vmem>>) target(%dma_start3A_167 : memref<10240x128xf32, #tpu.memory_space<vmem_shared>>) offsets(%arg13 : memref<80xi32, #tpu.memory_space<vmem>>) semaphore(%run_scoped3A : memref<!tpu.dma_semaphore, #tpu.memory_space<semaphore_mem>>) {add = true}
        %dma_wait3A_168 = arith.constant 0 : i32
        %dma_wait3A_169 = arith.constant 0 : i32
        %dma_wait3A_170 = tpu.memref_slice %arg19[%dma_wait3A_168, %dma_wait3A_169] : memref<10240x128xf32, #tpu.memory_space<vmem_shared>> -> memref<10240x128xf32, #tpu.memory_space<vmem_shared>>
        tpu.wait_indirect_dma semaphore(%run_scoped3A : memref<!tpu.dma_semaphore, #tpu.memory_space<semaphore_mem>>) src(%arg17 : memref<80x128xf32, #tpu.memory_space<vmem>>) dst(%dma_wait3A_170 : memref<10240x128xf32, #tpu.memory_space<vmem_shared>>)
        tpu.yield
      }) : () -> ()
      %add3A_127 = arith.constant 4 : i32
      %add3A_128 = arith.addi %add3A_118, %add3A_127 : i32
      %lt3A_129 = arith.constant 125 : i32
      %lt3A_130 = arith.cmpi slt, %add3A_128, %lt3A_129 : i32
      %convert_element_type3A_131 = arith.extui %lt3A_130 : i1 to i32
      %cond3A_132 = arith.constant 0 : i32
      %cond3A_133 = arith.cmpi ne, %convert_element_type3A_131, %cond3A_132 : i32
      scf.if %cond3A_133 {
        %add3A_165 = arith.constant 4 : i32
        %add3A_166 = arith.addi %add3A_118, %add3A_165 : i32
        %mul3A_167 = arith.constant 80 : i32
        %mul3A_168 = arith.muli %add3A_166, %mul3A_167 : i32
        %add3A_169 = arith.addi %mul3A_2, %mul3A_168 : i32
        %dma_start3A_170 = tpu.memref_slice %arg3[%add3A_169] : memref<320000xi32, #tpu.memory_space<hbm>> -> memref<80xi32, #tpu.memory_space<hbm>>
        %dma_start3A_171 = tpu.memref_slice %arg3[%add3A_169] : memref<320000xi32, #tpu.memory_space<hbm>> -> memref<80xi32, #tpu.memory_space<hbm>>
        tpu.enqueue_dma source(%dma_start3A_171 : memref<80xi32, #tpu.memory_space<hbm>>) target(%arg9 : memref<80xi32, #tpu.memory_space<vmem>>) target_semaphore(%arg22 : memref<!tpu.dma_semaphore, #tpu.memory_space<semaphore_mem>>)
        %add3A_172 = arith.addi %mul3A_2, %mul3A_168 : i32
        %dma_start3A_173 = tpu.memref_slice %arg4[%add3A_172] : memref<320000xi32, #tpu.memory_space<hbm>> -> memref<80xi32, #tpu.memory_space<hbm>>
        %dma_start3A_174 = tpu.memref_slice %arg4[%add3A_172] : memref<320000xi32, #tpu.memory_space<hbm>> -> memref<80xi32, #tpu.memory_space<hbm>>
        tpu.enqueue_dma source(%dma_start3A_174 : memref<80xi32, #tpu.memory_space<hbm>>) target(%arg13 : memref<80xi32, #tpu.memory_space<vmem>>) target_semaphore(%arg26 : memref<!tpu.dma_semaphore, #tpu.memory_space<semaphore_mem>>)
      } else {
      }
      %add3A_134 = arith.constant 2 : i32
      %add3A_135 = arith.addi %add3A_118, %add3A_134 : i32
      %lt3A_136 = arith.constant 125 : i32
      %lt3A_137 = arith.cmpi slt, %add3A_135, %lt3A_136 : i32
      %convert_element_type3A_138 = arith.extui %lt3A_137 : i1 to i32
      %cond3A_139 = arith.constant 0 : i32
      %cond3A_140 = arith.cmpi ne, %convert_element_type3A_138, %cond3A_139 : i32
      scf.if %cond3A_140 {
        %add3A_165 = arith.constant 2 : i32
        %add3A_166 = arith.addi %add3A_118, %add3A_165 : i32
        %mul3A_167 = arith.constant 80 : i32
        %mul3A_168 = arith.muli %add3A_166, %mul3A_167 : i32
        %add3A_169 = arith.addi %mul3A_2, %mul3A_168 : i32
        %dma_wait3A_170 = tpu.memref_slice %arg3[%add3A_169] : memref<320000xi32, #tpu.memory_space<hbm>> -> memref<80xi32, #tpu.memory_space<hbm>>
        %dma_wait3A_171 = tpu.memref_slice %arg3[%add3A_169] : memref<320000xi32, #tpu.memory_space<hbm>> -> memref<80xi32, #tpu.memory_space<hbm>>
        tpu.wait_dma2 semaphore(%arg20 : memref<!tpu.dma_semaphore, #tpu.memory_space<semaphore_mem>>) src(%dma_wait3A_171 : memref<80xi32, #tpu.memory_space<hbm>>) dst(%arg7 : memref<80xi32, #tpu.memory_space<vmem>>)
        %dma_start3A_172 = arith.constant 0 : i32
        %dma_start3A_173 = arith.constant 0 : i32
        %dma_start3A_174 = tpu.memref_slice %arg2[%dma_start3A_172, %dma_start3A_173] : memref<10000x128xf32, #tpu.memory_space<hbm>> -> memref<10000x128xf32, #tpu.memory_space<hbm>>
        tpu.enqueue_indirect_dma source(%dma_start3A_174 : memref<10000x128xf32, #tpu.memory_space<hbm>>) target(%arg15 : memref<80x128xf32, #tpu.memory_space<vmem>>) offsets(%arg7 : memref<80xi32, #tpu.memory_space<vmem>>) semaphore(%arg28 : memref<!tpu.dma_semaphore, #tpu.memory_space<semaphore_mem>>)
      } else {
      }
      %add3A_141 = arith.constant 3 : i32
      %add3A_142 = arith.addi %mul3A_71, %add3A_141 : i32
      %dma_wait3A_143 = arith.constant 0 : i32
      %dma_wait3A_144 = arith.constant 0 : i32
      %dma_wait3A_145 = tpu.memref_slice %arg2[%dma_wait3A_143, %dma_wait3A_144] : memref<10000x128xf32, #tpu.memory_space<hbm>> -> memref<10000x128xf32, #tpu.memory_space<hbm>>
      tpu.wait_indirect_dma semaphore(%arg31 : memref<!tpu.dma_semaphore, #tpu.memory_space<semaphore_mem>>) src(%dma_wait3A_145 : memref<10000x128xf32, #tpu.memory_space<hbm>>) dst(%arg18 : memref<80x128xf32, #tpu.memory_space<vmem>>)
      %mul3A_146 = arith.constant 80 : i32
      %mul3A_147 = arith.muli %add3A_142, %mul3A_146 : i32
      %add3A_148 = arith.addi %mul3A_2, %mul3A_147 : i32
      %dma_wait3A_149 = tpu.memref_slice %arg4[%add3A_148] : memref<320000xi32, #tpu.memory_space<hbm>> -> memref<80xi32, #tpu.memory_space<hbm>>
      %dma_wait3A_150 = tpu.memref_slice %arg4[%add3A_148] : memref<320000xi32, #tpu.memory_space<hbm>> -> memref<80xi32, #tpu.memory_space<hbm>>
      tpu.wait_dma2 semaphore(%arg27 : memref<!tpu.dma_semaphore, #tpu.memory_space<semaphore_mem>>) src(%dma_wait3A_150 : memref<80xi32, #tpu.memory_space<hbm>>) dst(%arg14 : memref<80xi32, #tpu.memory_space<vmem>>)
      "tpu.region"() ({
        %run_scoped3A = tpu.sem_alloc : memref<!tpu.dma_semaphore, #tpu.memory_space<semaphore_mem>>
        %dma_start3A_165 = arith.constant 0 : i32
        %dma_start3A_166 = arith.constant 0 : i32
        %dma_start3A_167 = tpu.memref_slice %arg19[%dma_start3A_165, %dma_start3A_166] : memref<10240x128xf32, #tpu.memory_space<vmem_shared>> -> memref<10240x128xf32, #tpu.memory_space<vmem_shared>>
        tpu.enqueue_indirect_dma source(%arg18 : memref<80x128xf32, #tpu.memory_space<vmem>>) target(%dma_start3A_167 : memref<10240x128xf32, #tpu.memory_space<vmem_shared>>) offsets(%arg14 : memref<80xi32, #tpu.memory_space<vmem>>) semaphore(%run_scoped3A : memref<!tpu.dma_semaphore, #tpu.memory_space<semaphore_mem>>) {add = true}
        %dma_wait3A_168 = arith.constant 0 : i32
        %dma_wait3A_169 = arith.constant 0 : i32
        %dma_wait3A_170 = tpu.memref_slice %arg19[%dma_wait3A_168, %dma_wait3A_169] : memref<10240x128xf32, #tpu.memory_space<vmem_shared>> -> memref<10240x128xf32, #tpu.memory_space<vmem_shared>>
        tpu.wait_indirect_dma semaphore(%run_scoped3A : memref<!tpu.dma_semaphore, #tpu.memory_space<semaphore_mem>>) src(%arg18 : memref<80x128xf32, #tpu.memory_space<vmem>>) dst(%dma_wait3A_170 : memref<10240x128xf32, #tpu.memory_space<vmem_shared>>)
        tpu.yield
      }) : () -> ()
      %add3A_151 = arith.constant 4 : i32
      %add3A_152 = arith.addi %add3A_142, %add3A_151 : i32
      %lt3A_153 = arith.constant 125 : i32
      %lt3A_154 = arith.cmpi slt, %add3A_152, %lt3A_153 : i32
      %convert_element_type3A_155 = arith.extui %lt3A_154 : i1 to i32
      %cond3A_156 = arith.constant 0 : i32
      %cond3A_157 = arith.cmpi ne, %convert_element_type3A_155, %cond3A_156 : i32
      scf.if %cond3A_157 {
        %add3A_165 = arith.constant 4 : i32
        %add3A_166 = arith.addi %add3A_142, %add3A_165 : i32
        %mul3A_167 = arith.constant 80 : i32
        %mul3A_168 = arith.muli %add3A_166, %mul3A_167 : i32
        %add3A_169 = arith.addi %mul3A_2, %mul3A_168 : i32
        %dma_start3A_170 = tpu.memref_slice %arg3[%add3A_169] : memref<320000xi32, #tpu.memory_space<hbm>> -> memref<80xi32, #tpu.memory_space<hbm>>
        %dma_start3A_171 = tpu.memref_slice %arg3[%add3A_169] : memref<320000xi32, #tpu.memory_space<hbm>> -> memref<80xi32, #tpu.memory_space<hbm>>
        tpu.enqueue_dma source(%dma_start3A_171 : memref<80xi32, #tpu.memory_space<hbm>>) target(%arg10 : memref<80xi32, #tpu.memory_space<vmem>>) target_semaphore(%arg23 : memref<!tpu.dma_semaphore, #tpu.memory_space<semaphore_mem>>)
        %add3A_172 = arith.addi %mul3A_2, %mul3A_168 : i32
        %dma_start3A_173 = tpu.memref_slice %arg4[%add3A_172] : memref<320000xi32, #tpu.memory_space<hbm>> -> memref<80xi32, #tpu.memory_space<hbm>>
        %dma_start3A_174 = tpu.memref_slice %arg4[%add3A_172] : memref<320000xi32, #tpu.memory_space<hbm>> -> memref<80xi32, #tpu.memory_space<hbm>>
        tpu.enqueue_dma source(%dma_start3A_174 : memref<80xi32, #tpu.memory_space<hbm>>) target(%arg14 : memref<80xi32, #tpu.memory_space<vmem>>) target_semaphore(%arg27 : memref<!tpu.dma_semaphore, #tpu.memory_space<semaphore_mem>>)
      } else {
      }
      %add3A_158 = arith.constant 2 : i32
      %add3A_159 = arith.addi %add3A_142, %add3A_158 : i32
      %lt3A_160 = arith.constant 125 : i32
      %lt3A_161 = arith.cmpi slt, %add3A_159, %lt3A_160 : i32
      %convert_element_type3A_162 = arith.extui %lt3A_161 : i1 to i32
      %cond3A_163 = arith.constant 0 : i32
      %cond3A_164 = arith.cmpi ne, %convert_element_type3A_162, %cond3A_163 : i32
      scf.if %cond3A_164 {
        %add3A_165 = arith.constant 2 : i32
        %add3A_166 = arith.addi %add3A_142, %add3A_165 : i32
        %mul3A_167 = arith.constant 80 : i32
        %mul3A_168 = arith.muli %add3A_166, %mul3A_167 : i32
        %add3A_169 = arith.addi %mul3A_2, %mul3A_168 : i32
        %dma_wait3A_170 = tpu.memref_slice %arg3[%add3A_169] : memref<320000xi32, #tpu.memory_space<hbm>> -> memref<80xi32, #tpu.memory_space<hbm>>
        %dma_wait3A_171 = tpu.memref_slice %arg3[%add3A_169] : memref<320000xi32, #tpu.memory_space<hbm>> -> memref<80xi32, #tpu.memory_space<hbm>>
        tpu.wait_dma2 semaphore(%arg21 : memref<!tpu.dma_semaphore, #tpu.memory_space<semaphore_mem>>) src(%dma_wait3A_171 : memref<80xi32, #tpu.memory_space<hbm>>) dst(%arg8 : memref<80xi32, #tpu.memory_space<vmem>>)
        %dma_start3A_172 = arith.constant 0 : i32
        %dma_start3A_173 = arith.constant 0 : i32
        %dma_start3A_174 = tpu.memref_slice %arg2[%dma_start3A_172, %dma_start3A_173] : memref<10000x128xf32, #tpu.memory_space<hbm>> -> memref<10000x128xf32, #tpu.memory_space<hbm>>
        tpu.enqueue_indirect_dma source(%dma_start3A_174 : memref<10000x128xf32, #tpu.memory_space<hbm>>) target(%arg16 : memref<80x128xf32, #tpu.memory_space<vmem>>) offsets(%arg8 : memref<80xi32, #tpu.memory_space<vmem>>) semaphore(%arg29 : memref<!tpu.dma_semaphore, #tpu.memory_space<semaphore_mem>>)
      } else {
      }
    }
    %dma_wait3A_59 = arith.constant 0 : i32
    %dma_wait3A_60 = arith.constant 0 : i32
    %dma_wait3A_61 = tpu.memref_slice %arg2[%dma_wait3A_59, %dma_wait3A_60] : memref<10000x128xf32, #tpu.memory_space<hbm>> -> memref<10000x128xf32, #tpu.memory_space<hbm>>
    tpu.wait_indirect_dma semaphore(%arg28 : memref<!tpu.dma_semaphore, #tpu.memory_space<semaphore_mem>>) src(%dma_wait3A_61 : memref<10000x128xf32, #tpu.memory_space<hbm>>) dst(%arg15 : memref<80x128xf32, #tpu.memory_space<vmem>>)
    %mul3A_62 = arith.constant 124 : i32
    %mul3A_63 = arith.constant 80 : i32
    %mul3A_64 = arith.muli %mul3A_62, %mul3A_63 : i32
    %add3A_65 = arith.addi %mul3A_2, %mul3A_64 : i32
    %dma_wait3A_66 = tpu.memref_slice %arg4[%add3A_65] : memref<320000xi32, #tpu.memory_space<hbm>> -> memref<80xi32, #tpu.memory_space<hbm>>
    %dma_wait3A_67 = tpu.memref_slice %arg4[%add3A_65] : memref<320000xi32, #tpu.memory_space<hbm>> -> memref<80xi32, #tpu.memory_space<hbm>>
    tpu.wait_dma2 semaphore(%arg24 : memref<!tpu.dma_semaphore, #tpu.memory_space<semaphore_mem>>) src(%dma_wait3A_67 : memref<80xi32, #tpu.memory_space<hbm>>) dst(%arg11 : memref<80xi32, #tpu.memory_space<vmem>>)
    "tpu.region"() ({
      %run_scoped3A = tpu.sem_alloc : memref<!tpu.dma_semaphore, #tpu.memory_space<semaphore_mem>>
      %dma_start3A_69 = arith.constant 0 : i32
      %dma_start3A_70 = arith.constant 0 : i32
      %dma_start3A_71 = tpu.memref_slice %arg19[%dma_start3A_69, %dma_start3A_70] : memref<10240x128xf32, #tpu.memory_space<vmem_shared>> -> memref<10240x128xf32, #tpu.memory_space<vmem_shared>>
      tpu.enqueue_indirect_dma source(%arg15 : memref<80x128xf32, #tpu.memory_space<vmem>>) target(%dma_start3A_71 : memref<10240x128xf32, #tpu.memory_space<vmem_shared>>) offsets(%arg11 : memref<80xi32, #tpu.memory_space<vmem>>) semaphore(%run_scoped3A : memref<!tpu.dma_semaphore, #tpu.memory_space<semaphore_mem>>) {add = true}
      %dma_wait3A_72 = arith.constant 0 : i32
      %dma_wait3A_73 = arith.constant 0 : i32
      %dma_wait3A_74 = tpu.memref_slice %arg19[%dma_wait3A_72, %dma_wait3A_73] : memref<10240x128xf32, #tpu.memory_space<vmem_shared>> -> memref<10240x128xf32, #tpu.memory_space<vmem_shared>>
      tpu.wait_indirect_dma semaphore(%run_scoped3A : memref<!tpu.dma_semaphore, #tpu.memory_space<semaphore_mem>>) src(%arg15 : memref<80x128xf32, #tpu.memory_space<vmem>>) dst(%dma_wait3A_74 : memref<10240x128xf32, #tpu.memory_space<vmem_shared>>)
      tpu.yield
    }) : () -> ()
    %barrier3A_68 = arith.constant 0 : index
    tpu.barrier barrier_id(%barrier3A_68)
    "tpu.region"() ({
      %run_scoped3A = tpu.sem_alloc : memref<!tpu.dma_semaphore, #tpu.memory_space<semaphore_mem>>
      %dma_start3A_69 = arith.constant 0 : i32
      %dma_start3A_70 = tpu.memref_slice %arg6[%arg0, %mul3A_4, %dma_start3A_69] : memref<2x10240x128xf32, #tpu.memory_space<hbm>> -> memref<1x640x128xf32, #tpu.memory_space<hbm>>
      %dma_start3A_71 = tpu.memref_squeeze %dma_start3A_70 : memref<1x640x128xf32, #tpu.memory_space<hbm>> -> memref<640x128xf32, #tpu.memory_space<hbm>>
      %dma_start3A_72 = arith.constant 0 : i32
      %dma_start3A_73 = tpu.memref_slice %arg19[%mul3A_4, %dma_start3A_72] : memref<10240x128xf32, #tpu.memory_space<vmem_shared>> -> memref<640x128xf32, #tpu.memory_space<vmem_shared>>
      tpu.enqueue_dma source(%dma_start3A_73 : memref<640x128xf32, #tpu.memory_space<vmem_shared>>) target(%dma_start3A_71 : memref<640x128xf32, #tpu.memory_space<hbm>>) target_semaphore(%run_scoped3A : memref<!tpu.dma_semaphore, #tpu.memory_space<semaphore_mem>>)
      %dma_wait3A_74 = arith.constant 0 : i32
      %dma_wait3A_75 = tpu.memref_slice %arg6[%arg0, %mul3A_4, %dma_wait3A_74] : memref<2x10240x128xf32, #tpu.memory_space<hbm>> -> memref<1x640x128xf32, #tpu.memory_space<hbm>>
      %dma_wait3A_76 = tpu.memref_squeeze %dma_wait3A_75 : memref<1x640x128xf32, #tpu.memory_space<hbm>> -> memref<640x128xf32, #tpu.memory_space<hbm>>
      %dma_wait3A_77 = arith.constant 0 : i32
      %dma_wait3A_78 = tpu.memref_slice %arg19[%mul3A_4, %dma_wait3A_77] : memref<10240x128xf32, #tpu.memory_space<vmem_shared>> -> memref<640x128xf32, #tpu.memory_space<vmem_shared>>
      tpu.wait_dma2 semaphore(%run_scoped3A : memref<!tpu.dma_semaphore, #tpu.memory_space<semaphore_mem>>) src(%dma_wait3A_78 : memref<640x128xf32, #tpu.memory_space<vmem_shared>>) dst(%dma_wait3A_76 : memref<640x128xf32, #tpu.memory_space<hbm>>)
      tpu.yield
    }) : () -> ()
    return
  }
}

module attributes {stable_mosaic.version = 14 : i64} {
  func.func @_embed_body(%arg0: i32, %arg1: memref<1000x128xf32, #tpu.memory_space<vmem>>, %arg2: memref<128x128xf32, #tpu.memory_space<vmem>>, %arg3: memref<1x128xf32, #tpu.memory_space<vmem>>, %arg4: memref<1000x128xf32, #tpu.memory_space<vmem>>) attributes {dimension_semantics = [#tpu.dimension_semantics<arbitrary>], iteration_bounds = array<i64: 10>, scalar_prefetch = 0 : i64, scratch_operands = 0 : i64, tpu.core_type = #tpu.core_type<tc>, window_params = [{transform_indices = @transform_0, window_bounds = array<i64: 1000, 128>}, {pipeline_mode = #tpu.pipeline_mode<synchronous>, transform_indices = @transform_1, window_bounds = array<i64: 128, 128>}, {pipeline_mode = #tpu.pipeline_mode<synchronous>, transform_indices = @transform_2, window_bounds = array<i64: 1, 128>}, {transform_indices = @transform_3, window_bounds = array<i64: 1000, 128>}]} {
    %get3A = arith.constant 0 : index
    %get3A_0 = arith.constant 0 : index
    %get3A_1 = vector.load %arg1[%get3A, %get3A_0] : memref<1000x128xf32, #tpu.memory_space<vmem>>, vector<1000x128xf32>
    %get3A_2 = arith.constant 0 : index
    %get3A_3 = arith.constant 0 : index
    %get3A_4 = vector.load %arg2[%get3A_2, %get3A_3] : memref<128x128xf32, #tpu.memory_space<vmem>>, vector<128x128xf32>
    %dot_general3A = arith.constant dense<0.000000e+00> : vector<1000x128xf32>
    %dot_general3A_5 = tpu.matmul %get3A_1, %get3A_4, %dot_general3A {dimension_numbers = #tpu.dot_dimension_numbers<[1], [0], [0], [1], [0, 0, 1, 1], [], []>, transpose_lhs_hint = false} : vector<1000x128xf32>, vector<128x128xf32>, vector<1000x128xf32> -> vector<1000x128xf32>
    %get3A_6 = arith.constant 0 : index
    %get3A_7 = arith.constant 0 : index
    %get3A_8 = vector.load %arg3[%get3A_6, %get3A_7] : memref<1x128xf32, #tpu.memory_space<vmem>>, vector<1x128xf32>
    %add3A = vector.broadcast %get3A_8 : vector<1x128xf32> to vector<1000x128xf32>
    %add3A_9 = arith.addf %dot_general3A_5, %add3A : vector<1000x128xf32>
    %swap3A = arith.constant 0 : index
    %swap3A_10 = arith.constant 0 : index
    %swap3A_11 = vector.load %arg4[%swap3A, %swap3A_10] : memref<1000x128xf32, #tpu.memory_space<vmem>>, vector<1000x128xf32>
    tpu.vector_store %arg4[%swap3A, %swap3A_10], %add3A_9 {strides = array<i32>} : memref<1000x128xf32, #tpu.memory_space<vmem>>, vector<1000x128xf32>,
    return
  }
  func.func @transform_0(%arg0: i32) -> (i32, i32) {
    %c0_i32 = arith.constant 0 : i32
    %c0_i32_0 = arith.constant 0 : i32
    return %arg0, %c0_i32 : i32, i32
  }
  func.func @transform_1(%arg0: i32) -> (i32, i32) {
    %c0_i32 = arith.constant 0 : i32
    %c0_i32_0 = arith.constant 0 : i32
    %c0_i32_1 = arith.constant 0 : i32
    return %c0_i32, %c0_i32_0 : i32, i32
  }
  func.func @transform_2(%arg0: i32) -> (i32, i32) {
    %c0_i32 = arith.constant 0 : i32
    %c0_i32_0 = arith.constant 0 : i32
    %c0_i32_1 = arith.constant 0 : i32
    return %c0_i32, %c0_i32_0 : i32, i32
  }
  func.func @transform_3(%arg0: i32) -> (i32, i32) {
    %c0_i32 = arith.constant 0 : i32
    %c0_i32_0 = arith.constant 0 : i32
    return %arg0, %c0_i32 : i32, i32
  }
}

module attributes {stable_mosaic.version = 14 : i64} {
  func.func @_scale_body(%arg0: i32, %arg1: memref<1000x128xf32, #tpu.memory_space<vmem>>, %arg2: memref<2x1000x128xf32, #tpu.memory_space<vmem>>, %arg3: memref<1000x128xf32, #tpu.memory_space<vmem>>) attributes {dimension_semantics = [#tpu.dimension_semantics<arbitrary>], iteration_bounds = array<i64: 10>, scalar_prefetch = 0 : i64, scratch_operands = 0 : i64, tpu.core_type = #tpu.core_type<tc>, window_params = [{transform_indices = @transform_0, window_bounds = array<i64: 1000, 128>}, {transform_indices = @transform_1, window_bounds = array<i64: 2, 1000, 128>}, {transform_indices = @transform_2, window_bounds = array<i64: 1000, 128>}]} {
    %get3A = arith.constant 0 : index
    %get3A_0 = arith.constant 0 : index
    %get3A_1 = arith.constant 0 : index
    %get3A_2 = vector.load %arg2[%get3A, %get3A_0, %get3A_1] : memref<2x1000x128xf32, #tpu.memory_space<vmem>>, vector<2x1000x128xf32>
    %slice3A = vector.extract_strided_slice %get3A_2 {offsets = [0, 0, 0], sizes = [1, 1000, 1], strides = [1, 1, 1]} : vector<2x1000x128xf32> to vector<1x1000x1xf32>
    %squeeze3A = vector.shape_cast %slice3A : vector<1x1000x1xf32> to vector<1000xf32>
    %slice3A_3 = vector.extract_strided_slice %get3A_2 {offsets = [1, 0, 0], sizes = [1, 1000, 1], strides = [1, 1, 1]} : vector<2x1000x128xf32> to vector<1x1000x1xf32>
    %squeeze3A_4 = vector.shape_cast %slice3A_3 : vector<1x1000x1xf32> to vector<1000xf32>
    %add3A = arith.addf %squeeze3A, %squeeze3A_4 : vector<1000xf32>
    %gt3A = arith.constant 0.000000e+00 : f32
    %gt3A_5 = vector.broadcast %gt3A : f32 to vector<1000xf32>
    %gt3A_6 = arith.cmpf ogt, %add3A, %gt3A_5 : vector<1000xf32>
    %max3A = arith.constant 1.000000e+00 : f32
    %max3A_7 = vector.broadcast %max3A : f32 to vector<1000xf32>
    %max3A_8 = arith.maximumf %add3A, %max3A_7 : vector<1000xf32>
    %rsqrt3A = math.rsqrt %max3A_8 : vector<1000xf32>
    %jit3A = arith.constant 0.000000e+00 : f64
    %convert_element_type3A = arith.truncf %jit3A : f64 to f32
    %broadcast_in_dim3A = vector.broadcast %convert_element_type3A : f32 to vector<1000xf32>
    %select_n3A = arith.select %gt3A_6, %rsqrt3A, %broadcast_in_dim3A : vector<1000xi1>, vector<1000xf32>
    %broadcast_in_dim3A_9 = vector.shape_cast %select_n3A : vector<1000xf32> to vector<1000x1xf32>
    %get3A_10 = arith.constant 0 : index
    %get3A_11 = arith.constant 0 : index
    %get3A_12 = vector.load %arg1[%get3A_10, %get3A_11] : memref<1000x128xf32, #tpu.memory_space<vmem>>, vector<1000x128xf32>
    %mul3A = vector.broadcast %broadcast_in_dim3A_9 : vector<1000x1xf32> to vector<1000x128xf32>
    %mul3A_13 = arith.mulf %mul3A, %get3A_12 : vector<1000x128xf32>
    %swap3A = arith.constant 0 : index
    %swap3A_14 = arith.constant 0 : index
    %swap3A_15 = vector.load %arg3[%swap3A, %swap3A_14] : memref<1000x128xf32, #tpu.memory_space<vmem>>, vector<1000x128xf32>
    tpu.vector_store %arg3[%swap3A, %swap3A_14], %mul3A_13 {strides = array<i32>} : memref<1000x128xf32, #tpu.memory_space<vmem>>, vector<1000x128xf32>,
    return
  }
  func.func @transform_0(%arg0: i32) -> (i32, i32) {
    %c0_i32 = arith.constant 0 : i32
    %c0_i32_0 = arith.constant 0 : i32
    return %arg0, %c0_i32 : i32, i32
  }
  func.func @transform_1(%arg0: i32) -> (i32, i32, i32) {
    %c0_i32 = arith.constant 0 : i32
    %c0_i32_0 = arith.constant 0 : i32
    %c0_i32_1 = arith.constant 0 : i32
    return %c0_i32, %arg0, %c0_i32_0 : i32, i32, i32
  }
  func.func @transform_2(%arg0: i32) -> (i32, i32) {
    %c0_i32 = arith.constant 0 : i32
    %c0_i32_0 = arith.constant 0 : i32
    return %arg0, %c0_i32 : i32, i32
  }
}

module attributes {stable_mosaic.version = 14 : i64} {
  func.func @_layer_body(%arg0: i32, %arg1: memref<1000x128xf32, #tpu.memory_space<vmem>>, %arg2: memref<2x1000x128xf32, #tpu.memory_space<vmem>>, %arg3: memref<2x1000x128xf32, #tpu.memory_space<vmem>>, %arg4: memref<128x128xf32, #tpu.memory_space<vmem>>, %arg5: memref<128x128xf32, #tpu.memory_space<vmem>>, %arg6: memref<1x128xf32, #tpu.memory_space<vmem>>, %arg7: memref<1000x128xf32, #tpu.memory_space<vmem>>, %arg8: memref<1000x128xf32, #tpu.memory_space<vmem>>) attributes {dimension_semantics = [#tpu.dimension_semantics<arbitrary>], iteration_bounds = array<i64: 10>, scalar_prefetch = 0 : i64, scratch_operands = 0 : i64, tpu.core_type = #tpu.core_type<tc>, window_params = [{transform_indices = @transform_0, window_bounds = array<i64: 1000, 128>}, {transform_indices = @transform_1, window_bounds = array<i64: 2, 1000, 128>}, {transform_indices = @transform_2, window_bounds = array<i64: 2, 1000, 128>}, {pipeline_mode = #tpu.pipeline_mode<synchronous>, transform_indices = @transform_3, window_bounds = array<i64: 128, 128>}, {pipeline_mode = #tpu.pipeline_mode<synchronous>, transform_indices = @transform_4, window_bounds = array<i64: 128, 128>}, {pipeline_mode = #tpu.pipeline_mode<synchronous>, transform_indices = @transform_5, window_bounds = array<i64: 1, 128>}, {transform_indices = @transform_6, window_bounds = array<i64: 1000, 128>}, {transform_indices = @transform_7, window_bounds = array<i64: 1000, 128>}]} {
    %get3A = arith.constant 0 : index
    %get3A_0 = arith.constant 0 : index
    %get3A_1 = arith.constant 0 : index
    %get3A_2 = vector.load %arg3[%get3A, %get3A_0, %get3A_1] : memref<2x1000x128xf32, #tpu.memory_space<vmem>>, vector<2x1000x128xf32>
    %slice3A = vector.extract_strided_slice %get3A_2 {offsets = [0, 0, 0], sizes = [1, 1000, 1], strides = [1, 1, 1]} : vector<2x1000x128xf32> to vector<1x1000x1xf32>
    %squeeze3A = vector.shape_cast %slice3A : vector<1x1000x1xf32> to vector<1000xf32>
    %slice3A_3 = vector.extract_strided_slice %get3A_2 {offsets = [1, 0, 0], sizes = [1, 1000, 1], strides = [1, 1, 1]} : vector<2x1000x128xf32> to vector<1x1000x1xf32>
    %squeeze3A_4 = vector.shape_cast %slice3A_3 : vector<1x1000x1xf32> to vector<1000xf32>
    %add3A = arith.addf %squeeze3A, %squeeze3A_4 : vector<1000xf32>
    %gt3A = arith.constant 0.000000e+00 : f32
    %gt3A_5 = vector.broadcast %gt3A : f32 to vector<1000xf32>
    %gt3A_6 = arith.cmpf ogt, %add3A, %gt3A_5 : vector<1000xf32>
    %max3A = arith.constant 1.000000e+00 : f32
    %max3A_7 = vector.broadcast %max3A : f32 to vector<1000xf32>
    %max3A_8 = arith.maximumf %add3A, %max3A_7 : vector<1000xf32>
    %rsqrt3A = math.rsqrt %max3A_8 : vector<1000xf32>
    %jit3A = arith.constant 0.000000e+00 : f64
    %convert_element_type3A = arith.truncf %jit3A : f64 to f32
    %broadcast_in_dim3A = vector.broadcast %convert_element_type3A : f32 to vector<1000xf32>
    %select_n3A = arith.select %gt3A_6, %rsqrt3A, %broadcast_in_dim3A : vector<1000xi1>, vector<1000xf32>
    %broadcast_in_dim3A_9 = vector.shape_cast %select_n3A : vector<1000xf32> to vector<1000x1xf32>
    %neg3A = arith.constant 0.000000e+00 : f32
    %neg3A_10 = vector.broadcast %neg3A : f32 to vector<1000x1xf32>
    %neg3A_11 = arith.subf %neg3A_10, %broadcast_in_dim3A_9 : vector<1000x1xf32>
    %get3A_12 = arith.constant 0 : index
    %get3A_13 = arith.constant 0 : index
    %get3A_14 = arith.constant 0 : index
    %get3A_15 = vector.load %arg2[%get3A_12, %get3A_13, %get3A_14] : memref<2x1000x128xf32, #tpu.memory_space<vmem>>, vector<1x1000x128xf32>
    %get3A_16 = vector.shape_cast %get3A_15 : vector<1x1000x128xf32> to vector<1000x128xf32>
    %get3A_17 = arith.constant 1 : index
    %get3A_18 = arith.constant 0 : index
    %get3A_19 = arith.constant 0 : index
    %get3A_20 = vector.load %arg2[%get3A_17, %get3A_18, %get3A_19] : memref<2x1000x128xf32, #tpu.memory_space<vmem>>, vector<1x1000x128xf32>
    %get3A_21 = vector.shape_cast %get3A_20 : vector<1x1000x128xf32> to vector<1000x128xf32>
    %add3A_22 = arith.addf %get3A_16, %get3A_21 : vector<1000x128xf32>
    %mul3A = vector.broadcast %neg3A_11 : vector<1000x1xf32> to vector<1000x128xf32>
    %mul3A_23 = arith.mulf %mul3A, %add3A_22 : vector<1000x128xf32>
    %get3A_24 = arith.constant 0 : index
    %get3A_25 = arith.constant 0 : index
    %get3A_26 = vector.load %arg1[%get3A_24, %get3A_25] : memref<1000x128xf32, #tpu.memory_space<vmem>>, vector<1000x128xf32>
    %get3A_27 = arith.constant 0 : index
    %get3A_28 = arith.constant 0 : index
    %get3A_29 = vector.load %arg4[%get3A_27, %get3A_28] : memref<128x128xf32, #tpu.memory_space<vmem>>, vector<128x128xf32>
    %dot_general3A = arith.constant dense<0.000000e+00> : vector<1000x128xf32>
    %dot_general3A_30 = tpu.matmul %get3A_26, %get3A_29, %dot_general3A {dimension_numbers = #tpu.dot_dimension_numbers<[1], [0], [0], [1], [0, 0, 1, 1], [], []>, transpose_lhs_hint = false} : vector<1000x128xf32>, vector<128x128xf32>, vector<1000x128xf32> -> vector<1000x128xf32>
    %get3A_31 = arith.constant 0 : index
    %get3A_32 = arith.constant 0 : index
    %get3A_33 = vector.load %arg5[%get3A_31, %get3A_32] : memref<128x128xf32, #tpu.memory_space<vmem>>, vector<128x128xf32>
    %dot_general3A_34 = arith.constant dense<0.000000e+00> : vector<1000x128xf32>
    %dot_general3A_35 = tpu.matmul %mul3A_23, %get3A_33, %dot_general3A_34 {dimension_numbers = #tpu.dot_dimension_numbers<[1], [0], [0], [1], [0, 0, 1, 1], [], []>, transpose_lhs_hint = false} : vector<1000x128xf32>, vector<128x128xf32>, vector<1000x128xf32> -> vector<1000x128xf32>
    %add3A_36 = arith.addf %dot_general3A_30, %dot_general3A_35 : vector<1000x128xf32>
    %get3A_37 = arith.constant 0 : index
    %get3A_38 = arith.constant 0 : index
    %get3A_39 = vector.load %arg6[%get3A_37, %get3A_38] : memref<1x128xf32, #tpu.memory_space<vmem>>, vector<1x128xf32>
    %add3A_40 = vector.broadcast %get3A_39 : vector<1x128xf32> to vector<1000x128xf32>
    %add3A_41 = arith.addf %add3A_36, %add3A_40 : vector<1000x128xf32>
    %max3A_42 = arith.constant 0.000000e+00 : f32
    %max3A_43 = vector.broadcast %max3A_42 : f32 to vector<1000x128xf32>
    %max3A_44 = arith.maximumf %add3A_41, %max3A_43 : vector<1000x128xf32>
    %swap3A = arith.constant 0 : index
    %swap3A_45 = arith.constant 0 : index
    %swap3A_46 = vector.load %arg7[%swap3A, %swap3A_45] : memref<1000x128xf32, #tpu.memory_space<vmem>>, vector<1000x128xf32>
    tpu.vector_store %arg7[%swap3A, %swap3A_45], %max3A_44 {strides = array<i32>} : memref<1000x128xf32, #tpu.memory_space<vmem>>, vector<1000x128xf32>,
    %broadcast_in_dim3A_47 = vector.shape_cast %select_n3A : vector<1000xf32> to vector<1000x1xf32>
    %mul3A_48 = vector.broadcast %broadcast_in_dim3A_47 : vector<1000x1xf32> to vector<1000x128xf32>
    %mul3A_49 = arith.mulf %mul3A_48, %max3A_44 : vector<1000x128xf32>
    %swap3A_50 = arith.constant 0 : index
    %swap3A_51 = arith.constant 0 : index
    %swap3A_52 = vector.load %arg8[%swap3A_50, %swap3A_51] : memref<1000x128xf32, #tpu.memory_space<vmem>>, vector<1000x128xf32>
    tpu.vector_store %arg8[%swap3A_50, %swap3A_51], %mul3A_49 {strides = array<i32>} : memref<1000x128xf32, #tpu.memory_space<vmem>>, vector<1000x128xf32>,
    return
  }
  func.func @transform_0(%arg0: i32) -> (i32, i32) {
    %c0_i32 = arith.constant 0 : i32
    %c0_i32_0 = arith.constant 0 : i32
    return %arg0, %c0_i32 : i32, i32
  }
  func.func @transform_1(%arg0: i32) -> (i32, i32, i32) {
    %c0_i32 = arith.constant 0 : i32
    %c0_i32_0 = arith.constant 0 : i32
    %c0_i32_1 = arith.constant 0 : i32
    return %c0_i32, %arg0, %c0_i32_0 : i32, i32, i32
  }
  func.func @transform_2(%arg0: i32) -> (i32, i32, i32) {
    %c0_i32 = arith.constant 0 : i32
    %c0_i32_0 = arith.constant 0 : i32
    %c0_i32_1 = arith.constant 0 : i32
    return %c0_i32, %arg0, %c0_i32_0 : i32, i32, i32
  }
  func.func @transform_3(%arg0: i32) -> (i32, i32) {
    %c0_i32 = arith.constant 0 : i32
    %c0_i32_0 = arith.constant 0 : i32
    %c0_i32_1 = arith.constant 0 : i32
    return %c0_i32, %c0_i32_0 : i32, i32
  }
  func.func @transform_4(%arg0: i32) -> (i32, i32) {
    %c0_i32 = arith.constant 0 : i32
    %c0_i32_0 = arith.constant 0 : i32
    %c0_i32_1 = arith.constant 0 : i32
    return %c0_i32, %c0_i32_0 : i32, i32
  }
  func.func @transform_5(%arg0: i32) -> (i32, i32) {
    %c0_i32 = arith.constant 0 : i32
    %c0_i32_0 = arith.constant 0 : i32
    %c0_i32_1 = arith.constant 0 : i32
    return %c0_i32, %c0_i32_0 : i32, i32
  }
  func.func @transform_6(%arg0: i32) -> (i32, i32) {
    %c0_i32 = arith.constant 0 : i32
    %c0_i32_0 = arith.constant 0 : i32
    return %arg0, %c0_i32 : i32, i32
  }
  func.func @transform_7(%arg0: i32) -> (i32, i32) {
    %c0_i32 = arith.constant 0 : i32
    %c0_i32_0 = arith.constant 0 : i32
    return %arg0, %c0_i32 : i32, i32
  }
}

module attributes {stable_mosaic.version = 14 : i64} {
  func.func @_final_body(%arg0: i32, %arg1: memref<1000x128xf32, #tpu.memory_space<vmem>>, %arg2: memref<2x1000x128xf32, #tpu.memory_space<vmem>>, %arg3: memref<2x1000x128xf32, #tpu.memory_space<vmem>>, %arg4: memref<128x128xf32, #tpu.memory_space<vmem>>, %arg5: memref<128x128xf32, #tpu.memory_space<vmem>>, %arg6: memref<1x128xf32, #tpu.memory_space<vmem>>, %arg7: memref<128x64xf32, #tpu.memory_space<vmem>>, %arg8: memref<1x64xf32, #tpu.memory_space<vmem>>, %arg9: memref<64x32xf32, #tpu.memory_space<vmem>>, %arg10: memref<1x32xf32, #tpu.memory_space<vmem>>, %arg11: memref<1x32xf32, #tpu.memory_space<vmem>>, %arg12: memref<1x128xf32, #tpu.memory_space<vmem>>) attributes {dimension_semantics = [#tpu.dimension_semantics<arbitrary>], iteration_bounds = array<i64: 10>, scalar_prefetch = 0 : i64, scratch_operands = 1 : i64, tpu.core_type = #tpu.core_type<tc>, window_params = [{transform_indices = @transform_0, window_bounds = array<i64: 1000, 128>}, {transform_indices = @transform_1, window_bounds = array<i64: 2, 1000, 128>}, {transform_indices = @transform_2, window_bounds = array<i64: 2, 1000, 128>}, {pipeline_mode = #tpu.pipeline_mode<synchronous>, transform_indices = @transform_3, window_bounds = array<i64: 128, 128>}, {pipeline_mode = #tpu.pipeline_mode<synchronous>, transform_indices = @transform_4, window_bounds = array<i64: 128, 128>}, {pipeline_mode = #tpu.pipeline_mode<synchronous>, transform_indices = @transform_5, window_bounds = array<i64: 1, 128>}, {pipeline_mode = #tpu.pipeline_mode<synchronous>, transform_indices = @transform_6, window_bounds = array<i64: 128, 64>}, {pipeline_mode = #tpu.pipeline_mode<synchronous>, transform_indices = @transform_7, window_bounds = array<i64: 1, 64>}, {pipeline_mode = #tpu.pipeline_mode<synchronous>, transform_indices = @transform_8, window_bounds = array<i64: 64, 32>}, {pipeline_mode = #tpu.pipeline_mode<synchronous>, transform_indices = @transform_9, window_bounds = array<i64: 1, 32>}, {pipeline_mode = #tpu.pipeline_mode<synchronous>, transform_indices = @transform_10, window_bounds = array<i64: 1, 32>}]} {
    %get3A = arith.constant 0 : index
    %get3A_0 = arith.constant 0 : index
    %get3A_1 = arith.constant 0 : index
    %get3A_2 = vector.load %arg3[%get3A, %get3A_0, %get3A_1] : memref<2x1000x128xf32, #tpu.memory_space<vmem>>, vector<2x1000x128xf32>
    %slice3A = vector.extract_strided_slice %get3A_2 {offsets = [0, 0, 0], sizes = [1, 1000, 1], strides = [1, 1, 1]} : vector<2x1000x128xf32> to vector<1x1000x1xf32>
    %squeeze3A = vector.shape_cast %slice3A : vector<1x1000x1xf32> to vector<1000xf32>
    %slice3A_3 = vector.extract_strided_slice %get3A_2 {offsets = [1, 0, 0], sizes = [1, 1000, 1], strides = [1, 1, 1]} : vector<2x1000x128xf32> to vector<1x1000x1xf32>
    %squeeze3A_4 = vector.shape_cast %slice3A_3 : vector<1x1000x1xf32> to vector<1000xf32>
    %add3A = arith.addf %squeeze3A, %squeeze3A_4 : vector<1000xf32>
    %gt3A = arith.constant 0.000000e+00 : f32
    %gt3A_5 = vector.broadcast %gt3A : f32 to vector<1000xf32>
    %gt3A_6 = arith.cmpf ogt, %add3A, %gt3A_5 : vector<1000xf32>
    %max3A = arith.constant 1.000000e+00 : f32
    %max3A_7 = vector.broadcast %max3A : f32 to vector<1000xf32>
    %max3A_8 = arith.maximumf %add3A, %max3A_7 : vector<1000xf32>
    %rsqrt3A = math.rsqrt %max3A_8 : vector<1000xf32>
    %jit3A = arith.constant 0.000000e+00 : f64
    %convert_element_type3A = arith.truncf %jit3A : f64 to f32
    %broadcast_in_dim3A = vector.broadcast %convert_element_type3A : f32 to vector<1000xf32>
    %select_n3A = arith.select %gt3A_6, %rsqrt3A, %broadcast_in_dim3A : vector<1000xi1>, vector<1000xf32>
    %broadcast_in_dim3A_9 = vector.shape_cast %select_n3A : vector<1000xf32> to vector<1000x1xf32>
    %neg3A = arith.constant 0.000000e+00 : f32
    %neg3A_10 = vector.broadcast %neg3A : f32 to vector<1000x1xf32>
    %neg3A_11 = arith.subf %neg3A_10, %broadcast_in_dim3A_9 : vector<1000x1xf32>
    %get3A_12 = arith.constant 0 : index
    %get3A_13 = arith.constant 0 : index
    %get3A_14 = arith.constant 0 : index
    %get3A_15 = vector.load %arg2[%get3A_12, %get3A_13, %get3A_14] : memref<2x1000x128xf32, #tpu.memory_space<vmem>>, vector<1x1000x128xf32>
    %get3A_16 = vector.shape_cast %get3A_15 : vector<1x1000x128xf32> to vector<1000x128xf32>
    %get3A_17 = arith.constant 1 : index
    %get3A_18 = arith.constant 0 : index
    %get3A_19 = arith.constant 0 : index
    %get3A_20 = vector.load %arg2[%get3A_17, %get3A_18, %get3A_19] : memref<2x1000x128xf32, #tpu.memory_space<vmem>>, vector<1x1000x128xf32>
    %get3A_21 = vector.shape_cast %get3A_20 : vector<1x1000x128xf32> to vector<1000x128xf32>
    %add3A_22 = arith.addf %get3A_16, %get3A_21 : vector<1000x128xf32>
    %mul3A = vector.broadcast %neg3A_11 : vector<1000x1xf32> to vector<1000x128xf32>
    %mul3A_23 = arith.mulf %mul3A, %add3A_22 : vector<1000x128xf32>
    %get3A_24 = arith.constant 0 : index
    %get3A_25 = arith.constant 0 : index
    %get3A_26 = vector.load %arg1[%get3A_24, %get3A_25] : memref<1000x128xf32, #tpu.memory_space<vmem>>, vector<1000x128xf32>
    %get3A_27 = arith.constant 0 : index
    %get3A_28 = arith.constant 0 : index
    %get3A_29 = vector.load %arg4[%get3A_27, %get3A_28] : memref<128x128xf32, #tpu.memory_space<vmem>>, vector<128x128xf32>
    %dot_general3A = arith.constant dense<0.000000e+00> : vector<1000x128xf32>
    %dot_general3A_30 = tpu.matmul %get3A_26, %get3A_29, %dot_general3A {dimension_numbers = #tpu.dot_dimension_numbers<[1], [0], [0], [1], [0, 0, 1, 1], [], []>, transpose_lhs_hint = false} : vector<1000x128xf32>, vector<128x128xf32>, vector<1000x128xf32> -> vector<1000x128xf32>
    %get3A_31 = arith.constant 0 : index
    %get3A_32 = arith.constant 0 : index
    %get3A_33 = vector.load %arg5[%get3A_31, %get3A_32] : memref<128x128xf32, #tpu.memory_space<vmem>>, vector<128x128xf32>
    %dot_general3A_34 = arith.constant dense<0.000000e+00> : vector<1000x128xf32>
    %dot_general3A_35 = tpu.matmul %mul3A_23, %get3A_33, %dot_general3A_34 {dimension_numbers = #tpu.dot_dimension_numbers<[1], [0], [0], [1], [0, 0, 1, 1], [], []>, transpose_lhs_hint = false} : vector<1000x128xf32>, vector<128x128xf32>, vector<1000x128xf32> -> vector<1000x128xf32>
    %add3A_36 = arith.addf %dot_general3A_30, %dot_general3A_35 : vector<1000x128xf32>
    %get3A_37 = arith.constant 0 : index
    %get3A_38 = arith.constant 0 : index
    %get3A_39 = vector.load %arg6[%get3A_37, %get3A_38] : memref<1x128xf32, #tpu.memory_space<vmem>>, vector<1x128xf32>
    %add3A_40 = vector.broadcast %get3A_39 : vector<1x128xf32> to vector<1000x128xf32>
    %add3A_41 = arith.addf %add3A_36, %add3A_40 : vector<1000x128xf32>
    %max3A_42 = arith.constant 0.000000e+00 : f32
    %max3A_43 = vector.broadcast %max3A_42 : f32 to vector<1000x128xf32>
    %max3A_44 = arith.maximumf %add3A_41, %max3A_43 : vector<1000x128xf32>
    %eq3A = arith.constant 0 : i32
    %eq3A_45 = arith.cmpi eq, %arg0, %eq3A : i32
    %convert_element_type3A_46 = arith.extui %eq3A_45 : i1 to i32
    %cond3A = arith.constant 0 : i32
    %cond3A_47 = arith.cmpi ne, %convert_element_type3A_46, %cond3A : i32
    scf.if %cond3A_47 {
      %broadcast_in_dim3A_61 = arith.constant 0.000000e+00 : f32
      %broadcast_in_dim3A_62 = vector.broadcast %broadcast_in_dim3A_61 : f32 to vector<1x128xf32>
      %swap3A_63 = arith.constant 0 : index
      %swap3A_64 = arith.constant 0 : index
      %swap3A_65 = vector.load %arg12[%swap3A_63, %swap3A_64] : memref<1x128xf32, #tpu.memory_space<vmem>>, vector<1x128xf32>
      tpu.vector_store %arg12[%swap3A_63, %swap3A_64], %broadcast_in_dim3A_62 {strides = array<i32>} : memref<1x128xf32, #tpu.memory_space<vmem>>, vector<1x128xf32>,
    } else {
    }
    %get3A_48 = arith.constant 0 : index
    %get3A_49 = arith.constant 0 : index
    %get3A_50 = vector.load %arg12[%get3A_48, %get3A_49] : memref<1x128xf32, #tpu.memory_space<vmem>>, vector<1x128xf32>
    %reduce_sum3A = arith.constant dense<0.000000e+00> : vector<128xf32>
    %reduce_sum3A_51 = vector.multi_reduction <add>, %max3A_44, %reduce_sum3A [0] : vector<1000x128xf32> to vector<128xf32>
    %broadcast_in_dim3A_52 = vector.shape_cast %reduce_sum3A_51 : vector<128xf32> to vector<1x128xf32>
    %add3A_53 = arith.addf %get3A_50, %broadcast_in_dim3A_52 : vector<1x128xf32>
    %swap3A = arith.constant 0 : index
    %swap3A_54 = arith.constant 0 : index
    %swap3A_55 = vector.load %arg12[%swap3A, %swap3A_54] : memref<1x128xf32, #tpu.memory_space<vmem>>, vector<1x128xf32>
    tpu.vector_store %arg12[%swap3A, %swap3A_54], %add3A_53 {strides = array<i32>} : memref<1x128xf32, #tpu.memory_space<vmem>>, vector<1x128xf32>,
    %eq3A_56 = arith.constant 9 : i32
    %eq3A_57 = arith.cmpi eq, %arg0, %eq3A_56 : i32
    %convert_element_type3A_58 = arith.extui %eq3A_57 : i1 to i32
    %cond3A_59 = arith.constant 0 : i32
    %cond3A_60 = arith.cmpi ne, %convert_element_type3A_58, %cond3A_59 : i32
    scf.if %cond3A_60 {
      %get3A_61 = arith.constant 0 : index
      %get3A_62 = arith.constant 0 : index
      %get3A_63 = vector.load %arg12[%get3A_61, %get3A_62] : memref<1x128xf32, #tpu.memory_space<vmem>>, vector<1x128xf32>
      %mul3A_64 = arith.constant 9.99999974E-5 : f32
      %mul3A_65 = vector.broadcast %mul3A_64 : f32 to vector<1x128xf32>
      %mul3A_66 = arith.mulf %get3A_63, %mul3A_65 : vector<1x128xf32>
      %get3A_67 = arith.constant 0 : index
      %get3A_68 = arith.constant 0 : index
      %get3A_69 = vector.load %arg7[%get3A_67, %get3A_68] : memref<128x64xf32, #tpu.memory_space<vmem>>, vector<128x64xf32>
      %dot_general3A_70 = arith.constant dense<0.000000e+00> : vector<1x64xf32>
      %dot_general3A_71 = tpu.matmul %mul3A_66, %get3A_69, %dot_general3A_70 {dimension_numbers = #tpu.dot_dimension_numbers<[1], [0], [0], [1], [0, 0, 1, 1], [], []>, transpose_lhs_hint = false} : vector<1x128xf32>, vector<128x64xf32>, vector<1x64xf32> -> vector<1x64xf32>
      %get3A_72 = arith.constant 0 : index
      %get3A_73 = arith.constant 0 : index
      %get3A_74 = vector.load %arg8[%get3A_72, %get3A_73] : memref<1x64xf32, #tpu.memory_space<vmem>>, vector<1x64xf32>
      %add3A_75 = arith.addf %dot_general3A_71, %get3A_74 : vector<1x64xf32>
      %max3A_76 = arith.constant 0.000000e+00 : f32
      %max3A_77 = vector.broadcast %max3A_76 : f32 to vector<1x64xf32>
      %max3A_78 = arith.maximumf %add3A_75, %max3A_77 : vector<1x64xf32>
      %get3A_79 = arith.constant 0 : index
      %get3A_80 = arith.constant 0 : index
      %get3A_81 = vector.load %arg9[%get3A_79, %get3A_80] : memref<64x32xf32, #tpu.memory_space<vmem>>, vector<64x32xf32>
      %dot_general3A_82 = arith.constant dense<0.000000e+00> : vector<1x32xf32>
      %dot_general3A_83 = tpu.matmul %max3A_78, %get3A_81, %dot_general3A_82 {dimension_numbers = #tpu.dot_dimension_numbers<[1], [0], [0], [1], [0, 0, 1, 1], [], []>, transpose_lhs_hint = false} : vector<1x64xf32>, vector<64x32xf32>, vector<1x32xf32> -> vector<1x32xf32>
      %get3A_84 = arith.constant 0 : index
      %get3A_85 = arith.constant 0 : index
      %get3A_86 = vector.load %arg10[%get3A_84, %get3A_85] : memref<1x32xf32, #tpu.memory_space<vmem>>, vector<1x32xf32>
      %add3A_87 = arith.addf %dot_general3A_83, %get3A_86 : vector<1x32xf32>
      %swap3A_88 = arith.constant 0 : index
      %swap3A_89 = arith.constant 0 : index
      %swap3A_90 = vector.load %arg11[%swap3A_88, %swap3A_89] : memref<1x32xf32, #tpu.memory_space<vmem>>, vector<1x32xf32>
      tpu.vector_store %arg11[%swap3A_88, %swap3A_89], %add3A_87 {strides = array<i32>} : memref<1x32xf32, #tpu.memory_space<vmem>>, vector<1x32xf32>,
    } else {
    }
    return
  }
  func.func @transform_0(%arg0: i32) -> (i32, i32) {
    %c0_i32 = arith.constant 0 : i32
    %c0_i32_0 = arith.constant 0 : i32
    return %arg0, %c0_i32 : i32, i32
  }
  func.func @transform_1(%arg0: i32) -> (i32, i32, i32) {
    %c0_i32 = arith.constant 0 : i32
    %c0_i32_0 = arith.constant 0 : i32
    %c0_i32_1 = arith.constant 0 : i32
    return %c0_i32, %arg0, %c0_i32_0 : i32, i32, i32
  }
  func.func @transform_2(%arg0: i32) -> (i32, i32, i32) {
    %c0_i32 = arith.constant 0 : i32
    %c0_i32_0 = arith.constant 0 : i32
    %c0_i32_1 = arith.constant 0 : i32
    return %c0_i32, %arg0, %c0_i32_0 : i32, i32, i32
  }
  func.func @transform_3(%arg0: i32) -> (i32, i32) {
    %c0_i32 = arith.constant 0 : i32
    %c0_i32_0 = arith.constant 0 : i32
    %c0_i32_1 = arith.constant 0 : i32
    return %c0_i32, %c0_i32_0 : i32, i32
  }
  func.func @transform_4(%arg0: i32) -> (i32, i32) {
    %c0_i32 = arith.constant 0 : i32
    %c0_i32_0 = arith.constant 0 : i32
    %c0_i32_1 = arith.constant 0 : i32
    return %c0_i32, %c0_i32_0 : i32, i32
  }
  func.func @transform_5(%arg0: i32) -> (i32, i32) {
    %c0_i32 = arith.constant 0 : i32
    %c0_i32_0 = arith.constant 0 : i32
    %c0_i32_1 = arith.constant 0 : i32
    return %c0_i32, %c0_i32_0 : i32, i32
  }
  func.func @transform_6(%arg0: i32) -> (i32, i32) {
    %c0_i32 = arith.constant 0 : i32
    %c0_i32_0 = arith.constant 0 : i32
    %c0_i32_1 = arith.constant 0 : i32
    return %c0_i32, %c0_i32_0 : i32, i32
  }
  func.func @transform_7(%arg0: i32) -> (i32, i32) {
    %c0_i32 = arith.constant 0 : i32
    %c0_i32_0 = arith.constant 0 : i32
    %c0_i32_1 = arith.constant 0 : i32
    return %c0_i32, %c0_i32_0 : i32, i32
  }
  func.func @transform_8(%arg0: i32) -> (i32, i32) {
    %c0_i32 = arith.constant 0 : i32
    %c0_i32_0 = arith.constant 0 : i32
    %c0_i32_1 = arith.constant 0 : i32
    return %c0_i32, %c0_i32_0 : i32, i32
  }
  func.func @transform_9(%arg0: i32) -> (i32, i32) {
    %c0_i32 = arith.constant 0 : i32
    %c0_i32_0 = arith.constant 0 : i32
    %c0_i32_1 = arith.constant 0 : i32
    return %c0_i32, %c0_i32_0 : i32, i32
  }
  func.func @transform_10(%arg0: i32) -> (i32, i32) {
    %c0_i32 = arith.constant 0 : i32
    %c0_i32_0 = arith.constant 0 : i32
    %c0_i32_1 = arith.constant 0 : i32
    return %c0_i32, %c0_i32_0 : i32, i32
  }
}

</mosaic_0001>

<sc_bundles>
// kernel: kernel.12.cloned.1.call-start
scs
__scs_entry_jumppad:
0x0: {  	(pc) =	sbr.rel $0x88, $3  }
0x1: {  	(tag) =	ssettag $0x0;
	lr =	simm.s32 $0x1  }
0x2: {  	[smem:$0x3F93] =	sst lr;
	_ =	strace $0xD0000000  }
0x3: {  	_ = 	snop  }
0x4: {  	_ = 	snop  }
0x5: {  	_ = 	snop  }
0x6: {  	_ = 	snop  }
0x7: {  	_ = 	snop  }
__scs_overlays_trampoline_lowered:
0x8: {  	[smem:$0x3FA2] =	sst s0  }
0x9: {  	[smem:$0x3FA3] =	sst s1  }
0xa: {  	[smem:$0x3FA4] =	sst s2  }
0xb: {  	[smem:$0x3FA5] =	sst s3  }
0xc: {  	[smem:$0x3FA6] =	sst s4  }
0xd: {  	[smem:$0x3FA7] =	sst s5  }
0xe: {  	[smem:$0x3FA8] =	sst s6  }
0xf: {  	[smem:$0x3FA9] =	sst s7  }
0x10: {  	[smem:$0x3FAA] =	sst s8  }
0x11: {  	[smem:$0x3FAB] =	sst s9;
	s0 =	simm.s32 @!p0 $0x0  }
0x12: {  	s1 =	sld [smem:$0x3F91];
	s0 =	simm.s32 @p0 $0x1  }
0x13: {  	[smem:$0x3FAC] =	sst s0;
	s0 =	simm.s32 @!p1 $0x0  }
0x14: {  	s2 =	sld [smem:$0x3F90];
	s0 =	simm.s32 @p1 $0x1  }
0x15: {  	[smem:$0x3FAD] =	sst s0;
	s0 =	simm.s32 @!p2 $0x0  }
0x16: {  	s3 =	sld [smem:$0x3FDB];
	s0 =	simm.s32 @p2 $0x1  }
0x17: {  	s4 =	simm.s32 $0x1BF5;
	[smem:$0x3FAF] =	sst s0  }
0x18: {  	s0 =	sld [smem:$0x3F92];
	_ =	swait.ge [sflag:s4], $0x0  }
0x19: {  	s7 =	sld [smem:$0x3F93]  }
0x1a: {  	s8 =	sadd.s32 $0xFFFFE003, lr  }
0x1b: {  	s9 =	sadd.s32 $0xFFFFFEF7, lr;
	s5 =	simm.s32 $0xFFFFFFFF;
	p2 =	slt.u32 s8, $0xFFFFF086  }
0x1c: {  	p1 =	slt.u32 s9, $0xF7A;
	s5 =	simm.s32 @!p2 $0x0  }
0x1d: {  	s5 =	simm.s32 @p1 $0x1;
	p0 =	seq.s32 s7, s2  }
0x1e: {  	s7 =	smul.u32 @!p0 $0xF7A, s2;
	p2 =	seq.s32 @!p0 s5, $0x0  }
0x1f: {  	s9 =	smul.u32 $0xF7A, s1;
	s8 =	simm.s32 @!p0 $0x1BF5;
	p2 =	por !p2, p0  }
0x20: {  	[sflag:s8] =	ssyncset.s32 @!p0 $0xFFFFF086;
	s6 =	sadd.s32 @!p0 s3, s7;
	s7 =	simm.s32 @!p0 $0x108  }
0x21: {  	s3 =	sadd.s32 s3, s9;
	s6 =	sadd.s32 @!p0 $0x88, s6;
	s7 =	simm.s32 @p2 $0x1082  }
0x22: {  	[simem:s7], [sflag:s8] =	dma.local @!p0 [hbm:s6], $0xF7A  }
0x23: {  	s9 =	sor.u32 $0xD0000000, s2;
	s6 =	simm.s32 $0x108;
	_ =	swait.ge @!p0 [sflag:s8], $0x0  }
0x24: {  	s3 =	sadd.s32 $0x88, s3;
	s6 =	simm.s32 @!p1 $0x1082;
	[sflag:s4] =	ssyncset.s32 $0xFFFFF086  }
0x25: {  	[simem:s6], [sflag:s4] =	dma.local [hbm:s3], $0xF7A  }
0x26: {  	[smem:$0x3F93] =	sst s1;
	(tag) =	ssettag s2;
	_ =	strace s9  }
0x27: {  	s1 =	sld [smem:$0x3FA3]  }
0x28: {  	s2 =	sld [smem:$0x3FA4]  }
0x29: {  	s4 =	sld [smem:$0x3FA6]  }
0x2a: {  	p0 =	seq.s32 s5, $0x0;
	s5 =	sld [smem:$0x3FA7]  }
0x2b: {  	s6 =	sld [smem:$0x3FA8]  }
0x2c: {  	s7 =	sld [smem:$0x3FA9]  }
0x2d: {  	s3 =	simm.s32 $0x108;
	s8 =	sld [smem:$0x3FAA]  }
0x2e: {  	s3 =	simm.s32 @!p0 $0x1082;
	s9 =	sld [smem:$0x3FAB]  }
0x2f: {  	lr =	sadd.s32 s0, s3;
	s0 =	sld [smem:$0x3FA2]  }
0x30: {  	s3 =	sld [smem:$0x3FA5]  }
0x31: {  	[smem:$0x3FAE] =	sst s10  }
0x32: {  	s10 =	sld [smem:$0x3FAC];
	_ =	sdelay $0x3  }
0x33: {  	p0 =	seq.s32 s10, $0x1;
	s10 =	sld [smem:$0x3FAE];
	_ =	sdelay $0x3  }
0x34: {  	[smem:$0x3FAE] =	sst s10  }
0x35: {  	s10 =	sld [smem:$0x3FAD];
	_ =	sdelay $0x3  }
0x36: {  	p1 =	seq.s32 s10, $0x1;
	s10 =	sld [smem:$0x3FAE];
	_ =	sdelay $0x3  }
0x37: {  	[smem:$0x3FAE] =	sst s10  }
0x38: {  	s10 =	sld [smem:$0x3FAF]  }
0x39: {  	_ = 	snop;
	(pc) =	sbr.ind lr, $3  }
0x3a: {  	_ = 	snop  }
0x3b: {  	_ = 	snop  }
0x3c: {  	p2 =	seq.s32 s10, $0x1;
	s10 =	sld [smem:$0x3FAE]  }
0x3d: {  	_ =	shalt  }
0x3e: {  	_ =	shalt  }
0x3f: {  	_ =	shalt  }
0x40: {  	_ =	shalt  }
0x41: {  	_ =	shalt  }
0x42: {  	_ =	shalt  }
0x43: {  	_ =	shalt  }
0x44: {  	_ =	shalt  }
0x45: {  	_ =	shalt  }
0x46: {  	_ =	shalt  }
0x47: {  	_ =	shalt  }
0x48: {  	_ =	shalt  }
0x49: {  	_ =	shalt  }
0x4a: {  	_ =	shalt  }
0x4b: {  	_ =	shalt  }
0x4c: {  	_ =	shalt  }
0x4d: {  	_ =	shalt  }
0x4e: {  	_ =	shalt  }
0x4f: {  	_ =	shalt  }
0x50: {  	_ =	shalt  }
0x51: {  	_ =	shalt  }
0x52: {  	_ =	shalt  }
0x53: {  	_ =	shalt  }
0x54: {  	_ =	shalt  }
0x55: {  	_ =	shalt  }
0x56: {  	_ =	shalt  }
0x57: {  	_ =	shalt  }
0x58: {  	_ =	shalt  }
0x59: {  	_ =	shalt  }
0x5a: {  	_ =	shalt  }
0x5b: {  	_ =	shalt  }
0x5c: {  	_ =	shalt  }
0x5d: {  	_ =	shalt  }
0x5e: {  	_ =	shalt  }
0x5f: {  	_ =	shalt  }
0x60: {  	_ =	shalt  }
0x61: {  	_ =	shalt  }
0x62: {  	_ =	shalt  }
0x63: {  	_ =	shalt  }
0x64: {  	_ =	shalt  }
0x65: {  	_ =	shalt  }
0x66: {  	_ =	shalt  }
0x67: {  	_ =	shalt  }
0x68: {  	_ =	shalt  }
0x69: {  	_ =	shalt  }
0x6a: {  	_ =	shalt  }
0x6b: {  	_ =	shalt  }
0x6c: {  	_ =	shalt  }
0x6d: {  	_ =	shalt  }
0x6e: {  	_ =	shalt  }
0x6f: {  	_ =	shalt  }
0x70: {  	_ =	shalt  }
0x71: {  	_ =	shalt  }
0x72: {  	_ =	shalt  }
0x73: {  	_ =	shalt  }
0x74: {  	_ =	shalt  }
0x75: {  	_ =	shalt  }
0x76: {  	_ =	shalt  }
0x77: {  	_ =	shalt  }
0x78: {  	_ =	shalt  }
0x79: {  	_ =	shalt  }
0x7a: {  	_ =	shalt  }
0x7b: {  	_ =	shalt  }
0x7c: {  	_ =	shalt  }
0x7d: {  	_ =	shalt  }
0x7e: {  	_ =	shalt  }
0x7f: {  	_ =	shalt  }
0x80: {  	_ =	shalt  }
0x81: {  	_ =	shalt  }
0x82: {  	_ =	shalt  }
0x83: {  	_ =	shalt  }
0x84: {  	_ =	shalt  }
0x85: {  	_ =	shalt  }
0x86: {  	_ =	shalt  }
0x87: {  	_ =	shalt  }
.Lfunc_end0:
.L_simem_size_0:
called_computation.1_lowered:
.L_overlay_start_0:
0x88: {  	s2 =	sld [smem:$0x3FD9]  }
0x89: {  	s3 =	sld [smem:$0x3FFE];
	_ =	sdelay $0x1  }
0x8a: {  	s1 =	srdreg.scid  }
0x8b: {  	s0 =	sand.u32 $0x1, s1  }
0x8c: {  	s16 =	sshll.u32 s0, $0xA;
	s2 =	sadd.s32 s3, s2  }
0x8d: {  	s2 =	sadd.s32 s2, s16  }
0x8e: {  	[smem:$0x3FBA] =	sst s2  }
0x8f: {  	_ = 	snop  }
0x90: {  	(tm) =	ssettm $0x1  }
0x91: {  	s17 =	sld [smem:$0x3FFB];
	_ =	sdelay $0x3  }
0x92: {  	_ =	strace s17  }
0x93: {  	s2 =	sld [smem:$0x3FFC];
	_ =	sdelay $0x3  }
0x94: {  	_ =	strace s2  }
0x95: {  	s2 =	sld [smem:$0x3FFD];
	_ =	sdelay $0x3  }
0x96: {  	_ =	strace s2  }
0x97: {  	_ =	strace $0x8FFFFFFF  }
0x98: {  	s18 =	sld [smem:$0x3FDB];
	_ =	sdelay $0x1  }
0x99: {  	s19 =	simm.s32 $_scs_section_size  }
0x9a: {  	s4 =	simm.s32 $_size__tile_overlayer_lowered;
	s5 =	simm.s32 $_tile_overlayer_lowered  }
0x9b: {  	s22 =	simm.s32 $0x1BFF;
	s21 =	sshll.u32 s5, $0x1;
	s2 =	sadd.s32 s19, s18  }
0x9c: {  	s6 =	simm.s32 $0x0;
	s20 =	sshll.u32 s4, $0x1;
	s4 =	sadd.s32 s21, s2  }
0x9d: {  	[timem:s6], [sflag:s22] =	dma.local [hbm:s4], s20  }
0x9e: {  	_ =	swait.ge [sflag:s22], s20  }
0x9f: {  	s3 =	ssub.s32 $0x0, s20;
	[sflag:s22] =	ssyncset.done $0x0  }
0xa0: {  	[sflag:s22] =	ssyncadd.s32 s3;
	_ =	sdelay $0x1  }
0xa1: {  	s23 =	simm.s32 $0x1B8B  }
0xa2: {  	_ =	swait.ge [sflag:s23], $0x1  }
0xa3: {  	[sflag:s23] =	ssyncset.done $0x0  }
0xa4: {  	s25 =	simm.s32 $0x1B8E;
	s24 =	sld [smem:$0x3FFE];
	[sflag:s23] =	ssyncadd.s32 $0xFFFFFFFF  }
0xa5: {  	s26 =	simm.s32 $execute0_lowered;
	[smem:$0x3FD2] =	sst s25  }
0xa6: {  	s4 =	sshll.u32 s26, $0x1;
	_ =	strace $0x80000049;
	[dreg:$0x1] =	wrdreg $0xFFFFFFFF  }
0xa7: {  	s28 =	simm.s32 $_size_execute0_lowered;
	s2 =	sadd.s32 s2, s4;
	[dreg:$0x0] =	wrdreg $0x0  }
0xa8: {  	s4 =	sshll.u32 s28, $0x1;
	[dreg:$0x2] =	wrdreg s2  }
0xa9: {  	[dreg:$0x3] =	wrdreg s4  }
0xaa: {  	[dreg:$0x4] =	wrdreg $0xC0  }
0xab: {  	_ =	task [dreg:s6], $0x5FFFF  }
0xac: {  	[dreg:$0x1] =	wrdreg $0xFFFFFFFF  }
0xad: {  	[dreg:$0x0] =	wrdreg $0x60  }
0xae: {  	[dreg:$0x2] =	wrdreg s24  }
0xaf: {  	[dreg:$0x3] =	wrdreg $0xA4000  }
0xb0: {  	[dreg:$0x4] =	wrdreg $0x9  }
0xb1: {  	_ =	task.clear_ibuf [dreg:s6], $0x5FFFF;
	_ =	strace $0x90000049  }
0xb2: {  	s29 =	simm.s32 $0x9;
	_ =	strace $0x8000004B  }
0xb3: {  	_ =	swait.ge [sflag:s29], $0x1  }
0xb4: {  	[sflag:s29] =	ssyncadd.s32 $0xFFFFFFFF  }
0xb5: {  	_ =	strace $0x9000004B  }
0xb6: {  	_ =	sfence  }
0xb7: {  	s30 =	sld [smem:$0x0];
	_ =	sdelay $0x2  }
0xb8: {  	s31 =	sshll.u32 s1, $0xD;
	s1 =	sshrl.u32 s1, $0x2  }
0xb9: {  	s3 =	sand.u32 $0x4000, s31;
	s1 =	sadd.s32 s1, s30  }
0xba: {  	s0 =	sor.u32 s3, s0;
	s1 =	sshll.u32 s1, $0x11  }
0xbb: {  	s0 =	sor.u32 s1, s0  }
0xbc: {  	s0 =	sadd.s32 $0x8F2B, s0  }
0xbd: {  	[sflag:s0] =	ssyncadd.remote.s32 $0x1  }
0xbe: {  	_ =	sfence.sel $0xFFFF  }
0xbf: {  	[dreg:$0x0] =	wrdreg $0xFFFFFFFF;
	(pc) =	sbr.abs _section_cstart, $3  }
0xc0: {  	[dreg:$0x1] =	wrdreg $0xFFFFFFFF  }
0xc1: {  	_ =	task.clear_ibuf [dreg:s6], $0x2FFFF;
	_ =	strace $0x9FFFFFFF  }
0xc2: {  	(tm) =	ssettm $0x7FFFFFFF  }
0xc3: {  	_ =	shalt  }
tec
execute0_lowered:
.L_overlay_start_1:
0x0: {  	(tag) =	ssettag $0x1  }
0x1: {  	s0 =	rddreg [dreg:$0x0]  }
0x2: {  	s2 =	rddreg [dreg:$0x1];
	s3 =	simm.s32 $0x0  }
0x3: {  	s11 =	stileid.u32;
	s1 =	srdreg.scid;
	s28 =	simm.s32 $0xD  }
0x4: {  	s29 =	simm.s32 $0x200;
	s30 =	simm.s32 $0x7C00;
	s31 =	simm.s32 $0xB  }
0x5: {  	[smem:$0x7FF] =	sst s3;
	s5 =	smul.u32 $0x14000, s11;
	s1 =	sand.u32 $0x1, s1  }
0x6: {  	s4 =	sadd.s32 $0x8EA00, s0;
	s12 =	sadd.s32 $0xC400, s0;
	s9 =	smul.u32 $0x50000, s11  }
0x7: {  	s13 =	sadd.s32 $0x2600, s0;
	s18 =	sshll.u32 s11, $0x1;
	s26 =	smul.u32 $0x4E20, s11  }
0x8: {  	s22 =	sshll.u32 s11, $0x6;
	_ =	strace $0x8000004A;
	s6 =	smul.u32 $0x140000, s1  }
0x9: {  	s8 =	ssub.s32 $0x2, s1;
	s20 =	sor.u32 $0x1C0D, s22;
	s7 =	sshrl.u32 s5, $0x3  }
0xa: {  	s10 =	sshrl.u32 s8, $0x1;
	s21 =	sshrl.u32 s9, $0x2;
	s9 =	simm.s32 $0x4  }
0xb: {  	[dreg:$0x5] =	wrdreg s20;
	s7 =	sadd.s32 s7, s0;
	s5 =	sadd.s32 s5, s6  }
0xc: {  	s6 =	sor.u32 s1, s18;
	s19 =	ssub.s32 s8, s10;
	s1 =	smul.u32 $0x2710, s1  }
0xd: {  	s8 =	sadd.s32 s21, s2;
	s5 =	sshrl.u32 s5, $0x3;
	s6 =	smul.u32 $0x2710, s6  }
0xe: {  	[dreg:$0x3] =	wrdreg s8;
	s7 =	sadd.s32 $0x16200, s7;
	s8 =	simm.s32 $0x380  }
0xf: {  	s0 =	sadd.s32 s5, s0;
	[dreg:$0x4] =	wrdreg s7;
	s1 =	sadd.s32 s1, s26  }
0x10: {  	s5 =	smax.u32 s19, $0x1;
	s6 =	sshrl.u32 s6, $0x3;
	s0 =	sadd.s32 $0xB5C00, s0  }
0x11: {  	s17 =	sadd.s32 $0x230, s1;
	[dreg:$0xf] =	wrdreg s5;
	s18 =	sadd.s32 $0x1E0, s1  }
0x12: {  	s21 =	sadd.s32 $0x190, s1;
	s26 =	sadd.s32 $0x140, s1;
	[dreg:$0xe] =	wrdreg s0  }
0x13: {  	s1 =	simm.s32 $0xC;
	s23 =	sadd.s32 s12, s6;
	[dreg:$0x16] =	wrdreg s26  }
0x14: {  	s24 =	sadd.s32 s13, s6;
	s25 =	sadd.s32 $0xA, s6;
	[dreg:$0x6] =	wrdreg s23  }
0x15: {  	s11 =	sadd.s32 $0x14, s6;
	[dreg:$0x7] =	wrdreg s24;
	s10 =	sadd.s32 s12, s25  }
0x16: {  	s6 =	sadd.s32 $0x1E, s6;
	s7 =	sadd.s32 s13, s25;
	[dreg:$0x8] =	wrdreg s10  }
0x17: {  	s0 =	sshrl.u32 s17, $0x3;
	s14 =	sadd.s32 s12, s11;
	[dreg:$0x9] =	wrdreg s7  }
0x18: {  	s5 =	sshrl.u32 s18, $0x3;
	s15 =	sadd.s32 s13, s11;
	[dreg:$0xa] =	wrdreg s14  }
0x19: {  	s17 =	simm.s32 $0x3;
	s16 =	sadd.s32 s12, s6;
	[dreg:$0xb] =	wrdreg s15  }
0x1a: {  	s18 =	simm.s32 $0x5400;
	s6 =	sadd.s32 s13, s6;
	[dreg:$0xc] =	wrdreg s16  }
0x1b: {  	s26 =	simm.s32 $0x6;
	s19 =	sadd.s32 s0, s13;
	[dreg:$0xd] =	wrdreg s6  }
0x1c: {  	s0 =	sadd.s32 s0, s12;
	s22 =	sadd.s32 s5, s13;
	[dreg:$0x10] =	wrdreg s19  }
0x1d: {  	s23 =	sshrl.u32 s21, $0x3;
	s5 =	sadd.s32 s5, s12;
	[dreg:$0x11] =	wrdreg s0  }
0x1e: {  	s25 =	smov.u32 s13;
	s11 =	simm.s32 $0x50;
	[dreg:$0x12] =	wrdreg s22  }
0x1f: {  	s21 =	simm.s32 $0x0;
	[dreg:$0x13] =	wrdreg s5;
	s24 =	sadd.s32 s23, s13  }
.Ltmp0:
0x20: {  	s0 =	sadd.s32 s23, s12;
	s7 =	simm.s32 $0x180;
	(pc) =	sbr.rel .LBB2_1-.Ltmp0, $4  }
0x21: {  	s10 =	simm.s32 $0x1;
	s13 =	simm.s32 $0x2;
	s14 =	simm.s32 $0x2C00  }
0x22: {  	s15 =	simm.s32 $0x9;
	s16 =	simm.s32 $0x5;
	s19 =	simm.s32 $0xA  }
0x23: {  	s5 =	simm.s32 $0x8;
	[dreg:$0x14] =	wrdreg s24;
	s24 =	smov.u32 s12  }
0x24: {  	[dreg:$0x15] =	wrdreg s0;
	s12 =	simm.s32 $0x400;
	s0 =	simm.s32 $0x7  }
.LBB2_4:
0x25: {  	_ =	swait.ge [sflag:s15], $0x2800  }
0x26: {  	[sflag:s15] =	ssyncset.done $0x0  }
0x27: {  	[sflag:s15] =	ssyncadd.s32 $0xFFFFD800  }
0x28: {  	_ =	swait.ge [sflag:s16], $0x50  }
0x29: {  	[sflag:s16] =	ssyncset.done $0x0  }
0x2a: {  	[sflag:s16] =	ssyncadd.s32 $0xFFFFFFB0  }
0x2b: {  	[spmem:s2] =	stream.indirect.scatter.add.f32 [tilespmem:s12], [sflag:$0xD], $0x80, s29, s11, $0xb8;
	[tilespmem:$0x1E400] =	vst v63  }
0x2c: {  	_ =	swait.ge [sflag:s28], $0x2800  }
0x2d: {  	[sflag:s28] =	ssyncset.done $0x0  }
0x2e: {  	[sflag:s28] =	ssyncadd.s32 $0xFFFFD800  }
0x2f: {  	[bflag:$0x0] =	sbarrier.arrive $0xFFFF  }
0x30: {  	s20 =	rddreg [dreg:$0x5]  }
0x31: {  	s6 =	rddreg [dreg:$0xe]  }
0x32: {  	s21 =	rddreg [dreg:$0x18]  }
0x33: {  	[hbm:s6], [sflag:s20] =	dma.local [spmem:s21], $0x2800  }
0x34: {  	_ =	swait.ge [sflag:s28], $0x2800  }
0x35: {  	s22 =	rddreg [dreg:$0x17]  }
0x36: {  	s23 =	rddreg [dreg:$0xf];
	s21 =	sadd.s32 $0x1, s22  }
0x37: {  	p0 =	sne.s32 s21, s23  }
.Ltmp1:
0x38: {  	_ = 	snop;
	(pc) =	sbr.rel @!p0 .LBB2_5-.Ltmp1, $3  }
0x39: {  	_ =	sdelay $0x1  }
0x3a: {  	[sflag:s28] =	ssyncset.done $0x0  }
0x3b: {  	[sflag:s28] =	ssyncadd.s32 $0xFFFFD800  }
.LBB2_1:
0x3c: {  	[dreg:$0x17] =	wrdreg s21  }
0x3d: {  	s6 =	rddreg [dreg:$0x3]  }
0x3e: {  	s22 =	rddreg [dreg:$0x4];
	s6 =	sshrl.u32 s6, $0x3  }
0x3f: {  	[dreg:$0x18] =	wrdreg s6  }
0x40: {  	[spmem:s6], [sflag:s20] =	dma.local [hbm:s22], $0x2800  }
0x41: {  	_ =	swait.ge [sflag:s28], $0x2800  }
0x42: {  	[sflag:s28] =	ssyncset.done $0x0  }
0x43: {  	[sflag:s28] =	ssyncadd.s32 $0xFFFFD800  }
0x44: {  	[bflag:$0x0] =	sbarrier.arrive $0xFFFF  }
0x45: {  	s23 =	rddreg [dreg:$0x6]  }
0x46: {  	[tilespmem:s3], [sflag:$0x1] =	stream.linear.gather [hbm4b:s23+s3], $0x50, $0x38;
	[tilespmem:$0x1E400] =	vst v63  }
0x47: {  	s20 =	rddreg [dreg:$0x7]  }
0x48: {  	[tilespmem:s29], [sflag:$0x5] =	stream.linear.gather [hbm4b:s20+s3], $0x50, $0x38;
	[tilespmem:$0x1E400] =	vst v63  }
0x49: {  	s21 =	rddreg [dreg:$0x8];
	s20 =	simm.s32 $0x80  }
0x4a: {  	[tilespmem:s20], [sflag:$0x2] =	stream.linear.gather [hbm4b:s21+s3], $0x50, $0x38;
	[tilespmem:$0x1E400] =	vst v63  }
0x4b: {  	s22 =	rddreg [dreg:$0x9];
	s23 =	simm.s32 $0x280  }
0x4c: {  	[tilespmem:s23], [sflag:$0x6] =	stream.linear.gather [hbm4b:s22+s3], $0x50, $0x38;
	[tilespmem:$0x1E400] =	vst v63  }
0x4d: {  	s22 =	rddreg [dreg:$0xa];
	s23 =	simm.s32 $0x100  }
0x4e: {  	[tilespmem:s23], [sflag:$0x3] =	stream.linear.gather [hbm4b:s22+s3], $0x50, $0x38;
	[tilespmem:$0x1E400] =	vst v63  }
0x4f: {  	s22 =	rddreg [dreg:$0xb];
	s23 =	simm.s32 $0x300  }
0x50: {  	[tilespmem:s23], [sflag:$0x7] =	stream.linear.gather [hbm4b:s22+s3], $0x50, $0x38;
	[tilespmem:$0x1E400] =	vst v63  }
0x51: {  	s22 =	rddreg [dreg:$0xc]  }
0x52: {  	[tilespmem:s7], [sflag:$0x4] =	stream.linear.gather [hbm4b:s22+s3], $0x50, $0x38;
	[tilespmem:$0x1E400] =	vst v63  }
0x53: {  	s23 =	rddreg [dreg:$0xd]  }
0x54: {  	[tilespmem:s8], [sflag:$0x8] =	stream.linear.gather [hbm4b:s23+s3], $0x50, $0x38;
	[tilespmem:$0x1E400] =	vst v63  }
0x55: {  	_ =	swait.ge [sflag:s10], $0x50  }
0x56: {  	[sflag:s10] =	ssyncset.done $0x0  }
0x57: {  	[sflag:s10] =	ssyncadd.s32 $0xFFFFFFB0  }
0x58: {  	[tilespmem:s12], [sflag:$0x9] =	stream.indirect.gather [hbm4b:s4+s11], $0x80, s3, s11, $0xb8;
	[tilespmem:$0x1E400] =	vst v63  }
0x59: {  	_ =	swait.ge [sflag:s13], $0x50  }
0x5a: {  	[sflag:s13] =	ssyncset.done $0x0  }
0x5b: {  	[sflag:s13] =	ssyncadd.s32 $0xFFFFFFB0  }
0x5c: {  	[tilespmem:s14], [sflag:$0xA] =	stream.indirect.gather [hbm4b:s4+s11], $0x80, s20, s11, $0xb8;
	[tilespmem:$0x1E400] =	vst v63  }
0x5d: {  	s6 =	rddreg [dreg:$0x16];
	s20 =	simm.s32 $0x0  }
.LBB2_2:
0x5e: {  	_ =	swait.ge [sflag:s15], $0x2800  }
0x5f: {  	[sflag:s15] =	ssyncset.done $0x0  }
0x60: {  	[sflag:s15] =	ssyncadd.s32 $0xFFFFD800  }
0x61: {  	_ =	swait.ge [sflag:s16], $0x50  }
0x62: {  	[sflag:s16] =	ssyncset.done $0x0  }
0x63: {  	[sflag:s16] =	ssyncadd.s32 $0xFFFFFFB0  }
0x64: {  	[spmem:s2] =	stream.indirect.scatter.add.f32 [tilespmem:s12], [sflag:$0xD], $0x80, s29, s11, $0xb8;
	[tilespmem:$0x1E400] =	vst v63  }
0x65: {  	_ =	swait.ge [sflag:s28], $0x2800  }
0x66: {  	s21 =	sshrl.u32 s6, $0x3;
	[sflag:s28] =	ssyncset.done $0x0  }
0x67: {  	s22 =	sadd.s32 s24, s21;
	[sflag:s28] =	ssyncadd.s32 $0xFFFFD800  }
0x68: {  	[tilespmem:s3], [sflag:$0x1] =	stream.linear.gather [hbm4b:s22+s3], $0x50, $0x38;
	[tilespmem:$0x1E400] =	vst v63  }
0x69: {  	s21 =	sadd.s32 s25, s21  }
0x6a: {  	[tilespmem:s29], [sflag:$0x5] =	stream.linear.gather [hbm4b:s21+s3], $0x50, $0x38;
	[tilespmem:$0x1E400] =	vst v63  }
0x6b: {  	_ =	swait.ge [sflag:s17], $0x50  }
0x6c: {  	[sflag:s17] =	ssyncset.done $0x0  }
0x6d: {  	s23 =	simm.s32 $0x100;
	[sflag:s17] =	ssyncadd.s32 $0xFFFFFFB0  }
0x6e: {  	[tilespmem:s18], [sflag:$0xB] =	stream.indirect.gather [hbm4b:s4+s11], $0x80, s23, s11, $0xb8;
	[tilespmem:$0x1E400] =	vst v63  }
0x6f: {  	_ =	swait.ge [sflag:s19], $0x2800  }
0x70: {  	[sflag:s19] =	ssyncset.done $0x0  }
0x71: {  	[sflag:s19] =	ssyncadd.s32 $0xFFFFD800  }
0x72: {  	_ =	swait.ge [sflag:s26], $0x50  }
0x73: {  	[sflag:s26] =	ssyncset.done $0x0  }
0x74: {  	s22 =	simm.s32 $0x280;
	[sflag:s26] =	ssyncadd.s32 $0xFFFFFFB0  }
0x75: {  	[spmem:s2] =	stream.indirect.scatter.add.f32 [tilespmem:s14], [sflag:$0xD], $0x80, s22, s11, $0xb8;
	[tilespmem:$0x1E400] =	vst v63  }
0x76: {  	p0 =	seq.s32 s20, $0x4B0;
	_ =	swait.ge [sflag:s28], $0x2800  }
0x77: {  	s23 =	simm.s32 @!p0 $0x80;
	[sflag:s28] =	ssyncset.done $0x0;
	s21 =	rddreg [dreg:$0x15]  }
0x78: {  	s22 =	simm.s32 @!p0 $0x0;
	[sflag:s28] =	ssyncadd.s32 $0xFFFFD800;
	s21 =	sadd.s32 @!p0 s20, s21  }
0x79: {  	[tilespmem:s23], [sflag:$0x2] =	stream.linear.gather @!p0 [hbm4b:s21+s22], $0x50, $0x38;
	[tilespmem:$0x1E400] =	vst v63  }
0x7a: {  	s21 =	rddreg [dreg:$0x14]  }
0x7b: {  	s23 =	simm.s32 @!p0 $0x280;
	s21 =	sadd.s32 @!p0 s20, s21  }
0x7c: {  	[tilespmem:s23], [sflag:$0x6] =	stream.linear.gather @!p0 [hbm4b:s21+s22], $0x50, $0x38;
	[tilespmem:$0x1E400] =	vst v63  }
0x7d: {  	_ =	swait.ge [sflag:s9], $0x50  }
0x7e: {  	[sflag:s9] =	ssyncset.done $0x0  }
0x7f: {  	[sflag:s9] =	ssyncadd.s32 $0xFFFFFFB0  }
0x80: {  	[tilespmem:s30], [sflag:$0xC] =	stream.indirect.gather [hbm4b:s4+s11], $0x80, s7, s11, $0xb8;
	[tilespmem:$0x1E400] =	vst v63  }
0x81: {  	_ =	swait.ge [sflag:s31], $0x2800  }
0x82: {  	[sflag:s31] =	ssyncset.done $0x0  }
0x83: {  	[sflag:s31] =	ssyncadd.s32 $0xFFFFD800  }
0x84: {  	_ =	swait.ge [sflag:s0], $0x50  }
0x85: {  	[sflag:s0] =	ssyncset.done $0x0  }
0x86: {  	s23 =	simm.s32 $0x300;
	[sflag:s0] =	ssyncadd.s32 $0xFFFFFFB0  }
0x87: {  	[spmem:s2] =	stream.indirect.scatter.add.f32 [tilespmem:s18], [sflag:$0xD], $0x80, s23, s11, $0xb8;
	[tilespmem:$0x1E400] =	vst v63  }
0x88: {  	_ =	swait.ge [sflag:s28], $0x2800  }
0x89: {  	[sflag:s28] =	ssyncset.done $0x0;
	s21 =	rddreg [dreg:$0x13]  }
0x8a: {  	s23 =	simm.s32 @!p0 $0x100;
	[sflag:s28] =	ssyncadd.s32 $0xFFFFD800;
	s21 =	sadd.s32 @!p0 s20, s21  }
0x8b: {  	[tilespmem:s23], [sflag:$0x3] =	stream.linear.gather @!p0 [hbm4b:s21+s22], $0x50, $0x38;
	[tilespmem:$0x1E400] =	vst v63  }
0x8c: {  	s21 =	rddreg [dreg:$0x12]  }
0x8d: {  	s23 =	simm.s32 @!p0 $0x300;
	s21 =	sadd.s32 @!p0 s20, s21  }
0x8e: {  	[tilespmem:s23], [sflag:$0x7] =	stream.linear.gather @!p0 [hbm4b:s21+s22], $0x50, $0x38;
	[tilespmem:$0x1E400] =	vst v63  }
0x8f: {  	_ =	swait.ge [sflag:s10], $0x50  }
0x90: {  	[sflag:s10] =	ssyncset.done $0x0  }
0x91: {  	[sflag:s10] =	ssyncadd.s32 $0xFFFFFFB0  }
0x92: {  	[tilespmem:s12], [sflag:$0x9] =	stream.indirect.gather [hbm4b:s4+s11], $0x80, s3, s11, $0xb8;
	[tilespmem:$0x1E400] =	vst v63  }
0x93: {  	_ =	swait.ge [sflag:s1], $0x2800  }
0x94: {  	[sflag:s1] =	ssyncset.done $0x0  }
0x95: {  	[sflag:s1] =	ssyncadd.s32 $0xFFFFD800  }
0x96: {  	_ =	swait.ge [sflag:s5], $0x50  }
0x97: {  	[sflag:s5] =	ssyncset.done $0x0  }
.Ltmp2:
0x98: {  	[sflag:s5] =	ssyncadd.s32 $0xFFFFFFB0;
	(pc) =	sbr.rel @p0 .LBB2_4-.Ltmp2, $4  }
0x99: {  	[spmem:s2] =	stream.indirect.scatter.add.f32 [tilespmem:s30], [sflag:$0xD], $0x80, s8, s11, $0xb8;
	[tilespmem:$0x1E400] =	vst v63  }
0x9a: {  	_ =	swait.ge [sflag:s28], $0x2800  }
0x9b: {  	[sflag:s28] =	ssyncset.done $0x0  }
0x9c: {  	[sflag:s28] =	ssyncadd.s32 $0xFFFFD800  }
0x9d: {  	s21 =	rddreg [dreg:$0x11]  }
0x9e: {  	s22 =	rddreg [dreg:$0x10];
	s21 =	sadd.s32 s20, s21  }
0x9f: {  	[tilespmem:s7], [sflag:$0x4] =	stream.linear.gather [hbm4b:s21+s3], $0x50, $0x38;
	[tilespmem:$0x1E400] =	vst v63  }
0xa0: {  	s21 =	sadd.s32 s20, s22  }
0xa1: {  	[tilespmem:s8], [sflag:$0x8] =	stream.linear.gather [hbm4b:s21+s3], $0x50, $0x38;
	[tilespmem:$0x1E400] =	vst v63  }
.Ltmp3:
0xa2: {  	_ = 	snop;
	(pc) =	sbr.rel .LBB2_2-.Ltmp3, $4  }
0xa3: {  	_ =	swait.ge [sflag:s13], $0x50  }
0xa4: {  	s23 =	simm.s32 $0x80;
	[sflag:s13] =	ssyncset.done $0x0  }
0xa5: {  	s6 =	sadd.s32 $0x140, s6;
	s20 =	sadd.s32 $0x28, s20;
	[sflag:s13] =	ssyncadd.s32 $0xFFFFFFB0  }
0xa6: {  	[tilespmem:s14], [sflag:$0xA] =	stream.indirect.gather [hbm4b:s4+s11], $0x80, s23, s11, $0xb8;
	[tilespmem:$0x1E400] =	vst v63  }
.LBB2_5:
0xa7: {  	_ =	sfence.sel $0x180000  }
0xa8: {  	[bflag:$0x0] =	sbarrier.arrive $0xFFFF  }
0xa9: {  	_ =	strace $0x9000004A  }
0xaa: {  	s0 =	stileid.u32;
	[bflag:$0x2] =	sbarrier.arrive $0xFFFF  }
0xab: {  	p0 =	sne.s32 s0, $0x0;
	s0 =	rddreg [dreg:$0x2]  }
0xac: {  	s0 =	sadd.s32 @!p0 $0x100000, s0  }
0xad: {  	[sflag:s0] =	ssyncadd.tile.s32 @!p0 $0x1;
	_ =	shalt  }
.Lfunc_end2:
_tile_overlayer_lowered:
.L_overlay_start_2:
0xae: {  	(tag) =	ssettag $0x2  }
0xaf: {  	s0 =	rddreg [dreg:$0x0];
	s2 =	stileid.u32  }
0xb0: {  	s1 =	rddreg [dreg:$0x1];
	p0 =	sne.s32 s2, $0x0  }
0xb1: {  	s3 =	rddreg [dreg:$0x2];
	[bflag:$0x3] =	sbarrier.arrive $0xFFFF;
	s2 =	simm.s32 @!p0 $0x1C0D  }
0xb2: {  	[timem:s3], [sflag:s2] =	dma.local @!p0 [hbm:s0], s1  }
0xb3: {  	s0 =	simm.s32 @!p0 $0xD  }
0xb4: {  	_ =	swait.ge @!p0 [sflag:s0], s1  }
0xb5: {  	s1 =	ssub.s32 @!p0 $0x0, s1;
	[sflag:s0] =	ssyncset.done @!p0 $0x0  }
0xb6: {  	[sflag:s0] =	ssyncadd.s32 @!p0 s1  }
0xb7: {  	[bflag:$0x3] =	sbarrier.arrive $0xFFFF  }
0xb8: {  	_ =	shalt  }

// kernel: kernel.15.cloned.1.call-start
scs
__scs_entry_jumppad:
0x0: {  	(pc) =	sbr.rel $0x88, $3  }
0x1: {  	(tag) =	ssettag $0x0;
	lr =	simm.s32 $0x1  }
0x2: {  	[smem:$0x3F93] =	sst lr;
	_ =	strace $0xD0000000  }
0x3: {  	_ = 	snop  }
0x4: {  	_ = 	snop  }
0x5: {  	_ = 	snop  }
0x6: {  	_ = 	snop  }
0x7: {  	_ = 	snop  }
__scs_overlays_trampoline_lowered:
0x8: {  	[smem:$0x3FA2] =	sst s0  }
0x9: {  	[smem:$0x3FA3] =	sst s1  }
0xa: {  	[smem:$0x3FA4] =	sst s2  }
0xb: {  	[smem:$0x3FA5] =	sst s3  }
0xc: {  	[smem:$0x3FA6] =	sst s4  }
0xd: {  	[smem:$0x3FA7] =	sst s5  }
0xe: {  	[smem:$0x3FA8] =	sst s6  }
0xf: {  	[smem:$0x3FA9] =	sst s7  }
0x10: {  	[smem:$0x3FAA] =	sst s8  }
0x11: {  	[smem:$0x3FAB] =	sst s9;
	s0 =	simm.s32 @!p0 $0x0  }
0x12: {  	s1 =	sld [smem:$0x3F91];
	s0 =	simm.s32 @p0 $0x1  }
0x13: {  	[smem:$0x3FAC] =	sst s0;
	s0 =	simm.s32 @!p1 $0x0  }
0x14: {  	s2 =	sld [smem:$0x3F90];
	s0 =	simm.s32 @p1 $0x1  }
0x15: {  	[smem:$0x3FAD] =	sst s0;
	s0 =	simm.s32 @!p2 $0x0  }
0x16: {  	s3 =	sld [smem:$0x3FDB];
	s0 =	simm.s32 @p2 $0x1  }
0x17: {  	s4 =	simm.s32 $0x1BF5;
	[smem:$0x3FAF] =	sst s0  }
0x18: {  	s0 =	sld [smem:$0x3F92];
	_ =	swait.ge [sflag:s4], $0x0  }
0x19: {  	s7 =	sld [smem:$0x3F93]  }
0x1a: {  	s8 =	sadd.s32 $0xFFFFE003, lr  }
0x1b: {  	s9 =	sadd.s32 $0xFFFFFEF7, lr;
	s5 =	simm.s32 $0xFFFFFFFF;
	p2 =	slt.u32 s8, $0xFFFFF086  }
0x1c: {  	p1 =	slt.u32 s9, $0xF7A;
	s5 =	simm.s32 @!p2 $0x0  }
0x1d: {  	s5 =	simm.s32 @p1 $0x1;
	p0 =	seq.s32 s7, s2  }
0x1e: {  	s7 =	smul.u32 @!p0 $0xF7A, s2;
	p2 =	seq.s32 @!p0 s5, $0x0  }
0x1f: {  	s9 =	smul.u32 $0xF7A, s1;
	s8 =	simm.s32 @!p0 $0x1BF5;
	p2 =	por !p2, p0  }
0x20: {  	[sflag:s8] =	ssyncset.s32 @!p0 $0xFFFFF086;
	s6 =	sadd.s32 @!p0 s3, s7;
	s7 =	simm.s32 @!p0 $0x108  }
0x21: {  	s3 =	sadd.s32 s3, s9;
	s6 =	sadd.s32 @!p0 $0x88, s6;
	s7 =	simm.s32 @p2 $0x1082  }
0x22: {  	[simem:s7], [sflag:s8] =	dma.local @!p0 [hbm:s6], $0xF7A  }
0x23: {  	s9 =	sor.u32 $0xD0000000, s2;
	s6 =	simm.s32 $0x108;
	_ =	swait.ge @!p0 [sflag:s8], $0x0  }
0x24: {  	s3 =	sadd.s32 $0x88, s3;
	s6 =	simm.s32 @!p1 $0x1082;
	[sflag:s4] =	ssyncset.s32 $0xFFFFF086  }
0x25: {  	[simem:s6], [sflag:s4] =	dma.local [hbm:s3], $0xF7A  }
0x26: {  	[smem:$0x3F93] =	sst s1;
	(tag) =	ssettag s2;
	_ =	strace s9  }
0x27: {  	s1 =	sld [smem:$0x3FA3]  }
0x28: {  	s2 =	sld [smem:$0x3FA4]  }
0x29: {  	s4 =	sld [smem:$0x3FA6]  }
0x2a: {  	p0 =	seq.s32 s5, $0x0;
	s5 =	sld [smem:$0x3FA7]  }
0x2b: {  	s6 =	sld [smem:$0x3FA8]  }
0x2c: {  	s7 =	sld [smem:$0x3FA9]  }
0x2d: {  	s3 =	simm.s32 $0x108;
	s8 =	sld [smem:$0x3FAA]  }
0x2e: {  	s3 =	simm.s32 @!p0 $0x1082;
	s9 =	sld [smem:$0x3FAB]  }
0x2f: {  	lr =	sadd.s32 s0, s3;
	s0 =	sld [smem:$0x3FA2]  }
0x30: {  	s3 =	sld [smem:$0x3FA5]  }
0x31: {  	[smem:$0x3FAE] =	sst s10  }
0x32: {  	s10 =	sld [smem:$0x3FAC];
	_ =	sdelay $0x3  }
0x33: {  	p0 =	seq.s32 s10, $0x1;
	s10 =	sld [smem:$0x3FAE];
	_ =	sdelay $0x3  }
0x34: {  	[smem:$0x3FAE] =	sst s10  }
0x35: {  	s10 =	sld [smem:$0x3FAD];
	_ =	sdelay $0x3  }
0x36: {  	p1 =	seq.s32 s10, $0x1;
	s10 =	sld [smem:$0x3FAE];
	_ =	sdelay $0x3  }
0x37: {  	[smem:$0x3FAE] =	sst s10  }
0x38: {  	s10 =	sld [smem:$0x3FAF]  }
0x39: {  	_ = 	snop;
	(pc) =	sbr.ind lr, $3  }
0x3a: {  	_ = 	snop  }
0x3b: {  	_ = 	snop  }
0x3c: {  	p2 =	seq.s32 s10, $0x1;
	s10 =	sld [smem:$0x3FAE]  }
0x3d: {  	_ =	shalt  }
0x3e: {  	_ =	shalt  }
0x3f: {  	_ =	shalt  }
0x40: {  	_ =	shalt  }
0x41: {  	_ =	shalt  }
0x42: {  	_ =	shalt  }
0x43: {  	_ =	shalt  }
0x44: {  	_ =	shalt  }
0x45: {  	_ =	shalt  }
0x46: {  	_ =	shalt  }
0x47: {  	_ =	shalt  }
0x48: {  	_ =	shalt  }
0x49: {  	_ =	shalt  }
0x4a: {  	_ =	shalt  }
0x4b: {  	_ =	shalt  }
0x4c: {  	_ =	shalt  }
0x4d: {  	_ =	shalt  }
0x4e: {  	_ =	shalt  }
0x4f: {  	_ =	shalt  }
0x50: {  	_ =	shalt  }
0x51: {  	_ =	shalt  }
0x52: {  	_ =	shalt  }
0x53: {  	_ =	shalt  }
0x54: {  	_ =	shalt  }
0x55: {  	_ =	shalt  }
0x56: {  	_ =	shalt  }
0x57: {  	_ =	shalt  }
0x58: {  	_ =	shalt  }
0x59: {  	_ =	shalt  }
0x5a: {  	_ =	shalt  }
0x5b: {  	_ =	shalt  }
0x5c: {  	_ =	shalt  }
0x5d: {  	_ =	shalt  }
0x5e: {  	_ =	shalt  }
0x5f: {  	_ =	shalt  }
0x60: {  	_ =	shalt  }
0x61: {  	_ =	shalt  }
0x62: {  	_ =	shalt  }
0x63: {  	_ =	shalt  }
0x64: {  	_ =	shalt  }
0x65: {  	_ =	shalt  }
0x66: {  	_ =	shalt  }
0x67: {  	_ =	shalt  }
0x68: {  	_ =	shalt  }
0x69: {  	_ =	shalt  }
0x6a: {  	_ =	shalt  }
0x6b: {  	_ =	shalt  }
0x6c: {  	_ =	shalt  }
0x6d: {  	_ =	shalt  }
0x6e: {  	_ =	shalt  }
0x6f: {  	_ =	shalt  }
0x70: {  	_ =	shalt  }
0x71: {  	_ =	shalt  }
0x72: {  	_ =	shalt  }
0x73: {  	_ =	shalt  }
0x74: {  	_ =	shalt  }
0x75: {  	_ =	shalt  }
0x76: {  	_ =	shalt  }
0x77: {  	_ =	shalt  }
0x78: {  	_ =	shalt  }
0x79: {  	_ =	shalt  }
0x7a: {  	_ =	shalt  }
0x7b: {  	_ =	shalt  }
0x7c: {  	_ =	shalt  }
0x7d: {  	_ =	shalt  }
0x7e: {  	_ =	shalt  }
0x7f: {  	_ =	shalt  }
0x80: {  	_ =	shalt  }
0x81: {  	_ =	shalt  }
0x82: {  	_ =	shalt  }
0x83: {  	_ =	shalt  }
0x84: {  	_ =	shalt  }
0x85: {  	_ =	shalt  }
0x86: {  	_ =	shalt  }
0x87: {  	_ =	shalt  }
.Lfunc_end0:
.L_simem_size_0:
called_computation.2_lowered:
.L_overlay_start_0:
0x88: {  	s2 =	sld [smem:$0x3FD9]  }
0x89: {  	s3 =	sld [smem:$0x3FFE];
	_ =	sdelay $0x1  }
0x8a: {  	s1 =	srdreg.scid  }
0x8b: {  	s0 =	sand.u32 $0x1, s1  }
0x8c: {  	s16 =	sshll.u32 s0, $0xA;
	s2 =	sadd.s32 s3, s2  }
0x8d: {  	s2 =	sadd.s32 s2, s16  }
0x8e: {  	[smem:$0x3FBA] =	sst s2  }
0x8f: {  	_ = 	snop  }
0x90: {  	(tm) =	ssettm $0x1  }
0x91: {  	s17 =	sld [smem:$0x3FFB];
	_ =	sdelay $0x3  }
0x92: {  	_ =	strace s17  }
0x93: {  	s2 =	sld [smem:$0x3FFC];
	_ =	sdelay $0x3  }
0x94: {  	_ =	strace s2  }
0x95: {  	s2 =	sld [smem:$0x3FFD];
	_ =	sdelay $0x3  }
0x96: {  	_ =	strace s2  }
0x97: {  	_ =	strace $0x8FFFFFFF  }
0x98: {  	s18 =	sld [smem:$0x3FDB];
	_ =	sdelay $0x1  }
0x99: {  	s19 =	simm.s32 $_scs_section_size  }
0x9a: {  	s4 =	simm.s32 $_size__tile_overlayer_lowered;
	s5 =	simm.s32 $_tile_overlayer_lowered  }
0x9b: {  	s22 =	simm.s32 $0x1BFF;
	s21 =	sshll.u32 s5, $0x1;
	s2 =	sadd.s32 s19, s18  }
0x9c: {  	s6 =	simm.s32 $0x0;
	s20 =	sshll.u32 s4, $0x1;
	s4 =	sadd.s32 s21, s2  }
0x9d: {  	[timem:s6], [sflag:s22] =	dma.local [hbm:s4], s20  }
0x9e: {  	_ =	swait.ge [sflag:s22], s20  }
0x9f: {  	s3 =	ssub.s32 $0x0, s20;
	[sflag:s22] =	ssyncset.done $0x0  }
0xa0: {  	[sflag:s22] =	ssyncadd.s32 s3;
	_ =	sdelay $0x1  }
0xa1: {  	s23 =	simm.s32 $0x1B8B  }
0xa2: {  	_ =	swait.ge [sflag:s23], $0x1  }
0xa3: {  	[sflag:s23] =	ssyncset.done $0x0  }
0xa4: {  	s25 =	simm.s32 $0x1B8E;
	s24 =	sld [smem:$0x3FFE];
	[sflag:s23] =	ssyncadd.s32 $0xFFFFFFFF  }
0xa5: {  	s26 =	simm.s32 $execute0_lowered;
	[smem:$0x3FD2] =	sst s25  }
0xa6: {  	s4 =	sshll.u32 s26, $0x1;
	_ =	strace $0x8000004C;
	[dreg:$0x1] =	wrdreg $0xFFFFFFFF  }
0xa7: {  	s28 =	simm.s32 $_size_execute0_lowered;
	s2 =	sadd.s32 s2, s4;
	[dreg:$0x0] =	wrdreg $0x0  }
0xa8: {  	s4 =	sshll.u32 s28, $0x1;
	[dreg:$0x2] =	wrdreg s2  }
0xa9: {  	[dreg:$0x3] =	wrdreg s4  }
0xaa: {  	[dreg:$0x4] =	wrdreg $0xC0  }
0xab: {  	_ =	task [dreg:s6], $0x5FFFF  }
0xac: {  	[dreg:$0x1] =	wrdreg $0xFFFFFFFF  }
0xad: {  	[dreg:$0x0] =	wrdreg $0x60  }
0xae: {  	[dreg:$0x2] =	wrdreg s24  }
0xaf: {  	[dreg:$0x3] =	wrdreg $0xA4000  }
0xb0: {  	[dreg:$0x4] =	wrdreg $0x9  }
0xb1: {  	_ =	task.clear_ibuf [dreg:s6], $0x5FFFF;
	_ =	strace $0x9000004C  }
0xb2: {  	s29 =	simm.s32 $0x9;
	_ =	strace $0x8000004E  }
0xb3: {  	_ =	swait.ge [sflag:s29], $0x1  }
0xb4: {  	[sflag:s29] =	ssyncadd.s32 $0xFFFFFFFF  }
0xb5: {  	_ =	strace $0x9000004E  }
0xb6: {  	_ =	sfence  }
0xb7: {  	s30 =	sld [smem:$0x0];
	_ =	sdelay $0x2  }
0xb8: {  	s31 =	sshll.u32 s1, $0xD;
	s1 =	sshrl.u32 s1, $0x2  }
0xb9: {  	s3 =	sand.u32 $0x4000, s31;
	s1 =	sadd.s32 s1, s30  }
0xba: {  	s0 =	sor.u32 s3, s0;
	s1 =	sshll.u32 s1, $0x11  }
0xbb: {  	s0 =	sor.u32 s1, s0  }
0xbc: {  	s0 =	sadd.s32 $0x8F2B, s0  }
0xbd: {  	[sflag:s0] =	ssyncadd.remote.s32 $0x1  }
0xbe: {  	_ =	sfence.sel $0xFFFF  }
0xbf: {  	[dreg:$0x0] =	wrdreg $0xFFFFFFFF;
	(pc) =	sbr.abs _section_cstart, $3  }
0xc0: {  	[dreg:$0x1] =	wrdreg $0xFFFFFFFF  }
0xc1: {  	_ =	task.clear_ibuf [dreg:s6], $0x2FFFF;
	_ =	strace $0x9FFFFFFF  }
0xc2: {  	(tm) =	ssettm $0x7FFFFFFF  }
0xc3: {  	_ =	shalt  }
tec
execute0_lowered:
.L_overlay_start_1:
0x0: {  	(tag) =	ssettag $0x1  }
0x1: {  	s0 =	rddreg [dreg:$0x0]  }
0x2: {  	s2 =	rddreg [dreg:$0x1];
	s3 =	simm.s32 $0x0  }
0x3: {  	s11 =	stileid.u32;
	s1 =	srdreg.scid;
	s28 =	simm.s32 $0xD  }
0x4: {  	s29 =	simm.s32 $0x200;
	s30 =	simm.s32 $0x7C00;
	s31 =	simm.s32 $0xB  }
0x5: {  	[smem:$0x7FF] =	sst s3;
	s5 =	smul.u32 $0x14000, s11;
	s1 =	sand.u32 $0x1, s1  }
0x6: {  	s4 =	sadd.s32 $0x8EA00, s0;
	s12 =	sadd.s32 $0xC400, s0;
	s9 =	smul.u32 $0x50000, s11  }
0x7: {  	s13 =	sadd.s32 $0x2600, s0;
	s18 =	sshll.u32 s11, $0x1;
	s26 =	smul.u32 $0x4E20, s11  }
0x8: {  	s22 =	sshll.u32 s11, $0x6;
	_ =	strace $0x8000004D;
	s6 =	smul.u32 $0x140000, s1  }
0x9: {  	s8 =	ssub.s32 $0x2, s1;
	s20 =	sor.u32 $0x1C0D, s22;
	s7 =	sshrl.u32 s5, $0x3  }
0xa: {  	s10 =	sshrl.u32 s8, $0x1;
	s21 =	sshrl.u32 s9, $0x2;
	s9 =	simm.s32 $0x4  }
0xb: {  	[dreg:$0x5] =	wrdreg s20;
	s7 =	sadd.s32 s7, s0;
	s5 =	sadd.s32 s5, s6  }
0xc: {  	s6 =	sor.u32 s1, s18;
	s19 =	ssub.s32 s8, s10;
	s1 =	smul.u32 $0x2710, s1  }
0xd: {  	s8 =	sadd.s32 s21, s2;
	s5 =	sshrl.u32 s5, $0x3;
	s6 =	smul.u32 $0x2710, s6  }
0xe: {  	[dreg:$0x3] =	wrdreg s8;
	s7 =	sadd.s32 $0x16200, s7;
	s8 =	simm.s32 $0x380  }
0xf: {  	s0 =	sadd.s32 s5, s0;
	[dreg:$0x4] =	wrdreg s7;
	s1 =	sadd.s32 s1, s26  }
0x10: {  	s5 =	smax.u32 s19, $0x1;
	s6 =	sshrl.u32 s6, $0x3;
	s0 =	sadd.s32 $0xB5C00, s0  }
0x11: {  	s17 =	sadd.s32 $0x230, s1;
	[dreg:$0xf] =	wrdreg s5;
	s18 =	sadd.s32 $0x1E0, s1  }
0x12: {  	s21 =	sadd.s32 $0x190, s1;
	s26 =	sadd.s32 $0x140, s1;
	[dreg:$0xe] =	wrdreg s0  }
0x13: {  	s1 =	simm.s32 $0xC;
	s23 =	sadd.s32 s12, s6;
	[dreg:$0x16] =	wrdreg s26  }
0x14: {  	s24 =	sadd.s32 s13, s6;
	s25 =	sadd.s32 $0xA, s6;
	[dreg:$0x6] =	wrdreg s23  }
0x15: {  	s11 =	sadd.s32 $0x14, s6;
	[dreg:$0x7] =	wrdreg s24;
	s10 =	sadd.s32 s12, s25  }
0x16: {  	s6 =	sadd.s32 $0x1E, s6;
	s7 =	sadd.s32 s13, s25;
	[dreg:$0x8] =	wrdreg s10  }
0x17: {  	s0 =	sshrl.u32 s17, $0x3;
	s14 =	sadd.s32 s12, s11;
	[dreg:$0x9] =	wrdreg s7  }
0x18: {  	s5 =	sshrl.u32 s18, $0x3;
	s15 =	sadd.s32 s13, s11;
	[dreg:$0xa] =	wrdreg s14  }
0x19: {  	s17 =	simm.s32 $0x3;
	s16 =	sadd.s32 s12, s6;
	[dreg:$0xb] =	wrdreg s15  }
0x1a: {  	s18 =	simm.s32 $0x5400;
	s6 =	sadd.s32 s13, s6;
	[dreg:$0xc] =	wrdreg s16  }
0x1b: {  	s26 =	simm.s32 $0x6;
	s19 =	sadd.s32 s0, s13;
	[dreg:$0xd] =	wrdreg s6  }
0x1c: {  	s0 =	sadd.s32 s0, s12;
	s22 =	sadd.s32 s5, s13;
	[dreg:$0x10] =	wrdreg s19  }
0x1d: {  	s23 =	sshrl.u32 s21, $0x3;
	s5 =	sadd.s32 s5, s12;
	[dreg:$0x11] =	wrdreg s0  }
0x1e: {  	s25 =	smov.u32 s13;
	s11 =	simm.s32 $0x50;
	[dreg:$0x12] =	wrdreg s22  }
0x1f: {  	s21 =	simm.s32 $0x0;
	[dreg:$0x13] =	wrdreg s5;
	s24 =	sadd.s32 s23, s13  }
.Ltmp0:
0x20: {  	s0 =	sadd.s32 s23, s12;
	s7 =	simm.s32 $0x180;
	(pc) =	sbr.rel .LBB2_1-.Ltmp0, $4  }
0x21: {  	s10 =	simm.s32 $0x1;
	s13 =	simm.s32 $0x2;
	s14 =	simm.s32 $0x2C00  }
0x22: {  	s15 =	simm.s32 $0x9;
	s16 =	simm.s32 $0x5;
	s19 =	simm.s32 $0xA  }
0x23: {  	s5 =	simm.s32 $0x8;
	[dreg:$0x14] =	wrdreg s24;
	s24 =	smov.u32 s12  }
0x24: {  	[dreg:$0x15] =	wrdreg s0;
	s12 =	simm.s32 $0x400;
	s0 =	simm.s32 $0x7  }
.LBB2_4:
0x25: {  	_ =	swait.ge [sflag:s15], $0x2800  }
0x26: {  	[sflag:s15] =	ssyncset.done $0x0  }
0x27: {  	[sflag:s15] =	ssyncadd.s32 $0xFFFFD800  }
0x28: {  	_ =	swait.ge [sflag:s16], $0x50  }
0x29: {  	[sflag:s16] =	ssyncset.done $0x0  }
0x2a: {  	[sflag:s16] =	ssyncadd.s32 $0xFFFFFFB0  }
0x2b: {  	[spmem:s2] =	stream.indirect.scatter.add.f32 [tilespmem:s12], [sflag:$0xD], $0x80, s29, s11, $0xb8;
	[tilespmem:$0x1E400] =	vst v63  }
0x2c: {  	_ =	swait.ge [sflag:s28], $0x2800  }
0x2d: {  	[sflag:s28] =	ssyncset.done $0x0  }
0x2e: {  	[sflag:s28] =	ssyncadd.s32 $0xFFFFD800  }
0x2f: {  	[bflag:$0x0] =	sbarrier.arrive $0xFFFF  }
0x30: {  	s20 =	rddreg [dreg:$0x5]  }
0x31: {  	s6 =	rddreg [dreg:$0xe]  }
0x32: {  	s21 =	rddreg [dreg:$0x18]  }
0x33: {  	[hbm:s6], [sflag:s20] =	dma.local [spmem:s21], $0x2800  }
0x34: {  	_ =	swait.ge [sflag:s28], $0x2800  }
0x35: {  	s22 =	rddreg [dreg:$0x17]  }
0x36: {  	s23 =	rddreg [dreg:$0xf];
	s21 =	sadd.s32 $0x1, s22  }
0x37: {  	p0 =	sne.s32 s21, s23  }
.Ltmp1:
0x38: {  	_ = 	snop;
	(pc) =	sbr.rel @!p0 .LBB2_5-.Ltmp1, $3  }
0x39: {  	_ =	sdelay $0x1  }
0x3a: {  	[sflag:s28] =	ssyncset.done $0x0  }
0x3b: {  	[sflag:s28] =	ssyncadd.s32 $0xFFFFD800  }
.LBB2_1:
0x3c: {  	[dreg:$0x17] =	wrdreg s21  }
0x3d: {  	s6 =	rddreg [dreg:$0x3]  }
0x3e: {  	s22 =	rddreg [dreg:$0x4];
	s6 =	sshrl.u32 s6, $0x3  }
0x3f: {  	[dreg:$0x18] =	wrdreg s6  }
0x40: {  	[spmem:s6], [sflag:s20] =	dma.local [hbm:s22], $0x2800  }
0x41: {  	_ =	swait.ge [sflag:s28], $0x2800  }
0x42: {  	[sflag:s28] =	ssyncset.done $0x0  }
0x43: {  	[sflag:s28] =	ssyncadd.s32 $0xFFFFD800  }
0x44: {  	[bflag:$0x0] =	sbarrier.arrive $0xFFFF  }
0x45: {  	s23 =	rddreg [dreg:$0x6]  }
0x46: {  	[tilespmem:s3], [sflag:$0x1] =	stream.linear.gather [hbm4b:s23+s3], $0x50, $0x38;
	[tilespmem:$0x1E400] =	vst v63  }
0x47: {  	s20 =	rddreg [dreg:$0x7]  }
0x48: {  	[tilespmem:s29], [sflag:$0x5] =	stream.linear.gather [hbm4b:s20+s3], $0x50, $0x38;
	[tilespmem:$0x1E400] =	vst v63  }
0x49: {  	s21 =	rddreg [dreg:$0x8];
	s20 =	simm.s32 $0x80  }
0x4a: {  	[tilespmem:s20], [sflag:$0x2] =	stream.linear.gather [hbm4b:s21+s3], $0x50, $0x38;
	[tilespmem:$0x1E400] =	vst v63  }
0x4b: {  	s22 =	rddreg [dreg:$0x9];
	s23 =	simm.s32 $0x280  }
0x4c: {  	[tilespmem:s23], [sflag:$0x6] =	stream.linear.gather [hbm4b:s22+s3], $0x50, $0x38;
	[tilespmem:$0x1E400] =	vst v63  }
0x4d: {  	s22 =	rddreg [dreg:$0xa];
	s23 =	simm.s32 $0x100  }
0x4e: {  	[tilespmem:s23], [sflag:$0x3] =	stream.linear.gather [hbm4b:s22+s3], $0x50, $0x38;
	[tilespmem:$0x1E400] =	vst v63  }
0x4f: {  	s22 =	rddreg [dreg:$0xb];
	s23 =	simm.s32 $0x300  }
0x50: {  	[tilespmem:s23], [sflag:$0x7] =	stream.linear.gather [hbm4b:s22+s3], $0x50, $0x38;
	[tilespmem:$0x1E400] =	vst v63  }
0x51: {  	s22 =	rddreg [dreg:$0xc]  }
0x52: {  	[tilespmem:s7], [sflag:$0x4] =	stream.linear.gather [hbm4b:s22+s3], $0x50, $0x38;
	[tilespmem:$0x1E400] =	vst v63  }
0x53: {  	s23 =	rddreg [dreg:$0xd]  }
0x54: {  	[tilespmem:s8], [sflag:$0x8] =	stream.linear.gather [hbm4b:s23+s3], $0x50, $0x38;
	[tilespmem:$0x1E400] =	vst v63  }
0x55: {  	_ =	swait.ge [sflag:s10], $0x50  }
0x56: {  	[sflag:s10] =	ssyncset.done $0x0  }
0x57: {  	[sflag:s10] =	ssyncadd.s32 $0xFFFFFFB0  }
0x58: {  	[tilespmem:s12], [sflag:$0x9] =	stream.indirect.gather [hbm4b:s4+s11], $0x80, s3, s11, $0xb8;
	[tilespmem:$0x1E400] =	vst v63  }
0x59: {  	_ =	swait.ge [sflag:s13], $0x50  }
0x5a: {  	[sflag:s13] =	ssyncset.done $0x0  }
0x5b: {  	[sflag:s13] =	ssyncadd.s32 $0xFFFFFFB0  }
0x5c: {  	[tilespmem:s14], [sflag:$0xA] =	stream.indirect.gather [hbm4b:s4+s11], $0x80, s20, s11, $0xb8;
	[tilespmem:$0x1E400] =	vst v63  }
0x5d: {  	s6 =	rddreg [dreg:$0x16];
	s20 =	simm.s32 $0x0  }
.LBB2_2:
0x5e: {  	_ =	swait.ge [sflag:s15], $0x2800  }
0x5f: {  	[sflag:s15] =	ssyncset.done $0x0  }
0x60: {  	[sflag:s15] =	ssyncadd.s32 $0xFFFFD800  }
0x61: {  	_ =	swait.ge [sflag:s16], $0x50  }
0x62: {  	[sflag:s16] =	ssyncset.done $0x0  }
0x63: {  	[sflag:s16] =	ssyncadd.s32 $0xFFFFFFB0  }
0x64: {  	[spmem:s2] =	stream.indirect.scatter.add.f32 [tilespmem:s12], [sflag:$0xD], $0x80, s29, s11, $0xb8;
	[tilespmem:$0x1E400] =	vst v63  }
0x65: {  	_ =	swait.ge [sflag:s28], $0x2800  }
0x66: {  	s21 =	sshrl.u32 s6, $0x3;
	[sflag:s28] =	ssyncset.done $0x0  }
0x67: {  	s22 =	sadd.s32 s24, s21;
	[sflag:s28] =	ssyncadd.s32 $0xFFFFD800  }
0x68: {  	[tilespmem:s3], [sflag:$0x1] =	stream.linear.gather [hbm4b:s22+s3], $0x50, $0x38;
	[tilespmem:$0x1E400] =	vst v63  }
0x69: {  	s21 =	sadd.s32 s25, s21  }
0x6a: {  	[tilespmem:s29], [sflag:$0x5] =	stream.linear.gather [hbm4b:s21+s3], $0x50, $0x38;
	[tilespmem:$0x1E400] =	vst v63  }
0x6b: {  	_ =	swait.ge [sflag:s17], $0x50  }
0x6c: {  	[sflag:s17] =	ssyncset.done $0x0  }
0x6d: {  	s23 =	simm.s32 $0x100;
	[sflag:s17] =	ssyncadd.s32 $0xFFFFFFB0  }
0x6e: {  	[tilespmem:s18], [sflag:$0xB] =	stream.indirect.gather [hbm4b:s4+s11], $0x80, s23, s11, $0xb8;
	[tilespmem:$0x1E400] =	vst v63  }
0x6f: {  	_ =	swait.ge [sflag:s19], $0x2800  }
0x70: {  	[sflag:s19] =	ssyncset.done $0x0  }
0x71: {  	[sflag:s19] =	ssyncadd.s32 $0xFFFFD800  }
0x72: {  	_ =	swait.ge [sflag:s26], $0x50  }
0x73: {  	[sflag:s26] =	ssyncset.done $0x0  }
0x74: {  	s22 =	simm.s32 $0x280;
	[sflag:s26] =	ssyncadd.s32 $0xFFFFFFB0  }
0x75: {  	[spmem:s2] =	stream.indirect.scatter.add.f32 [tilespmem:s14], [sflag:$0xD], $0x80, s22, s11, $0xb8;
	[tilespmem:$0x1E400] =	vst v63  }
0x76: {  	p0 =	seq.s32 s20, $0x4B0;
	_ =	swait.ge [sflag:s28], $0x2800  }
0x77: {  	s23 =	simm.s32 @!p0 $0x80;
	[sflag:s28] =	ssyncset.done $0x0;
	s21 =	rddreg [dreg:$0x15]  }
0x78: {  	s22 =	simm.s32 @!p0 $0x0;
	[sflag:s28] =	ssyncadd.s32 $0xFFFFD800;
	s21 =	sadd.s32 @!p0 s20, s21  }
0x79: {  	[tilespmem:s23], [sflag:$0x2] =	stream.linear.gather @!p0 [hbm4b:s21+s22], $0x50, $0x38;
	[tilespmem:$0x1E400] =	vst v63  }
0x7a: {  	s21 =	rddreg [dreg:$0x14]  }
0x7b: {  	s23 =	simm.s32 @!p0 $0x280;
	s21 =	sadd.s32 @!p0 s20, s21  }
0x7c: {  	[tilespmem:s23], [sflag:$0x6] =	stream.linear.gather @!p0 [hbm4b:s21+s22], $0x50, $0x38;
	[tilespmem:$0x1E400] =	vst v63  }
0x7d: {  	_ =	swait.ge [sflag:s9], $0x50  }
0x7e: {  	[sflag:s9] =	ssyncset.done $0x0  }
0x7f: {  	[sflag:s9] =	ssyncadd.s32 $0xFFFFFFB0  }
0x80: {  	[tilespmem:s30], [sflag:$0xC] =	stream.indirect.gather [hbm4b:s4+s11], $0x80, s7, s11, $0xb8;
	[tilespmem:$0x1E400] =	vst v63  }
0x81: {  	_ =	swait.ge [sflag:s31], $0x2800  }
0x82: {  	[sflag:s31] =	ssyncset.done $0x0  }
0x83: {  	[sflag:s31] =	ssyncadd.s32 $0xFFFFD800  }
0x84: {  	_ =	swait.ge [sflag:s0], $0x50  }
0x85: {  	[sflag:s0] =	ssyncset.done $0x0  }
0x86: {  	s23 =	simm.s32 $0x300;
	[sflag:s0] =	ssyncadd.s32 $0xFFFFFFB0  }
0x87: {  	[spmem:s2] =	stream.indirect.scatter.add.f32 [tilespmem:s18], [sflag:$0xD], $0x80, s23, s11, $0xb8;
	[tilespmem:$0x1E400] =	vst v63  }
0x88: {  	_ =	swait.ge [sflag:s28], $0x2800  }
0x89: {  	[sflag:s28] =	ssyncset.done $0x0;
	s21 =	rddreg [dreg:$0x13]  }
0x8a: {  	s23 =	simm.s32 @!p0 $0x100;
	[sflag:s28] =	ssyncadd.s32 $0xFFFFD800;
	s21 =	sadd.s32 @!p0 s20, s21  }
0x8b: {  	[tilespmem:s23], [sflag:$0x3] =	stream.linear.gather @!p0 [hbm4b:s21+s22], $0x50, $0x38;
	[tilespmem:$0x1E400] =	vst v63  }
0x8c: {  	s21 =	rddreg [dreg:$0x12]  }
0x8d: {  	s23 =	simm.s32 @!p0 $0x300;
	s21 =	sadd.s32 @!p0 s20, s21  }
0x8e: {  	[tilespmem:s23], [sflag:$0x7] =	stream.linear.gather @!p0 [hbm4b:s21+s22], $0x50, $0x38;
	[tilespmem:$0x1E400] =	vst v63  }
0x8f: {  	_ =	swait.ge [sflag:s10], $0x50  }
0x90: {  	[sflag:s10] =	ssyncset.done $0x0  }
0x91: {  	[sflag:s10] =	ssyncadd.s32 $0xFFFFFFB0  }
0x92: {  	[tilespmem:s12], [sflag:$0x9] =	stream.indirect.gather [hbm4b:s4+s11], $0x80, s3, s11, $0xb8;
	[tilespmem:$0x1E400] =	vst v63  }
0x93: {  	_ =	swait.ge [sflag:s1], $0x2800  }
0x94: {  	[sflag:s1] =	ssyncset.done $0x0  }
0x95: {  	[sflag:s1] =	ssyncadd.s32 $0xFFFFD800  }
0x96: {  	_ =	swait.ge [sflag:s5], $0x50  }
0x97: {  	[sflag:s5] =	ssyncset.done $0x0  }
.Ltmp2:
0x98: {  	[sflag:s5] =	ssyncadd.s32 $0xFFFFFFB0;
	(pc) =	sbr.rel @p0 .LBB2_4-.Ltmp2, $4  }
0x99: {  	[spmem:s2] =	stream.indirect.scatter.add.f32 [tilespmem:s30], [sflag:$0xD], $0x80, s8, s11, $0xb8;
	[tilespmem:$0x1E400] =	vst v63  }
0x9a: {  	_ =	swait.ge [sflag:s28], $0x2800  }
0x9b: {  	[sflag:s28] =	ssyncset.done $0x0  }
0x9c: {  	[sflag:s28] =	ssyncadd.s32 $0xFFFFD800  }
0x9d: {  	s21 =	rddreg [dreg:$0x11]  }
0x9e: {  	s22 =	rddreg [dreg:$0x10];
	s21 =	sadd.s32 s20, s21  }
0x9f: {  	[tilespmem:s7], [sflag:$0x4] =	stream.linear.gather [hbm4b:s21+s3], $0x50, $0x38;
	[tilespmem:$0x1E400] =	vst v63  }
0xa0: {  	s21 =	sadd.s32 s20, s22  }
0xa1: {  	[tilespmem:s8], [sflag:$0x8] =	stream.linear.gather [hbm4b:s21+s3], $0x50, $0x38;
	[tilespmem:$0x1E400] =	vst v63  }
.Ltmp3:
0xa2: {  	_ = 	snop;
	(pc) =	sbr.rel .LBB2_2-.Ltmp3, $4  }
0xa3: {  	_ =	swait.ge [sflag:s13], $0x50  }
0xa4: {  	s23 =	simm.s32 $0x80;
	[sflag:s13] =	ssyncset.done $0x0  }
0xa5: {  	s6 =	sadd.s32 $0x140, s6;
	s20 =	sadd.s32 $0x28, s20;
	[sflag:s13] =	ssyncadd.s32 $0xFFFFFFB0  }
0xa6: {  	[tilespmem:s14], [sflag:$0xA] =	stream.indirect.gather [hbm4b:s4+s11], $0x80, s23, s11, $0xb8;
	[tilespmem:$0x1E400] =	vst v63  }
.LBB2_5:
0xa7: {  	_ =	sfence.sel $0x180000  }
0xa8: {  	[bflag:$0x0] =	sbarrier.arrive $0xFFFF  }
0xa9: {  	_ =	strace $0x9000004D  }
0xaa: {  	s0 =	stileid.u32;
	[bflag:$0x2] =	sbarrier.arrive $0xFFFF  }
0xab: {  	p0 =	sne.s32 s0, $0x0;
	s0 =	rddreg [dreg:$0x2]  }
0xac: {  	s0 =	sadd.s32 @!p0 $0x100000, s0  }
0xad: {  	[sflag:s0] =	ssyncadd.tile.s32 @!p0 $0x1;
	_ =	shalt  }
.Lfunc_end2:
_tile_overlayer_lowered:
.L_overlay_start_2:
0xae: {  	(tag) =	ssettag $0x2  }
0xaf: {  	s0 =	rddreg [dreg:$0x0];
	s2 =	stileid.u32  }
0xb0: {  	s1 =	rddreg [dreg:$0x1];
	p0 =	sne.s32 s2, $0x0  }
0xb1: {  	s3 =	rddreg [dreg:$0x2];
	[bflag:$0x3] =	sbarrier.arrive $0xFFFF;
	s2 =	simm.s32 @!p0 $0x1C0D  }
0xb2: {  	[timem:s3], [sflag:s2] =	dma.local @!p0 [hbm:s0], s1  }
0xb3: {  	s0 =	simm.s32 @!p0 $0xD  }
0xb4: {  	_ =	swait.ge @!p0 [sflag:s0], s1  }
0xb5: {  	s1 =	ssub.s32 @!p0 $0x0, s1;
	[sflag:s0] =	ssyncset.done @!p0 $0x0  }
0xb6: {  	[sflag:s0] =	ssyncadd.s32 @!p0 s1  }
0xb7: {  	[bflag:$0x3] =	sbarrier.arrive $0xFFFF  }
0xb8: {  	_ =	shalt  }

// kernel: kernel.9.cloned.1.call-start
scs
__scs_entry_jumppad:
0x0: {  	(pc) =	sbr.rel $0x88, $3  }
0x1: {  	(tag) =	ssettag $0x0;
	lr =	simm.s32 $0x1  }
0x2: {  	[smem:$0x3F93] =	sst lr;
	_ =	strace $0xD0000000  }
0x3: {  	_ = 	snop  }
0x4: {  	_ = 	snop  }
0x5: {  	_ = 	snop  }
0x6: {  	_ = 	snop  }
0x7: {  	_ = 	snop  }
__scs_overlays_trampoline_lowered:
0x8: {  	[smem:$0x3FA2] =	sst s0  }
0x9: {  	[smem:$0x3FA3] =	sst s1  }
0xa: {  	[smem:$0x3FA4] =	sst s2  }
0xb: {  	[smem:$0x3FA5] =	sst s3  }
0xc: {  	[smem:$0x3FA6] =	sst s4  }
0xd: {  	[smem:$0x3FA7] =	sst s5  }
0xe: {  	[smem:$0x3FA8] =	sst s6  }
0xf: {  	[smem:$0x3FA9] =	sst s7  }
0x10: {  	[smem:$0x3FAA] =	sst s8  }
0x11: {  	[smem:$0x3FAB] =	sst s9;
	s0 =	simm.s32 @!p0 $0x0  }
0x12: {  	s1 =	sld [smem:$0x3F91];
	s0 =	simm.s32 @p0 $0x1  }
0x13: {  	[smem:$0x3FAC] =	sst s0;
	s0 =	simm.s32 @!p1 $0x0  }
0x14: {  	s2 =	sld [smem:$0x3F90];
	s0 =	simm.s32 @p1 $0x1  }
0x15: {  	[smem:$0x3FAD] =	sst s0;
	s0 =	simm.s32 @!p2 $0x0  }
0x16: {  	s3 =	sld [smem:$0x3FDB];
	s0 =	simm.s32 @p2 $0x1  }
0x17: {  	s4 =	simm.s32 $0x1BF5;
	[smem:$0x3FAF] =	sst s0  }
0x18: {  	s0 =	sld [smem:$0x3F92];
	_ =	swait.ge [sflag:s4], $0x0  }
0x19: {  	s7 =	sld [smem:$0x3F93]  }
0x1a: {  	s8 =	sadd.s32 $0xFFFFE003, lr  }
0x1b: {  	s9 =	sadd.s32 $0xFFFFFEF7, lr;
	s5 =	simm.s32 $0xFFFFFFFF;
	p2 =	slt.u32 s8, $0xFFFFF086  }
0x1c: {  	p1 =	slt.u32 s9, $0xF7A;
	s5 =	simm.s32 @!p2 $0x0  }
0x1d: {  	s5 =	simm.s32 @p1 $0x1;
	p0 =	seq.s32 s7, s2  }
0x1e: {  	s7 =	smul.u32 @!p0 $0xF7A, s2;
	p2 =	seq.s32 @!p0 s5, $0x0  }
0x1f: {  	s9 =	smul.u32 $0xF7A, s1;
	s8 =	simm.s32 @!p0 $0x1BF5;
	p2 =	por !p2, p0  }
0x20: {  	[sflag:s8] =	ssyncset.s32 @!p0 $0xFFFFF086;
	s6 =	sadd.s32 @!p0 s3, s7;
	s7 =	simm.s32 @!p0 $0x108  }
0x21: {  	s3 =	sadd.s32 s3, s9;
	s6 =	sadd.s32 @!p0 $0x88, s6;
	s7 =	simm.s32 @p2 $0x1082  }
0x22: {  	[simem:s7], [sflag:s8] =	dma.local @!p0 [hbm:s6], $0xF7A  }
0x23: {  	s9 =	sor.u32 $0xD0000000, s2;
	s6 =	simm.s32 $0x108;
	_ =	swait.ge @!p0 [sflag:s8], $0x0  }
0x24: {  	s3 =	sadd.s32 $0x88, s3;
	s6 =	simm.s32 @!p1 $0x1082;
	[sflag:s4] =	ssyncset.s32 $0xFFFFF086  }
0x25: {  	[simem:s6], [sflag:s4] =	dma.local [hbm:s3], $0xF7A  }
0x26: {  	[smem:$0x3F93] =	sst s1;
	(tag) =	ssettag s2;
	_ =	strace s9  }
0x27: {  	s1 =	sld [smem:$0x3FA3]  }
0x28: {  	s2 =	sld [smem:$0x3FA4]  }
0x29: {  	s4 =	sld [smem:$0x3FA6]  }
0x2a: {  	p0 =	seq.s32 s5, $0x0;
	s5 =	sld [smem:$0x3FA7]  }
0x2b: {  	s6 =	sld [smem:$0x3FA8]  }
0x2c: {  	s7 =	sld [smem:$0x3FA9]  }
0x2d: {  	s3 =	simm.s32 $0x108;
	s8 =	sld [smem:$0x3FAA]  }
0x2e: {  	s3 =	simm.s32 @!p0 $0x1082;
	s9 =	sld [smem:$0x3FAB]  }
0x2f: {  	lr =	sadd.s32 s0, s3;
	s0 =	sld [smem:$0x3FA2]  }
0x30: {  	s3 =	sld [smem:$0x3FA5]  }
0x31: {  	[smem:$0x3FAE] =	sst s10  }
0x32: {  	s10 =	sld [smem:$0x3FAC];
	_ =	sdelay $0x3  }
0x33: {  	p0 =	seq.s32 s10, $0x1;
	s10 =	sld [smem:$0x3FAE];
	_ =	sdelay $0x3  }
0x34: {  	[smem:$0x3FAE] =	sst s10  }
0x35: {  	s10 =	sld [smem:$0x3FAD];
	_ =	sdelay $0x3  }
0x36: {  	p1 =	seq.s32 s10, $0x1;
	s10 =	sld [smem:$0x3FAE];
	_ =	sdelay $0x3  }
0x37: {  	[smem:$0x3FAE] =	sst s10  }
0x38: {  	s10 =	sld [smem:$0x3FAF]  }
0x39: {  	_ = 	snop;
	(pc) =	sbr.ind lr, $3  }
0x3a: {  	_ = 	snop  }
0x3b: {  	_ = 	snop  }
0x3c: {  	p2 =	seq.s32 s10, $0x1;
	s10 =	sld [smem:$0x3FAE]  }
0x3d: {  	_ =	shalt  }
0x3e: {  	_ =	shalt  }
0x3f: {  	_ =	shalt  }
0x40: {  	_ =	shalt  }
0x41: {  	_ =	shalt  }
0x42: {  	_ =	shalt  }
0x43: {  	_ =	shalt  }
0x44: {  	_ =	shalt  }
0x45: {  	_ =	shalt  }
0x46: {  	_ =	shalt  }
0x47: {  	_ =	shalt  }
0x48: {  	_ =	shalt  }
0x49: {  	_ =	shalt  }
0x4a: {  	_ =	shalt  }
0x4b: {  	_ =	shalt  }
0x4c: {  	_ =	shalt  }
0x4d: {  	_ =	shalt  }
0x4e: {  	_ =	shalt  }
0x4f: {  	_ =	shalt  }
0x50: {  	_ =	shalt  }
0x51: {  	_ =	shalt  }
0x52: {  	_ =	shalt  }
0x53: {  	_ =	shalt  }
0x54: {  	_ =	shalt  }
0x55: {  	_ =	shalt  }
0x56: {  	_ =	shalt  }
0x57: {  	_ =	shalt  }
0x58: {  	_ =	shalt  }
0x59: {  	_ =	shalt  }
0x5a: {  	_ =	shalt  }
0x5b: {  	_ =	shalt  }
0x5c: {  	_ =	shalt  }
0x5d: {  	_ =	shalt  }
0x5e: {  	_ =	shalt  }
0x5f: {  	_ =	shalt  }
0x60: {  	_ =	shalt  }
0x61: {  	_ =	shalt  }
0x62: {  	_ =	shalt  }
0x63: {  	_ =	shalt  }
0x64: {  	_ =	shalt  }
0x65: {  	_ =	shalt  }
0x66: {  	_ =	shalt  }
0x67: {  	_ =	shalt  }
0x68: {  	_ =	shalt  }
0x69: {  	_ =	shalt  }
0x6a: {  	_ =	shalt  }
0x6b: {  	_ =	shalt  }
0x6c: {  	_ =	shalt  }
0x6d: {  	_ =	shalt  }
0x6e: {  	_ =	shalt  }
0x6f: {  	_ =	shalt  }
0x70: {  	_ =	shalt  }
0x71: {  	_ =	shalt  }
0x72: {  	_ =	shalt  }
0x73: {  	_ =	shalt  }
0x74: {  	_ =	shalt  }
0x75: {  	_ =	shalt  }
0x76: {  	_ =	shalt  }
0x77: {  	_ =	shalt  }
0x78: {  	_ =	shalt  }
0x79: {  	_ =	shalt  }
0x7a: {  	_ =	shalt  }
0x7b: {  	_ =	shalt  }
0x7c: {  	_ =	shalt  }
0x7d: {  	_ =	shalt  }
0x7e: {  	_ =	shalt  }
0x7f: {  	_ =	shalt  }
0x80: {  	_ =	shalt  }
0x81: {  	_ =	shalt  }
0x82: {  	_ =	shalt  }
0x83: {  	_ =	shalt  }
0x84: {  	_ =	shalt  }
0x85: {  	_ =	shalt  }
0x86: {  	_ =	shalt  }
0x87: {  	_ =	shalt  }
.Lfunc_end0:
.L_simem_size_0:
called_computation_lowered:
.L_overlay_start_0:
0x88: {  	s2 =	sld [smem:$0x3FD9]  }
0x89: {  	s3 =	sld [smem:$0x3FFE];
	_ =	sdelay $0x1  }
0x8a: {  	s1 =	srdreg.scid  }
0x8b: {  	s0 =	sand.u32 $0x1, s1  }
0x8c: {  	s17 =	sshll.u32 s0, $0xA;
	s2 =	sadd.s32 s3, s2  }
0x8d: {  	s2 =	sadd.s32 s2, s17  }
0x8e: {  	[smem:$0x3FBA] =	sst s2  }
0x8f: {  	_ = 	snop  }
0x90: {  	s2 =	sld [smem:$0x3FD0];
	(tm) =	ssettm $0x1  }
0x91: {  	s18 =	sld [smem:$0x3FFB];
	_ =	sdelay $0x3  }
0x92: {  	_ =	strace s18  }
0x93: {  	s3 =	sld [smem:$0x3FFC];
	_ =	sdelay $0x3  }
0x94: {  	_ =	strace s3  }
0x95: {  	s3 =	sld [smem:$0x3FFD];
	_ =	sdelay $0x3  }
0x96: {  	_ =	strace s3  }
0x97: {  	_ =	strace $0x8FFFFFFF  }
0x98: {  	s19 =	sld [smem:$0x3FDB];
	_ =	sdelay $0x1  }
0x99: {  	s4 =	simm.s32 $_scs_section_size  }
0x9a: {  	s5 =	simm.s32 $_size__tile_overlayer_lowered;
	s6 =	simm.s32 $_tile_overlayer_lowered  }
0x9b: {  	s22 =	simm.s32 $0x1BFF;
	s21 =	sshll.u32 s6, $0x1;
	s3 =	sadd.s32 s4, s19  }
0x9c: {  	s7 =	simm.s32 $0x0;
	s20 =	sshll.u32 s5, $0x1;
	s5 =	sadd.s32 s21, s3  }
0x9d: {  	[timem:s7], [sflag:s22] =	dma.local [hbm:s5], s20  }
0x9e: {  	_ =	swait.ge [sflag:s22], s20  }
0x9f: {  	s4 =	ssub.s32 $0x0, s20;
	[sflag:s22] =	ssyncset.done $0x0  }
0xa0: {  	[sflag:s22] =	ssyncadd.s32 s4;
	_ =	sdelay $0x1  }
0xa1: {  	s23 =	simm.s32 $0x1B8B  }
0xa2: {  	_ =	swait.ge [sflag:s23], $0x1  }
0xa3: {  	[sflag:s23] =	ssyncset.done $0x0  }
0xa4: {  	s25 =	simm.s32 $0x1B8E;
	s24 =	sld [smem:$0x3FFE];
	[sflag:s23] =	ssyncadd.s32 $0xFFFFFFFF  }
0xa5: {  	s26 =	simm.s32 $execute0_lowered;
	[smem:$0x3FD2] =	sst s25  }
0xa6: {  	s5 =	sshll.u32 s26, $0x1;
	_ =	strace $0x80000046;
	[dreg:$0x1] =	wrdreg $0xFFFFFFFF  }
0xa7: {  	s28 =	simm.s32 $_size_execute0_lowered;
	s3 =	sadd.s32 s3, s5;
	[dreg:$0x0] =	wrdreg $0x0  }
0xa8: {  	s5 =	sshll.u32 s28, $0x1;
	[dreg:$0x2] =	wrdreg s3  }
0xa9: {  	[dreg:$0x3] =	wrdreg s5  }
0xaa: {  	[dreg:$0x4] =	wrdreg $0xC0  }
0xab: {  	_ =	task [dreg:s7], $0x5FFFF  }
0xac: {  	[dreg:$0x1] =	wrdreg $0xFFFFFFFF  }
0xad: {  	[dreg:$0x0] =	wrdreg $0x60  }
0xae: {  	[dreg:$0x2] =	wrdreg s2  }
0xaf: {  	[dreg:$0x3] =	wrdreg s24  }
0xb0: {  	[dreg:$0x4] =	wrdreg $0x41000  }
0xb1: {  	[dreg:$0x5] =	wrdreg $0x9  }
0xb2: {  	_ =	task.clear_ibuf [dreg:s7], $0x6FFFF;
	_ =	strace $0x90000046  }
0xb3: {  	s29 =	simm.s32 $0x9;
	_ =	strace $0x80000048  }
0xb4: {  	_ =	swait.ge [sflag:s29], $0x1  }
0xb5: {  	[sflag:s29] =	ssyncadd.s32 $0xFFFFFFFF  }
0xb6: {  	_ =	strace $0x90000048  }
0xb7: {  	_ =	sfence  }
0xb8: {  	s30 =	sld [smem:$0x0];
	_ =	sdelay $0x2  }
0xb9: {  	s31 =	sshll.u32 s1, $0xD;
	s1 =	sshrl.u32 s1, $0x2  }
0xba: {  	s3 =	sand.u32 $0x4000, s31;
	s1 =	sadd.s32 s1, s30  }
0xbb: {  	s0 =	sor.u32 s3, s0;
	s1 =	sshll.u32 s1, $0x11  }
0xbc: {  	s0 =	sor.u32 s1, s0  }
0xbd: {  	s0 =	sadd.s32 $0x8F2B, s0  }
0xbe: {  	[sflag:s0] =	ssyncadd.remote.s32 $0x1  }
0xbf: {  	_ =	sfence.sel $0xFFFF  }
0xc0: {  	[dreg:$0x0] =	wrdreg $0xFFFFFFFF;
	(pc) =	sbr.abs _section_cstart, $3  }
0xc1: {  	[dreg:$0x1] =	wrdreg $0xFFFFFFFF  }
0xc2: {  	_ =	task.clear_ibuf [dreg:s7], $0x2FFFF;
	_ =	strace $0x9FFFFFFF  }
0xc3: {  	(tm) =	ssettm $0x7FFFFFFF  }
tec
execute0_lowered:
.L_overlay_start_1:
0x0: {  	(tag) =	ssettag $0x1  }
0x1: {  	s2 =	rddreg [dreg:$0x0]  }
0x2: {  	s7 =	rddreg [dreg:$0x1]  }
0x3: {  	s3 =	rddreg [dreg:$0x2]  }
0x4: {  	s0 =	rddreg [dreg:$0x3]  }
0x5: {  	s1 =	stileid.u32;
	s4 =	simm.s32 $0x0;
	s5 =	srdreg.scid  }
0x6: {  	s15 =	simm.s32 $0x1;
	s16 =	simm.s32 $0x80;
	s17 =	simm.s32 $0x7D  }
0x7: {  	s18 =	simm.s32 $0x100;
	s19 =	simm.s32 $0x2;
	s20 =	simm.s32 $0x0  }
0x8: {  	s6 =	smul.u32 $0x14000, s1;
	[smem:$0x7FF] =	sst s4;
	s8 =	sand.u32 $0x1, s5  }
0x9: {  	s5 =	sadd.s32 $0x3E200, s7;
	s11 =	sshll.u32 s1, $0x1;
	s26 =	smul.u32 $0x50000, s1  }
0xa: {  	s13 =	sshll.u32 s1, $0x6;
	_ =	strace $0x80000047;
	s10 =	smul.u32 $0x140000, s8  }
0xb: {  	s11 =	sor.u32 s8, s11;
	s8 =	ssub.s32 $0x2, s8;
	s13 =	sor.u32 $0x1C03, s13  }
0xc: {  	s9 =	sshrl.u32 s6, $0x3;
	s29 =	sshrl.u32 s8, $0x1;
	s6 =	sadd.s32 s6, s10  }
0xd: {  	s10 =	sshrl.u32 s26, $0x2;
	s12 =	sshrl.u32 s6, $0x3;
	s6 =	smul.u32 $0x2800, s11  }
0xe: {  	s9 =	sadd.s32 s9, s7;
	s30 =	ssub.s32 s8, s29;
	s14 =	sadd.s32 s10, s3  }
0xf: {  	s10 =	smax.u32 s30, $0x1;
	s28 =	sadd.s32 s12, s7;
	s31 =	sshrl.u32 s6, $0x3  }
0x10: {  	s7 =	sadd.s32 $0x16200, s9;
	s12 =	simm.s32 $0x3;
	s8 =	sadd.s32 s2, s31  }
0x11: {  	s14 =	sshrl.u32 s14, $0x3;
	s9 =	sadd.s32 $0x3EA00, s28;
	s11 =	sadd.s32 $0x4F0, s8  }
.LBB2_1:
0x12: {  	[tilespmem:s18], [sflag:$0x3] =	stream.linear.gather [hbm4b:s5+s4], $0x3E80, $0x38;
	[tilespmem:$0x18100] =	vst v63  }
0x13: {  	_ =	swait.ge [sflag:s12], $0x3E80  }
0x14: {  	[sflag:s12] =	ssyncset.done $0x0  }
0x15: {  	[sflag:s12] =	ssyncadd.s32 $0xFFFFC180  }
0x16: {  	[spmem:s14], [sflag:s13] =	dma.local [hbm:s7], $0x2800  }
0x17: {  	s21 =	simm.s32 $0x0;
	_ =	swait.ge [sflag:s12], $0x2800  }
0x18: {  	s22 =	sand.u32 $0x3C00, s21;
	[sflag:s12] =	ssyncset.done $0x0  }
0x19: {  	s21 =	sand.u32 $0x300, s21;
	s22 =	sadd.s32 s6, s22;
	[sflag:s12] =	ssyncadd.s32 $0xFFFFD800  }
0x1a: {  	s21 =	sor.u32 s22, s21;
	[bflag:$0x0] =	sbarrier.arrive $0xFFFF  }
0x1b: {  	[tilespmem:s4], [sflag:$0x1] =	stream.linear.gather [hbm4b:s8+s4], $0x80, $0x38;
	[tilespmem:$0x18100] =	vst v63  }
0x1c: {  	s21 =	sor.u32 $0x80, s21;
	_ =	swait.ge [sflag:s15], $0x80  }
0x1d: {  	s21 =	sshrl.u32 s21, $0x3;
	[sflag:s15] =	ssyncset.done $0x0  }
0x1e: {  	s21 =	sadd.s32 s2, s21;
	[sflag:s15] =	ssyncadd.s32 $0xFFFFFF80  }
0x1f: {  	[tilespmem:s16], [sflag:$0x2] =	stream.linear.gather [hbm4b:s21+s4], $0x80, $0x38;
	[tilespmem:$0x18100] =	vst v63  }
0x20: {  	_ = 	snop  }
0x21: {  	[spmem:s3] =	stream.indirect.scatter.add.f32 [tilespmem:s18], [sflag:$0x3], $0x80, s4, s17, $0xb8;
	[tilespmem:$0x18100] =	vst v63  }
0x22: {  	_ =	swait.ge [sflag:s12], $0x3E80  }
0x23: {  	s29 =	sand.u32 $0x7C00, s18;
	[sflag:s12] =	ssyncset.done $0x0  }
0x24: {  	s30 =	sand.u32 $0x300, s18;
	s21 =	sadd.s32 s6, s29;
	[sflag:s12] =	ssyncadd.s32 $0xFFFFC180  }
0x25: {  	s21 =	sor.u32 s30, s21;
	_ =	swait.ge [sflag:s19], $0x80  }
0x26: {  	s21 =	sshrl.u32 s21, $0x3;
	[sflag:s19] =	ssyncset.done $0x0  }
0x27: {  	s21 =	sadd.s32 s2, s21;
	[sflag:s19] =	ssyncadd.s32 $0xFFFFFF80  }
0x28: {  	[tilespmem:s4], [sflag:$0x1] =	stream.linear.gather [hbm4b:s21+s4], $0x80, $0x38;
	[tilespmem:$0x18100] =	vst v63  }
0x29: {  	s31 =	simm.s32 $0x100  }
0x2a: {  	[spmem:s3] =	stream.indirect.scatter.add.f32 [tilespmem:s18], [sflag:$0x3], $0x80, s16, s17, $0xb8;
	[tilespmem:$0x18100] =	vst v63  }
0x2b: {  	s23 =	simm.s32 $0x300;
	s24 =	sand.u32 $0x3C00, s31;
	_ =	swait.ge [sflag:s12], $0x3E80  }
0x2c: {  	s22 =	sand.u32 $0x300, s31;
	s21 =	simm.s32 $0x200;
	[sflag:s12] =	ssyncset.done $0x0  }
.LBB2_2:
0x2d: {  	s24 =	sadd.s32 s6, s24  }
0x2e: {  	[sflag:s12] =	ssyncadd.s32 $0xFFFFC180;
	s25 =	smov.u32 s23;
	s26 =	sadd.s32 $0x100, s23  }
0x2f: {  	p0 =	sne.s32 s23, $0x2700;
	s22 =	sor.u32 s24, s22  }
0x30: {  	_ =	swait.ge [sflag:s15], $0x80;
	s22 =	sor.u32 $0x80, s22  }
0x31: {  	[sflag:s15] =	ssyncset.done $0x0;
	s22 =	sshrl.u32 s22, $0x3  }
0x32: {  	[sflag:s15] =	ssyncadd.s32 $0xFFFFFF80;
	s22 =	sadd.s32 s2, s22  }
0x33: {  	[tilespmem:s16], [sflag:$0x2] =	stream.linear.gather [hbm4b:s22+s4], $0x80, $0x38;
	[tilespmem:$0x18100] =	vst v63  }
0x34: {  	_ = 	snop  }
0x35: {  	[spmem:s3] =	stream.indirect.scatter.add.f32 [tilespmem:s18], [sflag:$0x3], $0x80, s4, s17, $0xb8;
	[tilespmem:$0x18100] =	vst v63  }
0x36: {  	_ =	swait.ge [sflag:s12], $0x3E80  }
0x37: {  	s22 =	sand.u32 $0x7C00, s21;
	[sflag:s12] =	ssyncset.done $0x0  }
0x38: {  	s21 =	sand.u32 $0x300, s21;
	s22 =	sadd.s32 s6, s22;
	[sflag:s12] =	ssyncadd.s32 $0xFFFFC180  }
0x39: {  	s22 =	sor.u32 s21, s22;
	s21 =	smov.u32 s25;
	_ =	swait.ge [sflag:s19], $0x80  }
0x3a: {  	s22 =	sshrl.u32 s22, $0x3;
	[sflag:s19] =	ssyncset.done $0x0  }
0x3b: {  	s22 =	sadd.s32 s2, s22;
	[sflag:s19] =	ssyncadd.s32 $0xFFFFFF80  }
0x3c: {  	[tilespmem:s4], [sflag:$0x1] =	stream.linear.gather [hbm4b:s22+s4], $0x80, $0x38;
	[tilespmem:$0x18100] =	vst v63  }
.Ltmp0:
0x3d: {  	_ = 	snop;
	(pc) =	sbr.rel @p0 .LBB2_2-.Ltmp0, $4  }
0x3e: {  	_ = 	snop  }
0x3f: {  	[spmem:s3] =	stream.indirect.scatter.add.f32 [tilespmem:s18], [sflag:$0x3], $0x80, s16, s17, $0xb8;
	[tilespmem:$0x18100] =	vst v63  }
0x40: {  	s23 =	smov.u32 s26;
	s22 =	sadd.s32 $0xFFFFFF00, s21;
	_ =	swait.ge [sflag:s12], $0x3E80  }
0x41: {  	s24 =	sand.u32 $0x3C00, s22;
	s22 =	sand.u32 $0x300, s22;
	[sflag:s12] =	ssyncset.done $0x0  }
0x42: {  	s23 =	sadd.s32 s6, s24  }
0x43: {  	[sflag:s12] =	ssyncadd.s32 $0xFFFFC180;
	s22 =	sor.u32 s23, s22  }
0x44: {  	_ =	swait.ge [sflag:s15], $0x80;
	s22 =	sor.u32 $0x80, s22  }
0x45: {  	[sflag:s15] =	ssyncset.done $0x0;
	s22 =	sshrl.u32 s22, $0x3  }
0x46: {  	[sflag:s15] =	ssyncadd.s32 $0xFFFFFF80;
	s22 =	sadd.s32 s2, s22  }
0x47: {  	[tilespmem:s16], [sflag:$0x2] =	stream.linear.gather [hbm4b:s22+s4], $0x80, $0x38;
	[tilespmem:$0x18100] =	vst v63  }
0x48: {  	_ = 	snop  }
0x49: {  	[spmem:s3] =	stream.indirect.scatter.add.f32 [tilespmem:s18], [sflag:$0x3], $0x80, s4, s17, $0xb8;
	[tilespmem:$0x18100] =	vst v63  }
0x4a: {  	_ =	swait.ge [sflag:s12], $0x3E80  }
0x4b: {  	s30 =	sand.u32 $0x7C00, s21;
	[sflag:s12] =	ssyncset.done $0x0  }
0x4c: {  	s31 =	sand.u32 $0x300, s21;
	s22 =	sadd.s32 s6, s30;
	[sflag:s12] =	ssyncadd.s32 $0xFFFFC180  }
0x4d: {  	s21 =	sor.u32 s31, s22;
	_ =	swait.ge [sflag:s19], $0x80  }
0x4e: {  	s21 =	sshrl.u32 s21, $0x3;
	[sflag:s19] =	ssyncset.done $0x0  }
0x4f: {  	s21 =	sadd.s32 s2, s21;
	[sflag:s19] =	ssyncadd.s32 $0xFFFFFF80  }
0x50: {  	[tilespmem:s4], [sflag:$0x1] =	stream.linear.gather [hbm4b:s21+s4], $0x80, $0x38;
	[tilespmem:$0x18100] =	vst v63  }
0x51: {  	_ = 	snop  }
0x52: {  	[spmem:s3] =	stream.indirect.scatter.add.f32 [tilespmem:s18], [sflag:$0x3], $0x80, s16, s17, $0xb8;
	[tilespmem:$0x18100] =	vst v63  }
0x53: {  	_ =	swait.ge [sflag:s12], $0x3E80  }
0x54: {  	[sflag:s12] =	ssyncset.done $0x0  }
0x55: {  	[sflag:s12] =	ssyncadd.s32 $0xFFFFC180  }
0x56: {  	_ =	swait.ge [sflag:s15], $0x80  }
0x57: {  	[sflag:s15] =	ssyncset.done $0x0  }
0x58: {  	[sflag:s15] =	ssyncadd.s32 $0xFFFFFF80  }
0x59: {  	[tilespmem:s16], [sflag:$0x2] =	stream.linear.gather [hbm4b:s11+s4], $0x80, $0x38;
	[tilespmem:$0x18100] =	vst v63  }
0x5a: {  	_ = 	snop  }
0x5b: {  	[spmem:s3] =	stream.indirect.scatter.add.f32 [tilespmem:s18], [sflag:$0x3], $0x80, s4, s17, $0xb8;
	[tilespmem:$0x18100] =	vst v63  }
0x5c: {  	_ =	swait.ge [sflag:s12], $0x3E80  }
0x5d: {  	[sflag:s12] =	ssyncset.done $0x0  }
0x5e: {  	[sflag:s12] =	ssyncadd.s32 $0xFFFFC180  }
0x5f: {  	_ =	swait.ge [sflag:s19], $0x80  }
0x60: {  	[sflag:s19] =	ssyncset.done $0x0  }
0x61: {  	[sflag:s19] =	ssyncadd.s32 $0xFFFFFF80  }
0x62: {  	[spmem:s3] =	stream.indirect.scatter.add.f32 [tilespmem:s18], [sflag:$0x3], $0x80, s16, s17, $0xb8;
	[tilespmem:$0x18100] =	vst v63  }
0x63: {  	_ =	swait.ge [sflag:s12], $0x3E80  }
0x64: {  	s20 =	sadd.s32 $0x1, s20;
	[sflag:s12] =	ssyncset.done $0x0  }
0x65: {  	p0 =	sne.s32 s20, s10;
	[sflag:s12] =	ssyncadd.s32 $0xFFFFC180  }
.Ltmp1:
0x66: {  	[bflag:$0x0] =	sbarrier.arrive $0xFFFF;
	(pc) =	sbr.rel @p0 .LBB2_1-.Ltmp1, $4  }
0x67: {  	[hbm:s9], [sflag:s13] =	dma.local [spmem:s14], $0x2800  }
0x68: {  	_ =	swait.ge [sflag:s12], $0x2800  }
0x69: {  	[sflag:s12] =	ssyncset.done $0x0  }
0x6a: {  	[sflag:s12] =	ssyncadd.s32 $0xFFFFD800  }
0x6b: {  	_ =	sfence.sel $0x180000  }
0x6c: {  	[bflag:$0x0] =	sbarrier.arrive $0xFFFF  }
0x6d: {  	p0 =	sne.s32 s1, $0x0;
	_ =	strace $0x90000047  }
0x6e: {  	s0 =	sadd.s32 @!p0 $0x100000, s0;
	[bflag:$0x2] =	sbarrier.arrive $0xFFFF  }
0x6f: {  	[sflag:s0] =	ssyncadd.tile.s32 @!p0 $0x1;
	_ =	shalt  }
.Lfunc_end2:
_tile_overlayer_lowered:
.L_overlay_start_2:
0x70: {  	(tag) =	ssettag $0x2  }
0x71: {  	s0 =	rddreg [dreg:$0x0];
	s2 =	stileid.u32  }
0x72: {  	s1 =	rddreg [dreg:$0x1];
	p0 =	sne.s32 s2, $0x0  }
0x73: {  	s3 =	rddreg [dreg:$0x2];
	[bflag:$0x3] =	sbarrier.arrive $0xFFFF;
	s2 =	simm.s32 @!p0 $0x1C03  }
0x74: {  	[timem:s3], [sflag:s2] =	dma.local @!p0 [hbm:s0], s1  }
0x75: {  	s0 =	simm.s32 @!p0 $0x3  }
0x76: {  	_ =	swait.ge @!p0 [sflag:s0], s1  }
0x77: {  	s1 =	ssub.s32 @!p0 $0x0, s1;
	[sflag:s0] =	ssyncset.done @!p0 $0x0  }
0x78: {  	[sflag:s0] =	ssyncadd.s32 @!p0 s1  }
0x79: {  	[bflag:$0x3] =	sbarrier.arrive $0xFFFF  }
0x7a: {  	_ =	shalt  }

</sc_bundles>
